<compile_context>
chip_gen: v7x
topology: tpu7x:2x2x1
jax: 0.10.2.dev20260603
libtpu: 0.0.44.dev20260713+nightly
codegen_flags: <defaults>
</compile_context>

<pallas_src>
import functools

import jax
import jax.numpy as jnp
from jax import lax
from jax.experimental import pallas as pl
from jax.experimental.pallas import tpu as pltpu
from jax.experimental.pallas import tpu_sc as plsc

N = 10000
NPAD = 10240
E = 320000
D = 128
P = 4096
NC = 2
NS = 16
NW = NC * NS
C = 112
CPW = 90
NSLOT = 3
NCHUNKP = NW * CPW
EPAD = NCHUNKP * C
DEGW = 16
RPS = NPAD // NS
PPW = P // NW
BN = 640

_MESH = plsc.VectorSubcoreMesh(core_axis_name="c", subcore_axis_name="s")


def _make_sc_agg():
    out_type = jax.ShapeDtypeStruct((NC, NPAD, D), jnp.float32)
    scratch = tuple(
        [pltpu.VMEM((C,), jnp.int32) for _ in range(2 * NSLOT)]
        + [pltpu.VMEM((C, D), jnp.float32) for _ in range(NSLOT)]
        + [pltpu.VMEM_SHARED((NPAD, D), jnp.float32)]
        + [pltpu.SemaphoreType.DMA for _ in range(NSLOT)]
    )

    def body(x_hbm, src_hbm, dst_hbm, acc_out, *rest):
        idx_refs = rest[:2 * NSLOT]
        rows_refs = rest[2 * NSLOT:3 * NSLOT]
        acc_sh = rest[3 * NSLOT]
        sems = rest[3 * NSLOT + 1:]
        slots = tuple(
            (idx_refs[2 * b], idx_refs[2 * b + 1], rows_refs[b], sems[b])
            for b in range(NSLOT))
        cid = lax.axis_index("c")
        sid = lax.axis_index("s")
        wid = sid * NC + cid
        z = jnp.zeros((16,), jnp.float32)
        rows0_v = rows_refs[0]

        def zero_rows(r, carry):
            for j in range(D // 16):
                rows0_v[r, pl.ds(j * 16, 16)] = z
            return carry

        lax.fori_loop(0, C, zero_rows, 0)
        left = RPS
        while left > 0:
            n = min(C, left)
            pltpu.sync_copy(rows0_v.at[pl.ds(0, n)],
                            acc_sh.at[pl.ds(sid * RPS + (RPS - left), n)])
            left -= n

        def load_idx(c, src_b, dst_b):
            e0 = (wid * CPW + c) * C
            pltpu.sync_copy(src_hbm.at[pl.ds(e0, C)], src_b)
            pltpu.sync_copy(dst_hbm.at[pl.ds(e0, C)], dst_b)

        plsc.subcore_barrier()

        for b in range(NSLOT):
            src_b, dst_b, rows_b, sem_b = slots[b]
            load_idx(b, src_b, dst_b)
            pltpu.async_copy(x_hbm.at[src_b], rows_b, sem_b)

        def gbody(g, carry):
            for b in range(NSLOT):
                c = NSLOT * g + b
                src_b, dst_b, rows_b, sem_b = slots[b]
                pltpu.make_async_copy(x_hbm.at[src_b], rows_b, sem_b).wait()
                pltpu.sync_copy(rows_b, acc_sh.at[dst_b], add=True)

                @pl.when(c + NSLOT < CPW)
                def _():
                    load_idx(c + NSLOT, src_b, dst_b)
                    pltpu.async_copy(x_hbm.at[src_b], rows_b, sem_b)
            return carry

        lax.fori_loop(0, CPW // NSLOT, gbody, 0)
        plsc.subcore_barrier()

        pltpu.sync_copy(acc_sh.at[pl.ds(sid * RPS, RPS)],
                        acc_out.at[cid, pl.ds(sid * RPS, RPS)])

    return pl.kernel(body, out_type=out_type, mesh=_MESH,
                     scratch_types=scratch)


_sc_agg = _make_sc_agg()


@functools.partial(
    pl.kernel,
    out_type=jax.ShapeDtypeStruct((NC, NPAD, D), jnp.float32),
    mesh=_MESH,
    scratch_types=(
        pltpu.VMEM((CPW * C,), jnp.int32),
        pltpu.VMEM((C,), jnp.int32),
        pltpu.VMEM((C, D), jnp.float32),
        pltpu.VMEM_SHARED((NPAD, D), jnp.float32),
    ),
)
def _sc_deg(dst_hbm, deg_out, dsts_v, dst_v, ones_v, acc_sh):
    cid = lax.axis_index("c")
    sid = lax.axis_index("s")
    wid = sid * NC + cid
    z = jnp.zeros((16,), jnp.float32)
    one = jnp.ones((16,), jnp.float32)

    def zero_rows(r, carry):
        for j in range(D // 16):
            ones_v[r, pl.ds(j * 16, 16)] = z
        return carry

    lax.fori_loop(0, C, zero_rows, 0)
    left = RPS
    while left > 0:
        n = min(C, left)
        pltpu.sync_copy(ones_v.at[pl.ds(0, n)],
                        acc_sh.at[pl.ds(sid * RPS + (RPS - left), n)])
        left -= n

    def fill_ones(r, carry):
        for j in range(D // 16):
            ones_v[r, pl.ds(j * 16, 16)] = one
        return carry

    lax.fori_loop(0, C, fill_ones, 0)
    pltpu.sync_copy(dst_hbm.at[pl.ds(wid * CPW * C, CPW * C)], dsts_v)
    plsc.subcore_barrier()

    def ebody(c, carry):
        for j in range(C // 16):
            dst_v[pl.ds(j * 16, 16)] = dsts_v[pl.ds(c * C + j * 16, 16)]
        pltpu.sync_copy(ones_v, acc_sh.at[dst_v], add=True)
        return carry

    lax.fori_loop(0, CPW, ebody, 0)
    plsc.subcore_barrier()

    pltpu.sync_copy(acc_sh.at[pl.ds(sid * RPS, RPS)],
                    deg_out.at[cid, pl.ds(sid * RPS, RPS)])


def _tc_layer1(pacc, pdeg, W, b):
    def body(pacc_ref, pdeg_ref, w_ref, b_ref, x_ref, inv_ref):
        a = pacc_ref[0] + pacc_ref[1]
        dg = pdeg_ref[0][:, 0:1] + pdeg_ref[1][:, 0:1]
        inv = 1.0 / jnp.maximum(dg, 1.0)
        y = jnp.dot(a * inv, w_ref[...], preferred_element_type=jnp.float32)
        x_ref[...] = jnp.maximum(y + b_ref[...], 0.0)
        inv_ref[...] = jnp.broadcast_to(inv, (BN, DEGW))

    return pl.pallas_call(
        body,
        grid=(NPAD // BN,),
        in_specs=[
            pl.BlockSpec((NC, BN, D), lambda i: (0, i, 0)),
            pl.BlockSpec((NC, BN, D), lambda i: (0, i, 0)),
            pl.BlockSpec((D, D), lambda i: (0, 0)),
            pl.BlockSpec((1, D), lambda i: (0, 0)),
        ],
        out_specs=[
            pl.BlockSpec((BN, D), lambda i: (i, 0)),
            pl.BlockSpec((BN, DEGW), lambda i: (i, 0)),
        ],
        out_shape=[
            jax.ShapeDtypeStruct((NPAD, D), jnp.float32),
            jax.ShapeDtypeStruct((NPAD, DEGW), jnp.float32),
        ],
    )(pacc, pdeg, W, b)


def _tc_layer2(pacc, inv, W, b):
    def body(pacc_ref, inv_ref, w_ref, b_ref, x_ref):
        a = pacc_ref[0] + pacc_ref[1]
        y = jnp.dot(a * inv_ref[:, 0:1], w_ref[...],
                    preferred_element_type=jnp.float32)
        x_ref[...] = jnp.maximum(y + b_ref[...], 0.0)

    return pl.pallas_call(
        body,
        grid=(NPAD // BN,),
        in_specs=[
            pl.BlockSpec((NC, BN, D), lambda i: (0, i, 0)),
            pl.BlockSpec((BN, DEGW), lambda i: (i, 0)),
            pl.BlockSpec((D, D), lambda i: (0, 0)),
            pl.BlockSpec((1, D), lambda i: (0, 0)),
        ],
        out_specs=pl.BlockSpec((BN, D), lambda i: (i, 0)),
        out_shape=jax.ShapeDtypeStruct((NPAD, D), jnp.float32),
    )(pacc, inv, W, b)


@functools.partial(
    pl.kernel,
    out_type=(jax.ShapeDtypeStruct((P, D), jnp.float32),
              jax.ShapeDtypeStruct((P, D), jnp.float32)),
    mesh=_MESH,
    scratch_types=(
        pltpu.VMEM((PPW,), jnp.int32),
        pltpu.VMEM((PPW,), jnp.int32),
        pltpu.VMEM((PPW, D), jnp.float32),
        pltpu.VMEM((PPW, D), jnp.float32),
        pltpu.SemaphoreType.DMA,
    ),
)
def _sc_gather_pairs(x_hbm, s_hbm, d_hbm, xs_out, xd_out, si_v, di_v,
                     xs_v, xd_v, sem):
    cid = lax.axis_index("c")
    sid = lax.axis_index("s")
    wid = sid * NC + cid
    base = wid * PPW
    pltpu.sync_copy(s_hbm.at[pl.ds(base, PPW)], si_v)
    pltpu.sync_copy(d_hbm.at[pl.ds(base, PPW)], di_v)
    pltpu.async_copy(x_hbm.at[si_v], xs_v, sem).wait()
    pltpu.async_copy(x_hbm.at[di_v], xd_v, sem).wait()
    pltpu.sync_copy(xs_v, xs_out.at[pl.ds(base, PPW)])
    pltpu.sync_copy(xd_v, xd_out.at[pl.ds(base, PPW)])


def _tc_dot(xs, xd):
    def body(xs_ref, xd_ref, o_ref):
        o_ref[...] = jnp.sum(xs_ref[...] * xd_ref[...], axis=1, keepdims=True)

    return pl.pallas_call(
        body,
        out_shape=jax.ShapeDtypeStruct((P, 1), jnp.float32),
    )(xs, xd)


def kernel(edge_index, pair_index, emb, W1, b1, W2, b2):
    src = edge_index[0].astype(jnp.int32)
    dst = edge_index[1].astype(jnp.int32)
    ps = pair_index[0].astype(jnp.int32)
    pd = pair_index[1].astype(jnp.int32)
    npadlen = EPAD - E
    pad_iota = jnp.arange(npadlen, dtype=jnp.int32)
    pad_dst = N + pad_iota % (NPAD - N)
    dst_p = jnp.concatenate([dst, pad_dst])
    src_p = jnp.concatenate([src, pad_iota % N])
    x0 = jnp.zeros((NPAD, D), jnp.float32).at[:N].set(emb)
    pdeg = _sc_deg(dst_p)
    pacc1 = _sc_agg(x0, src_p, dst_p)
    x1, inv = _tc_layer1(pacc1, pdeg, W1, b1.reshape(1, D))
    pacc2 = _sc_agg(x1, src_p, dst_p)
    x2 = _tc_layer2(pacc2, inv, W2, b2.reshape(1, D))
    xs, xd = _sc_gather_pairs(x2, ps, pd)
    return _tc_dot(xs, xd).reshape(P)

# --- scband reference (transcript-rebuilt; emitter-appended) ---
"""Pipeline reference for scband-dhn-lp-85933705658786 (READ-ONLY COPY).

The authoritative reference and input builder live on the scoring server;
editing this copy changes nothing except your own understanding.
"""

import jax, jax.numpy as jnp
import numpy as np

N = 10000
E = 320000
D = 128
P = 4096


def setup_inputs(seed: int = 0) -> dict:
    key = jax.random.key(seed)
    k1, k2, k3, k4, k5 = jax.random.split(key, 5)
    edge_index = jax.random.randint(k1, (2, E), 0, N)
    pair_index = jax.random.randint(k2, (2, P), 0, N)
    # nn.Embedding(num_nodes, in_dim) init: normal(mean=0, std=0.1)
    emb = 0.1 * jax.random.normal(k3, (N, D), dtype=jnp.float32)
    scale = 1.0 / np.sqrt(D)
    W1 = scale * jax.random.normal(k4, (D, D), dtype=jnp.float32)
    b1 = jnp.zeros((D,), dtype=jnp.float32)
    W2 = scale * jax.random.normal(k5, (D, D), dtype=jnp.float32)
    b2 = jnp.zeros((D,), dtype=jnp.float32)
    return {
        "edge_index": edge_index,
        "pair_index": pair_index,
        "emb": emb,
        "W1": W1,
        "b1": b1,
        "W2": W2,
        "b2": b2,
    }


def reference(edge_index, pair_index, emb, W1, b1, W2, b2):
    # Encoder: embedding lookup for all nodes (arange -> full table), then
    # a 2-layer DHN HomConv stack: mean-aggregate neighbor features over
    # incoming edges, linear transform, ReLU. agg=None / fc=Identity ->
    # per-node embeddings, no pooling, no head.
    src = edge_index[0]
    dst = edge_index[1]
    n = emb.shape[0]
    ones = jnp.ones((src.shape[0],), dtype=emb.dtype)
    deg = jax.ops.segment_sum(ones, dst, num_segments=n)
    deg = jnp.maximum(deg, 1.0)
    x = emb  # self.emb(arange(n))
    for W, b in ((W1, b1), (W2, b2)):
        msg = x[src]  # gather source-node features per edge
        agg = jax.ops.segment_sum(msg, dst, num_segments=n)  # scatter-add
        agg = agg / deg[:, None]  # mean aggregation
        x = jax.nn.relu(agg @ W + b)
    # Decoder: dot product of node-pair embeddings (link prediction)
    s = pair_index[0]
    d = pair_index[1]
    scores = jnp.sum(x[s] * x[d], axis=-1)
    return scores

if __name__ == "__main__":
    import jax
    _d = setup_inputs()
    print(jax.jit(kernel)(*tuple(_d.values())))

</pallas_src>

<mosaic_0001>
#map = affine_map<(d0, d1) -> (0, 0)>
#map1 = affine_map<(d0, d1) -> (0)>
module attributes {stable_mosaic.version = 14 : i64} {
  func.func @_sc_gather_pairs(%arg0: i32, %arg1: i32, %arg2: memref<10240x128xf32, #tpu.memory_space<hbm>>, %arg3: memref<4096xi32, #tpu.memory_space<hbm>>, %arg4: memref<4096xi32, #tpu.memory_space<hbm>>, %arg5: memref<4096x128xf32, #tpu.memory_space<hbm>>, %arg6: memref<4096x128xf32, #tpu.memory_space<hbm>>, %arg7: memref<128xi32, #tpu.memory_space<vmem>>, %arg8: memref<128xi32, #tpu.memory_space<vmem>>, %arg9: memref<128x128xf32, #tpu.memory_space<vmem>>, %arg10: memref<128x128xf32, #tpu.memory_space<vmem>>, %arg11: memref<!tpu.dma_semaphore, #tpu.memory_space<semaphore_mem>>) attributes {dimension_semantics = [#tpu.dimension_semantics<core_parallel>, #tpu.dimension_semantics<subcore_parallel>], iteration_bounds = array<i64: 2, 16>, scalar_prefetch = 0 : i64, scratch_operands = 5 : i64, tpu.core_type = #tpu.core_type<sc_vector_subcore>, window_params = [{transform_indices = #map}, {transform_indices = #map1}, {transform_indices = #map1}, {transform_indices = #map}, {transform_indices = #map}]} {
    %mul3A = arith.constant 2 : i32
    %mul3A_0 = arith.muli %arg1, %mul3A : i32
    %add3A = arith.addi %mul3A_0, %arg0 : i32
    %mul3A_1 = arith.constant 128 : i32
    %mul3A_2 = arith.muli %add3A, %mul3A_1 : i32
    "tpu.region"() ({
      %run_scoped3A = tpu.sem_alloc : memref<!tpu.dma_semaphore, #tpu.memory_space<semaphore_mem>>
      %dma_start3A_13 = tpu.memref_slice %arg3[%mul3A_2] : memref<4096xi32, #tpu.memory_space<hbm>> -> memref<128xi32, #tpu.memory_space<hbm>>
      %dma_start3A_14 = tpu.memref_slice %arg3[%mul3A_2] : memref<4096xi32, #tpu.memory_space<hbm>> -> memref<128xi32, #tpu.memory_space<hbm>>
      tpu.enqueue_dma source(%dma_start3A_14 : memref<128xi32, #tpu.memory_space<hbm>>) target(%arg7 : memref<128xi32, #tpu.memory_space<vmem>>) target_semaphore(%run_scoped3A : memref<!tpu.dma_semaphore, #tpu.memory_space<semaphore_mem>>)
      %dma_wait3A_15 = tpu.memref_slice %arg3[%mul3A_2] : memref<4096xi32, #tpu.memory_space<hbm>> -> memref<128xi32, #tpu.memory_space<hbm>>
      %dma_wait3A_16 = tpu.memref_slice %arg3[%mul3A_2] : memref<4096xi32, #tpu.memory_space<hbm>> -> memref<128xi32, #tpu.memory_space<hbm>>
      tpu.wait_dma2 semaphore(%run_scoped3A : memref<!tpu.dma_semaphore, #tpu.memory_space<semaphore_mem>>) src(%dma_wait3A_16 : memref<128xi32, #tpu.memory_space<hbm>>) dst(%arg7 : memref<128xi32, #tpu.memory_space<vmem>>)
      tpu.yield
    }) : () -> ()
    "tpu.region"() ({
      %run_scoped3A = tpu.sem_alloc : memref<!tpu.dma_semaphore, #tpu.memory_space<semaphore_mem>>
      %dma_start3A_13 = tpu.memref_slice %arg4[%mul3A_2] : memref<4096xi32, #tpu.memory_space<hbm>> -> memref<128xi32, #tpu.memory_space<hbm>>
      %dma_start3A_14 = tpu.memref_slice %arg4[%mul3A_2] : memref<4096xi32, #tpu.memory_space<hbm>> -> memref<128xi32, #tpu.memory_space<hbm>>
      tpu.enqueue_dma source(%dma_start3A_14 : memref<128xi32, #tpu.memory_space<hbm>>) target(%arg8 : memref<128xi32, #tpu.memory_space<vmem>>) target_semaphore(%run_scoped3A : memref<!tpu.dma_semaphore, #tpu.memory_space<semaphore_mem>>)
      %dma_wait3A_15 = tpu.memref_slice %arg4[%mul3A_2] : memref<4096xi32, #tpu.memory_space<hbm>> -> memref<128xi32, #tpu.memory_space<hbm>>
      %dma_wait3A_16 = tpu.memref_slice %arg4[%mul3A_2] : memref<4096xi32, #tpu.memory_space<hbm>> -> memref<128xi32, #tpu.memory_space<hbm>>
      tpu.wait_dma2 semaphore(%run_scoped3A : memref<!tpu.dma_semaphore, #tpu.memory_space<semaphore_mem>>) src(%dma_wait3A_16 : memref<128xi32, #tpu.memory_space<hbm>>) dst(%arg8 : memref<128xi32, #tpu.memory_space<vmem>>)
      tpu.yield
    }) : () -> ()
    %dma_start3A = arith.constant 0 : i32
    %dma_start3A_3 = arith.constant 0 : i32
    %dma_start3A_4 = tpu.memref_slice %arg2[%dma_start3A, %dma_start3A_3] : memref<10240x128xf32, #tpu.memory_space<hbm>> -> memref<10240x128xf32, #tpu.memory_space<hbm>>
    tpu.enqueue_indirect_dma source(%dma_start3A_4 : memref<10240x128xf32, #tpu.memory_space<hbm>>) target(%arg9 : memref<128x128xf32, #tpu.memory_space<vmem>>) offsets(%arg7 : memref<128xi32, #tpu.memory_space<vmem>>) semaphore(%arg11 : memref<!tpu.dma_semaphore, #tpu.memory_space<semaphore_mem>>)
    %dma_wait3A = arith.constant 0 : i32
    %dma_wait3A_5 = arith.constant 0 : i32
    %dma_wait3A_6 = tpu.memref_slice %arg2[%dma_wait3A, %dma_wait3A_5] : memref<10240x128xf32, #tpu.memory_space<hbm>> -> memref<10240x128xf32, #tpu.memory_space<hbm>>
    tpu.wait_indirect_dma semaphore(%arg11 : memref<!tpu.dma_semaphore, #tpu.memory_space<semaphore_mem>>) src(%dma_wait3A_6 : memref<10240x128xf32, #tpu.memory_space<hbm>>) dst(%arg9 : memref<128x128xf32, #tpu.memory_space<vmem>>)
    %dma_start3A_7 = arith.constant 0 : i32
    %dma_start3A_8 = arith.constant 0 : i32
    %dma_start3A_9 = tpu.memref_slice %arg2[%dma_start3A_7, %dma_start3A_8] : memref<10240x128xf32, #tpu.memory_space<hbm>> -> memref<10240x128xf32, #tpu.memory_space<hbm>>
    tpu.enqueue_indirect_dma source(%dma_start3A_9 : memref<10240x128xf32, #tpu.memory_space<hbm>>) target(%arg10 : memref<128x128xf32, #tpu.memory_space<vmem>>) offsets(%arg8 : memref<128xi32, #tpu.memory_space<vmem>>) semaphore(%arg11 : memref<!tpu.dma_semaphore, #tpu.memory_space<semaphore_mem>>)
    %dma_wait3A_10 = arith.constant 0 : i32
    %dma_wait3A_11 = arith.constant 0 : i32
    %dma_wait3A_12 = tpu.memref_slice %arg2[%dma_wait3A_10, %dma_wait3A_11] : memref<10240x128xf32, #tpu.memory_space<hbm>> -> memref<10240x128xf32, #tpu.memory_space<hbm>>
    tpu.wait_indirect_dma semaphore(%arg11 : memref<!tpu.dma_semaphore, #tpu.memory_space<semaphore_mem>>) src(%dma_wait3A_12 : memref<10240x128xf32, #tpu.memory_space<hbm>>) dst(%arg10 : memref<128x128xf32, #tpu.memory_space<vmem>>)
    "tpu.region"() ({
      %run_scoped3A = tpu.sem_alloc : memref<!tpu.dma_semaphore, #tpu.memory_space<semaphore_mem>>
      %dma_start3A_13 = arith.constant 0 : i32
      %dma_start3A_14 = tpu.memref_slice %arg5[%mul3A_2, %dma_start3A_13] : memref<4096x128xf32, #tpu.memory_space<hbm>> -> memref<128x128xf32, #tpu.memory_space<hbm>>
      %dma_start3A_15 = arith.constant 0 : i32
      %dma_start3A_16 = tpu.memref_slice %arg5[%mul3A_2, %dma_start3A_15] : memref<4096x128xf32, #tpu.memory_space<hbm>> -> memref<128x128xf32, #tpu.memory_space<hbm>>
      tpu.enqueue_dma source(%arg9 : memref<128x128xf32, #tpu.memory_space<vmem>>) target(%dma_start3A_16 : memref<128x128xf32, #tpu.memory_space<hbm>>) target_semaphore(%run_scoped3A : memref<!tpu.dma_semaphore, #tpu.memory_space<semaphore_mem>>)
      %dma_wait3A_17 = arith.constant 0 : i32
      %dma_wait3A_18 = tpu.memref_slice %arg5[%mul3A_2, %dma_wait3A_17] : memref<4096x128xf32, #tpu.memory_space<hbm>> -> memref<128x128xf32, #tpu.memory_space<hbm>>
      %dma_wait3A_19 = arith.constant 0 : i32
      %dma_wait3A_20 = tpu.memref_slice %arg5[%mul3A_2, %dma_wait3A_19] : memref<4096x128xf32, #tpu.memory_space<hbm>> -> memref<128x128xf32, #tpu.memory_space<hbm>>
      tpu.wait_dma2 semaphore(%run_scoped3A : memref<!tpu.dma_semaphore, #tpu.memory_space<semaphore_mem>>) src(%arg9 : memref<128x128xf32, #tpu.memory_space<vmem>>) dst(%dma_wait3A_20 : memref<128x128xf32, #tpu.memory_space<hbm>>)
      tpu.yield
    }) : () -> ()
    "tpu.region"() ({
      %run_scoped3A = tpu.sem_alloc : memref<!tpu.dma_semaphore, #tpu.memory_space<semaphore_mem>>
      %dma_start3A_13 = arith.constant 0 : i32
      %dma_start3A_14 = tpu.memref_slice %arg6[%mul3A_2, %dma_start3A_13] : memref<4096x128xf32, #tpu.memory_space<hbm>> -> memref<128x128xf32, #tpu.memory_space<hbm>>
      %dma_start3A_15 = arith.constant 0 : i32
      %dma_start3A_16 = tpu.memref_slice %arg6[%mul3A_2, %dma_start3A_15] : memref<4096x128xf32, #tpu.memory_space<hbm>> -> memref<128x128xf32, #tpu.memory_space<hbm>>
      tpu.enqueue_dma source(%arg10 : memref<128x128xf32, #tpu.memory_space<vmem>>) target(%dma_start3A_16 : memref<128x128xf32, #tpu.memory_space<hbm>>) target_semaphore(%run_scoped3A : memref<!tpu.dma_semaphore, #tpu.memory_space<semaphore_mem>>)
      %dma_wait3A_17 = arith.constant 0 : i32
      %dma_wait3A_18 = tpu.memref_slice %arg6[%mul3A_2, %dma_wait3A_17] : memref<4096x128xf32, #tpu.memory_space<hbm>> -> memref<128x128xf32, #tpu.memory_space<hbm>>
      %dma_wait3A_19 = arith.constant 0 : i32
      %dma_wait3A_20 = tpu.memref_slice %arg6[%mul3A_2, %dma_wait3A_19] : memref<4096x128xf32, #tpu.memory_space<hbm>> -> memref<128x128xf32, #tpu.memory_space<hbm>>
      tpu.wait_dma2 semaphore(%run_scoped3A : memref<!tpu.dma_semaphore, #tpu.memory_space<semaphore_mem>>) src(%arg10 : memref<128x128xf32, #tpu.memory_space<vmem>>) dst(%dma_wait3A_20 : memref<128x128xf32, #tpu.memory_space<hbm>>)
      tpu.yield
    }) : () -> ()
    return
  }
}

#map = affine_map<(d0, d1) -> (0, 0)>
#map1 = affine_map<(d0, d1) -> (0)>
#map2 = affine_map<(d0, d1) -> (0, 0, 0)>
module attributes {stable_mosaic.version = 14 : i64} {
  func.func @body(%arg0: i32, %arg1: i32, %arg2: memref<10240x128xf32, #tpu.memory_space<hbm>>, %arg3: memref<322560xi32, #tpu.memory_space<hbm>>, %arg4: memref<322560xi32, #tpu.memory_space<hbm>>, %arg5: memref<2x10240x128xf32, #tpu.memory_space<hbm>>, %arg6: memref<112xi32, #tpu.memory_space<vmem>>, %arg7: memref<112xi32, #tpu.memory_space<vmem>>, %arg8: memref<112xi32, #tpu.memory_space<vmem>>, %arg9: memref<112xi32, #tpu.memory_space<vmem>>, %arg10: memref<112xi32, #tpu.memory_space<vmem>>, %arg11: memref<112xi32, #tpu.memory_space<vmem>>, %arg12: memref<112x128xf32, #tpu.memory_space<vmem>>, %arg13: memref<112x128xf32, #tpu.memory_space<vmem>>, %arg14: memref<112x128xf32, #tpu.memory_space<vmem>>, %arg15: memref<10240x128xf32, #tpu.memory_space<vmem_shared>>, %arg16: memref<!tpu.dma_semaphore, #tpu.memory_space<semaphore_mem>>, %arg17: memref<!tpu.dma_semaphore, #tpu.memory_space<semaphore_mem>>, %arg18: memref<!tpu.dma_semaphore, #tpu.memory_space<semaphore_mem>>) attributes {dimension_semantics = [#tpu.dimension_semantics<core_parallel>, #tpu.dimension_semantics<subcore_parallel>], iteration_bounds = array<i64: 2, 16>, scalar_prefetch = 0 : i64, scratch_operands = 13 : i64, tpu.core_type = #tpu.core_type<sc_vector_subcore>, window_params = [{transform_indices = #map}, {transform_indices = #map1}, {transform_indices = #map1}, {transform_indices = #map2}]} {
    %mul3A = arith.constant 2 : i32
    %mul3A_0 = arith.muli %arg1, %mul3A : i32
    %add3A = arith.addi %mul3A_0, %arg0 : i32
    %broadcast_in_dim3A = arith.constant 0.000000e+00 : f32
    %broadcast_in_dim3A_1 = vector.broadcast %broadcast_in_dim3A : f32 to vector<16xf32>
    %scan3A = arith.constant 0 : i32
    %scan3A_2 = arith.constant 0 : i32
    %scan3A_3 = arith.constant 112 : i32
    %scan3A_4 = arith.addi %scan3A_2, %scan3A_3 : i32
    %scan3A_5 = arith.constant 1 : i32
    scf.for %scan3A_68 = %scan3A_2 to %scan3A_4 step %scan3A_5  : i32 {
      %swap3A = arith.index_cast %scan3A_68 : i32 to index
      %swap3A_69 = arith.constant 0 : index
      %swap3A_70 = tpu.vector_load %arg12[%swap3A, %swap3A_69] {strides = array<i32>} : memref<112x128xf32, #tpu.memory_space<vmem>>, vector<1x16xf32>,
      %swap3A_71 = vector.shape_cast %swap3A_70 : vector<1x16xf32> to vector<16xf32>
      %swap3A_72 = vector.shape_cast %broadcast_in_dim3A_1 : vector<16xf32> to vector<1x16xf32>
      tpu.vector_store %arg12[%swap3A, %swap3A_69], %swap3A_72 {strides = array<i32>} : memref<112x128xf32, #tpu.memory_space<vmem>>, vector<1x16xf32>,
      %swap3A_73 = arith.index_cast %scan3A_68 : i32 to index
      %swap3A_74 = arith.constant 16 : index
      %swap3A_75 = tpu.vector_load %arg12[%swap3A_73, %swap3A_74] {strides = array<i32>} : memref<112x128xf32, #tpu.memory_space<vmem>>, vector<1x16xf32>,
      %swap3A_76 = vector.shape_cast %swap3A_75 : vector<1x16xf32> to vector<16xf32>
      %swap3A_77 = vector.shape_cast %broadcast_in_dim3A_1 : vector<16xf32> to vector<1x16xf32>
      tpu.vector_store %arg12[%swap3A_73, %swap3A_74], %swap3A_77 {strides = array<i32>} : memref<112x128xf32, #tpu.memory_space<vmem>>, vector<1x16xf32>,
      %swap3A_78 = arith.index_cast %scan3A_68 : i32 to index
      %swap3A_79 = arith.constant 32 : index
      %swap3A_80 = tpu.vector_load %arg12[%swap3A_78, %swap3A_79] {strides = array<i32>} : memref<112x128xf32, #tpu.memory_space<vmem>>, vector<1x16xf32>,
      %swap3A_81 = vector.shape_cast %swap3A_80 : vector<1x16xf32> to vector<16xf32>
      %swap3A_82 = vector.shape_cast %broadcast_in_dim3A_1 : vector<16xf32> to vector<1x16xf32>
      tpu.vector_store %arg12[%swap3A_78, %swap3A_79], %swap3A_82 {strides = array<i32>} : memref<112x128xf32, #tpu.memory_space<vmem>>, vector<1x16xf32>,
      %swap3A_83 = arith.index_cast %scan3A_68 : i32 to index
      %swap3A_84 = arith.constant 48 : index
      %swap3A_85 = tpu.vector_load %arg12[%swap3A_83, %swap3A_84] {strides = array<i32>} : memref<112x128xf32, #tpu.memory_space<vmem>>, vector<1x16xf32>,
      %swap3A_86 = vector.shape_cast %swap3A_85 : vector<1x16xf32> to vector<16xf32>
      %swap3A_87 = vector.shape_cast %broadcast_in_dim3A_1 : vector<16xf32> to vector<1x16xf32>
      tpu.vector_store %arg12[%swap3A_83, %swap3A_84], %swap3A_87 {strides = array<i32>} : memref<112x128xf32, #tpu.memory_space<vmem>>, vector<1x16xf32>,
      %swap3A_88 = arith.index_cast %scan3A_68 : i32 to index
      %swap3A_89 = arith.constant 64 : index
      %swap3A_90 = tpu.vector_load %arg12[%swap3A_88, %swap3A_89] {strides = array<i32>} : memref<112x128xf32, #tpu.memory_space<vmem>>, vector<1x16xf32>,
      %swap3A_91 = vector.shape_cast %swap3A_90 : vector<1x16xf32> to vector<16xf32>
      %swap3A_92 = vector.shape_cast %broadcast_in_dim3A_1 : vector<16xf32> to vector<1x16xf32>
      tpu.vector_store %arg12[%swap3A_88, %swap3A_89], %swap3A_92 {strides = array<i32>} : memref<112x128xf32, #tpu.memory_space<vmem>>, vector<1x16xf32>,
      %swap3A_93 = arith.index_cast %scan3A_68 : i32 to index
      %swap3A_94 = arith.constant 80 : index
      %swap3A_95 = tpu.vector_load %arg12[%swap3A_93, %swap3A_94] {strides = array<i32>} : memref<112x128xf32, #tpu.memory_space<vmem>>, vector<1x16xf32>,
      %swap3A_96 = vector.shape_cast %swap3A_95 : vector<1x16xf32> to vector<16xf32>
      %swap3A_97 = vector.shape_cast %broadcast_in_dim3A_1 : vector<16xf32> to vector<1x16xf32>
      tpu.vector_store %arg12[%swap3A_93, %swap3A_94], %swap3A_97 {strides = array<i32>} : memref<112x128xf32, #tpu.memory_space<vmem>>, vector<1x16xf32>,
      %swap3A_98 = arith.index_cast %scan3A_68 : i32 to index
      %swap3A_99 = arith.constant 96 : index
      %swap3A_100 = tpu.vector_load %arg12[%swap3A_98, %swap3A_99] {strides = array<i32>} : memref<112x128xf32, #tpu.memory_space<vmem>>, vector<1x16xf32>,
      %swap3A_101 = vector.shape_cast %swap3A_100 : vector<1x16xf32> to vector<16xf32>
      %swap3A_102 = vector.shape_cast %broadcast_in_dim3A_1 : vector<16xf32> to vector<1x16xf32>
      tpu.vector_store %arg12[%swap3A_98, %swap3A_99], %swap3A_102 {strides = array<i32>} : memref<112x128xf32, #tpu.memory_space<vmem>>, vector<1x16xf32>,
      %swap3A_103 = arith.index_cast %scan3A_68 : i32 to index
      %swap3A_104 = arith.constant 112 : index
      %swap3A_105 = tpu.vector_load %arg12[%swap3A_103, %swap3A_104] {strides = array<i32>} : memref<112x128xf32, #tpu.memory_space<vmem>>, vector<1x16xf32>,
      %swap3A_106 = vector.shape_cast %swap3A_105 : vector<1x16xf32> to vector<16xf32>
      %swap3A_107 = vector.shape_cast %broadcast_in_dim3A_1 : vector<16xf32> to vector<1x16xf32>
      tpu.vector_store %arg12[%swap3A_103, %swap3A_104], %swap3A_107 {strides = array<i32>} : memref<112x128xf32, #tpu.memory_space<vmem>>, vector<1x16xf32>,
    }
    %scan3A_6 = arith.constant 112 : i32
    %mul3A_7 = arith.constant 640 : i32
    %mul3A_8 = arith.muli %arg1, %mul3A_7 : i32
    %add3A_9 = arith.constant 0 : i32
    %add3A_10 = arith.addi %mul3A_8, %add3A_9 : i32
    "tpu.region"() ({
      %run_scoped3A = tpu.sem_alloc : memref<!tpu.dma_semaphore, #tpu.memory_space<semaphore_mem>>
      %dma_start3A_68 = arith.constant 0 : i32
      %dma_start3A_69 = arith.constant 0 : i32
      %dma_start3A_70 = tpu.memref_slice %arg12[%dma_start3A_68, %dma_start3A_69] : memref<112x128xf32, #tpu.memory_space<vmem>> -> memref<112x128xf32, #tpu.memory_space<vmem>>
      %dma_start3A_71 = arith.constant 0 : i32
      %dma_start3A_72 = tpu.memref_slice %arg15[%add3A_10, %dma_start3A_71] : memref<10240x128xf32, #tpu.memory_space<vmem_shared>> -> memref<112x128xf32, #tpu.memory_space<vmem_shared>>
      %dma_start3A_73 = arith.constant 0 : i32
      %dma_start3A_74 = tpu.memref_slice %arg15[%add3A_10, %dma_start3A_73] : memref<10240x128xf32, #tpu.memory_space<vmem_shared>> -> memref<112x128xf32, #tpu.memory_space<vmem_shared>>
      %dma_start3A_75 = arith.constant 0 : i32
      %dma_start3A_76 = arith.constant 0 : i32
      %dma_start3A_77 = tpu.memref_slice %arg12[%dma_start3A_75, %dma_start3A_76] : memref<112x128xf32, #tpu.memory_space<vmem>> -> memref<112x128xf32, #tpu.memory_space<vmem>>
      tpu.enqueue_dma source(%dma_start3A_77 : memref<112x128xf32, #tpu.memory_space<vmem>>) target(%dma_start3A_74 : memref<112x128xf32, #tpu.memory_space<vmem_shared>>) target_semaphore(%run_scoped3A : memref<!tpu.dma_semaphore, #tpu.memory_space<semaphore_mem>>)
      %dma_wait3A = arith.constant 0 : i32
      %dma_wait3A_78 = arith.constant 0 : i32
      %dma_wait3A_79 = tpu.memref_slice %arg12[%dma_wait3A, %dma_wait3A_78] : memref<112x128xf32, #tpu.memory_space<vmem>> -> memref<112x128xf32, #tpu.memory_space<vmem>>
      %dma_wait3A_80 = arith.constant 0 : i32
      %dma_wait3A_81 = tpu.memref_slice %arg15[%add3A_10, %dma_wait3A_80] : memref<10240x128xf32, #tpu.memory_space<vmem_shared>> -> memref<112x128xf32, #tpu.memory_space<vmem_shared>>
      %dma_wait3A_82 = arith.constant 0 : i32
      %dma_wait3A_83 = tpu.memref_slice %arg15[%add3A_10, %dma_wait3A_82] : memref<10240x128xf32, #tpu.memory_space<vmem_shared>> -> memref<112x128xf32, #tpu.memory_space<vmem_shared>>
      %dma_wait3A_84 = arith.constant 0 : i32
      %dma_wait3A_85 = arith.constant 0 : i32
      %dma_wait3A_86 = tpu.memref_slice %arg12[%dma_wait3A_84, %dma_wait3A_85] : memref<112x128xf32, #tpu.memory_space<vmem>> -> memref<112x128xf32, #tpu.memory_space<vmem>>
      tpu.wait_dma2 semaphore(%run_scoped3A : memref<!tpu.dma_semaphore, #tpu.memory_space<semaphore_mem>>) src(%dma_wait3A_86 : memref<112x128xf32, #tpu.memory_space<vmem>>) dst(%dma_wait3A_83 : memref<112x128xf32, #tpu.memory_space<vmem_shared>>)
      tpu.yield
    }) : () -> ()
    %mul3A_11 = arith.constant 640 : i32
    %mul3A_12 = arith.muli %arg1, %mul3A_11 : i32
    %add3A_13 = arith.constant 112 : i32
    %add3A_14 = arith.addi %mul3A_12, %add3A_13 : i32
    "tpu.region"() ({
      %run_scoped3A = tpu.sem_alloc : memref<!tpu.dma_semaphore, #tpu.memory_space<semaphore_mem>>
      %dma_start3A_68 = arith.constant 0 : i32
      %dma_start3A_69 = arith.constant 0 : i32
      %dma_start3A_70 = tpu.memref_slice %arg12[%dma_start3A_68, %dma_start3A_69] : memref<112x128xf32, #tpu.memory_space<vmem>> -> memref<112x128xf32, #tpu.memory_space<vmem>>
      %dma_start3A_71 = arith.constant 0 : i32
      %dma_start3A_72 = tpu.memref_slice %arg15[%add3A_14, %dma_start3A_71] : memref<10240x128xf32, #tpu.memory_space<vmem_shared>> -> memref<112x128xf32, #tpu.memory_space<vmem_shared>>
      %dma_start3A_73 = arith.constant 0 : i32
      %dma_start3A_74 = tpu.memref_slice %arg15[%add3A_14, %dma_start3A_73] : memref<10240x128xf32, #tpu.memory_space<vmem_shared>> -> memref<112x128xf32, #tpu.memory_space<vmem_shared>>
      %dma_start3A_75 = arith.constant 0 : i32
      %dma_start3A_76 = arith.constant 0 : i32
      %dma_start3A_77 = tpu.memref_slice %arg12[%dma_start3A_75, %dma_start3A_76] : memref<112x128xf32, #tpu.memory_space<vmem>> -> memref<112x128xf32, #tpu.memory_space<vmem>>
      tpu.enqueue_dma source(%dma_start3A_77 : memref<112x128xf32, #tpu.memory_space<vmem>>) target(%dma_start3A_74 : memref<112x128xf32, #tpu.memory_space<vmem_shared>>) target_semaphore(%run_scoped3A : memref<!tpu.dma_semaphore, #tpu.memory_space<semaphore_mem>>)
      %dma_wait3A = arith.constant 0 : i32
      %dma_wait3A_78 = arith.constant 0 : i32
      %dma_wait3A_79 = tpu.memref_slice %arg12[%dma_wait3A, %dma_wait3A_78] : memref<112x128xf32, #tpu.memory_space<vmem>> -> memref<112x128xf32, #tpu.memory_space<vmem>>
      %dma_wait3A_80 = arith.constant 0 : i32
      %dma_wait3A_81 = tpu.memref_slice %arg15[%add3A_14, %dma_wait3A_80] : memref<10240x128xf32, #tpu.memory_space<vmem_shared>> -> memref<112x128xf32, #tpu.memory_space<vmem_shared>>
      %dma_wait3A_82 = arith.constant 0 : i32
      %dma_wait3A_83 = tpu.memref_slice %arg15[%add3A_14, %dma_wait3A_82] : memref<10240x128xf32, #tpu.memory_space<vmem_shared>> -> memref<112x128xf32, #tpu.memory_space<vmem_shared>>
      %dma_wait3A_84 = arith.constant 0 : i32
      %dma_wait3A_85 = arith.constant 0 : i32
      %dma_wait3A_86 = tpu.memref_slice %arg12[%dma_wait3A_84, %dma_wait3A_85] : memref<112x128xf32, #tpu.memory_space<vmem>> -> memref<112x128xf32, #tpu.memory_space<vmem>>
      tpu.wait_dma2 semaphore(%run_scoped3A : memref<!tpu.dma_semaphore, #tpu.memory_space<semaphore_mem>>) src(%dma_wait3A_86 : memref<112x128xf32, #tpu.memory_space<vmem>>) dst(%dma_wait3A_83 : memref<112x128xf32, #tpu.memory_space<vmem_shared>>)
      tpu.yield
    }) : () -> ()
    %mul3A_15 = arith.constant 640 : i32
    %mul3A_16 = arith.muli %arg1, %mul3A_15 : i32
    %add3A_17 = arith.constant 224 : i32
    %add3A_18 = arith.addi %mul3A_16, %add3A_17 : i32
    "tpu.region"() ({
      %run_scoped3A = tpu.sem_alloc : memref<!tpu.dma_semaphore, #tpu.memory_space<semaphore_mem>>
      %dma_start3A_68 = arith.constant 0 : i32
      %dma_start3A_69 = arith.constant 0 : i32
      %dma_start3A_70 = tpu.memref_slice %arg12[%dma_start3A_68, %dma_start3A_69] : memref<112x128xf32, #tpu.memory_space<vmem>> -> memref<112x128xf32, #tpu.memory_space<vmem>>
      %dma_start3A_71 = arith.constant 0 : i32
      %dma_start3A_72 = tpu.memref_slice %arg15[%add3A_18, %dma_start3A_71] : memref<10240x128xf32, #tpu.memory_space<vmem_shared>> -> memref<112x128xf32, #tpu.memory_space<vmem_shared>>
      %dma_start3A_73 = arith.constant 0 : i32
      %dma_start3A_74 = tpu.memref_slice %arg15[%add3A_18, %dma_start3A_73] : memref<10240x128xf32, #tpu.memory_space<vmem_shared>> -> memref<112x128xf32, #tpu.memory_space<vmem_shared>>
      %dma_start3A_75 = arith.constant 0 : i32
      %dma_start3A_76 = arith.constant 0 : i32
      %dma_start3A_77 = tpu.memref_slice %arg12[%dma_start3A_75, %dma_start3A_76] : memref<112x128xf32, #tpu.memory_space<vmem>> -> memref<112x128xf32, #tpu.memory_space<vmem>>
      tpu.enqueue_dma source(%dma_start3A_77 : memref<112x128xf32, #tpu.memory_space<vmem>>) target(%dma_start3A_74 : memref<112x128xf32, #tpu.memory_space<vmem_shared>>) target_semaphore(%run_scoped3A : memref<!tpu.dma_semaphore, #tpu.memory_space<semaphore_mem>>)
      %dma_wait3A = arith.constant 0 : i32
      %dma_wait3A_78 = arith.constant 0 : i32
      %dma_wait3A_79 = tpu.memref_slice %arg12[%dma_wait3A, %dma_wait3A_78] : memref<112x128xf32, #tpu.memory_space<vmem>> -> memref<112x128xf32, #tpu.memory_space<vmem>>
      %dma_wait3A_80 = arith.constant 0 : i32
      %dma_wait3A_81 = tpu.memref_slice %arg15[%add3A_18, %dma_wait3A_80] : memref<10240x128xf32, #tpu.memory_space<vmem_shared>> -> memref<112x128xf32, #tpu.memory_space<vmem_shared>>
      %dma_wait3A_82 = arith.constant 0 : i32
      %dma_wait3A_83 = tpu.memref_slice %arg15[%add3A_18, %dma_wait3A_82] : memref<10240x128xf32, #tpu.memory_space<vmem_shared>> -> memref<112x128xf32, #tpu.memory_space<vmem_shared>>
      %dma_wait3A_84 = arith.constant 0 : i32
      %dma_wait3A_85 = arith.constant 0 : i32
      %dma_wait3A_86 = tpu.memref_slice %arg12[%dma_wait3A_84, %dma_wait3A_85] : memref<112x128xf32, #tpu.memory_space<vmem>> -> memref<112x128xf32, #tpu.memory_space<vmem>>
      tpu.wait_dma2 semaphore(%run_scoped3A : memref<!tpu.dma_semaphore, #tpu.memory_space<semaphore_mem>>) src(%dma_wait3A_86 : memref<112x128xf32, #tpu.memory_space<vmem>>) dst(%dma_wait3A_83 : memref<112x128xf32, #tpu.memory_space<vmem_shared>>)
      tpu.yield
    }) : () -> ()
    %mul3A_19 = arith.constant 640 : i32
    %mul3A_20 = arith.muli %arg1, %mul3A_19 : i32
    %add3A_21 = arith.constant 336 : i32
    %add3A_22 = arith.addi %mul3A_20, %add3A_21 : i32
    "tpu.region"() ({
      %run_scoped3A = tpu.sem_alloc : memref<!tpu.dma_semaphore, #tpu.memory_space<semaphore_mem>>
      %dma_start3A_68 = arith.constant 0 : i32
      %dma_start3A_69 = arith.constant 0 : i32
      %dma_start3A_70 = tpu.memref_slice %arg12[%dma_start3A_68, %dma_start3A_69] : memref<112x128xf32, #tpu.memory_space<vmem>> -> memref<112x128xf32, #tpu.memory_space<vmem>>
      %dma_start3A_71 = arith.constant 0 : i32
      %dma_start3A_72 = tpu.memref_slice %arg15[%add3A_22, %dma_start3A_71] : memref<10240x128xf32, #tpu.memory_space<vmem_shared>> -> memref<112x128xf32, #tpu.memory_space<vmem_shared>>
      %dma_start3A_73 = arith.constant 0 : i32
      %dma_start3A_74 = tpu.memref_slice %arg15[%add3A_22, %dma_start3A_73] : memref<10240x128xf32, #tpu.memory_space<vmem_shared>> -> memref<112x128xf32, #tpu.memory_space<vmem_shared>>
      %dma_start3A_75 = arith.constant 0 : i32
      %dma_start3A_76 = arith.constant 0 : i32
      %dma_start3A_77 = tpu.memref_slice %arg12[%dma_start3A_75, %dma_start3A_76] : memref<112x128xf32, #tpu.memory_space<vmem>> -> memref<112x128xf32, #tpu.memory_space<vmem>>
      tpu.enqueue_dma source(%dma_start3A_77 : memref<112x128xf32, #tpu.memory_space<vmem>>) target(%dma_start3A_74 : memref<112x128xf32, #tpu.memory_space<vmem_shared>>) target_semaphore(%run_scoped3A : memref<!tpu.dma_semaphore, #tpu.memory_space<semaphore_mem>>)
      %dma_wait3A = arith.constant 0 : i32
      %dma_wait3A_78 = arith.constant 0 : i32
      %dma_wait3A_79 = tpu.memref_slice %arg12[%dma_wait3A, %dma_wait3A_78] : memref<112x128xf32, #tpu.memory_space<vmem>> -> memref<112x128xf32, #tpu.memory_space<vmem>>
      %dma_wait3A_80 = arith.constant 0 : i32
      %dma_wait3A_81 = tpu.memref_slice %arg15[%add3A_22, %dma_wait3A_80] : memref<10240x128xf32, #tpu.memory_space<vmem_shared>> -> memref<112x128xf32, #tpu.memory_space<vmem_shared>>
      %dma_wait3A_82 = arith.constant 0 : i32
      %dma_wait3A_83 = tpu.memref_slice %arg15[%add3A_22, %dma_wait3A_82] : memref<10240x128xf32, #tpu.memory_space<vmem_shared>> -> memref<112x128xf32, #tpu.memory_space<vmem_shared>>
      %dma_wait3A_84 = arith.constant 0 : i32
      %dma_wait3A_85 = arith.constant 0 : i32
      %dma_wait3A_86 = tpu.memref_slice %arg12[%dma_wait3A_84, %dma_wait3A_85] : memref<112x128xf32, #tpu.memory_space<vmem>> -> memref<112x128xf32, #tpu.memory_space<vmem>>
      tpu.wait_dma2 semaphore(%run_scoped3A : memref<!tpu.dma_semaphore, #tpu.memory_space<semaphore_mem>>) src(%dma_wait3A_86 : memref<112x128xf32, #tpu.memory_space<vmem>>) dst(%dma_wait3A_83 : memref<112x128xf32, #tpu.memory_space<vmem_shared>>)
      tpu.yield
    }) : () -> ()
    %mul3A_23 = arith.constant 640 : i32
    %mul3A_24 = arith.muli %arg1, %mul3A_23 : i32
    %add3A_25 = arith.constant 448 : i32
    %add3A_26 = arith.addi %mul3A_24, %add3A_25 : i32
    "tpu.region"() ({
      %run_scoped3A = tpu.sem_alloc : memref<!tpu.dma_semaphore, #tpu.memory_space<semaphore_mem>>
      %dma_start3A_68 = arith.constant 0 : i32
      %dma_start3A_69 = arith.constant 0 : i32
      %dma_start3A_70 = tpu.memref_slice %arg12[%dma_start3A_68, %dma_start3A_69] : memref<112x128xf32, #tpu.memory_space<vmem>> -> memref<112x128xf32, #tpu.memory_space<vmem>>
      %dma_start3A_71 = arith.constant 0 : i32
      %dma_start3A_72 = tpu.memref_slice %arg15[%add3A_26, %dma_start3A_71] : memref<10240x128xf32, #tpu.memory_space<vmem_shared>> -> memref<112x128xf32, #tpu.memory_space<vmem_shared>>
      %dma_start3A_73 = arith.constant 0 : i32
      %dma_start3A_74 = tpu.memref_slice %arg15[%add3A_26, %dma_start3A_73] : memref<10240x128xf32, #tpu.memory_space<vmem_shared>> -> memref<112x128xf32, #tpu.memory_space<vmem_shared>>
      %dma_start3A_75 = arith.constant 0 : i32
      %dma_start3A_76 = arith.constant 0 : i32
      %dma_start3A_77 = tpu.memref_slice %arg12[%dma_start3A_75, %dma_start3A_76] : memref<112x128xf32, #tpu.memory_space<vmem>> -> memref<112x128xf32, #tpu.memory_space<vmem>>
      tpu.enqueue_dma source(%dma_start3A_77 : memref<112x128xf32, #tpu.memory_space<vmem>>) target(%dma_start3A_74 : memref<112x128xf32, #tpu.memory_space<vmem_shared>>) target_semaphore(%run_scoped3A : memref<!tpu.dma_semaphore, #tpu.memory_space<semaphore_mem>>)
      %dma_wait3A = arith.constant 0 : i32
      %dma_wait3A_78 = arith.constant 0 : i32
      %dma_wait3A_79 = tpu.memref_slice %arg12[%dma_wait3A, %dma_wait3A_78] : memref<112x128xf32, #tpu.memory_space<vmem>> -> memref<112x128xf32, #tpu.memory_space<vmem>>
      %dma_wait3A_80 = arith.constant 0 : i32
      %dma_wait3A_81 = tpu.memref_slice %arg15[%add3A_26, %dma_wait3A_80] : memref<10240x128xf32, #tpu.memory_space<vmem_shared>> -> memref<112x128xf32, #tpu.memory_space<vmem_shared>>
      %dma_wait3A_82 = arith.constant 0 : i32
      %dma_wait3A_83 = tpu.memref_slice %arg15[%add3A_26, %dma_wait3A_82] : memref<10240x128xf32, #tpu.memory_space<vmem_shared>> -> memref<112x128xf32, #tpu.memory_space<vmem_shared>>
      %dma_wait3A_84 = arith.constant 0 : i32
      %dma_wait3A_85 = arith.constant 0 : i32
      %dma_wait3A_86 = tpu.memref_slice %arg12[%dma_wait3A_84, %dma_wait3A_85] : memref<112x128xf32, #tpu.memory_space<vmem>> -> memref<112x128xf32, #tpu.memory_space<vmem>>
      tpu.wait_dma2 semaphore(%run_scoped3A : memref<!tpu.dma_semaphore, #tpu.memory_space<semaphore_mem>>) src(%dma_wait3A_86 : memref<112x128xf32, #tpu.memory_space<vmem>>) dst(%dma_wait3A_83 : memref<112x128xf32, #tpu.memory_space<vmem_shared>>)
      tpu.yield
    }) : () -> ()
    %mul3A_27 = arith.constant 640 : i32
    %mul3A_28 = arith.muli %arg1, %mul3A_27 : i32
    %add3A_29 = arith.constant 560 : i32
    %add3A_30 = arith.addi %mul3A_28, %add3A_29 : i32
    "tpu.region"() ({
      %run_scoped3A = tpu.sem_alloc : memref<!tpu.dma_semaphore, #tpu.memory_space<semaphore_mem>>
      %dma_start3A_68 = arith.constant 0 : i32
      %dma_start3A_69 = arith.constant 0 : i32
      %dma_start3A_70 = tpu.memref_slice %arg12[%dma_start3A_68, %dma_start3A_69] : memref<112x128xf32, #tpu.memory_space<vmem>> -> memref<80x128xf32, #tpu.memory_space<vmem>>
      %dma_start3A_71 = arith.constant 0 : i32
      %dma_start3A_72 = tpu.memref_slice %arg15[%add3A_30, %dma_start3A_71] : memref<10240x128xf32, #tpu.memory_space<vmem_shared>> -> memref<80x128xf32, #tpu.memory_space<vmem_shared>>
      %dma_start3A_73 = arith.constant 0 : i32
      %dma_start3A_74 = tpu.memref_slice %arg15[%add3A_30, %dma_start3A_73] : memref<10240x128xf32, #tpu.memory_space<vmem_shared>> -> memref<80x128xf32, #tpu.memory_space<vmem_shared>>
      %dma_start3A_75 = arith.constant 0 : i32
      %dma_start3A_76 = arith.constant 0 : i32
      %dma_start3A_77 = tpu.memref_slice %arg12[%dma_start3A_75, %dma_start3A_76] : memref<112x128xf32, #tpu.memory_space<vmem>> -> memref<80x128xf32, #tpu.memory_space<vmem>>
      tpu.enqueue_dma source(%dma_start3A_77 : memref<80x128xf32, #tpu.memory_space<vmem>>) target(%dma_start3A_74 : memref<80x128xf32, #tpu.memory_space<vmem_shared>>) target_semaphore(%run_scoped3A : memref<!tpu.dma_semaphore, #tpu.memory_space<semaphore_mem>>)
      %dma_wait3A = arith.constant 0 : i32
      %dma_wait3A_78 = arith.constant 0 : i32
      %dma_wait3A_79 = tpu.memref_slice %arg12[%dma_wait3A, %dma_wait3A_78] : memref<112x128xf32, #tpu.memory_space<vmem>> -> memref<80x128xf32, #tpu.memory_space<vmem>>
      %dma_wait3A_80 = arith.constant 0 : i32
      %dma_wait3A_81 = tpu.memref_slice %arg15[%add3A_30, %dma_wait3A_80] : memref<10240x128xf32, #tpu.memory_space<vmem_shared>> -> memref<80x128xf32, #tpu.memory_space<vmem_shared>>
      %dma_wait3A_82 = arith.constant 0 : i32
      %dma_wait3A_83 = tpu.memref_slice %arg15[%add3A_30, %dma_wait3A_82] : memref<10240x128xf32, #tpu.memory_space<vmem_shared>> -> memref<80x128xf32, #tpu.memory_space<vmem_shared>>
      %dma_wait3A_84 = arith.constant 0 : i32
      %dma_wait3A_85 = arith.constant 0 : i32
      %dma_wait3A_86 = tpu.memref_slice %arg12[%dma_wait3A_84, %dma_wait3A_85] : memref<112x128xf32, #tpu.memory_space<vmem>> -> memref<80x128xf32, #tpu.memory_space<vmem>>
      tpu.wait_dma2 semaphore(%run_scoped3A : memref<!tpu.dma_semaphore, #tpu.memory_space<semaphore_mem>>) src(%dma_wait3A_86 : memref<80x128xf32, #tpu.memory_space<vmem>>) dst(%dma_wait3A_83 : memref<80x128xf32, #tpu.memory_space<vmem_shared>>)
      tpu.yield
    }) : () -> ()
    %barrier3A = arith.constant 0 : index
    tpu.barrier barrier_id(%barrier3A)
    %mul3A_31 = arith.constant 90 : i32
    %mul3A_32 = arith.muli %add3A, %mul3A_31 : i32
    %add3A_33 = arith.constant 0 : i32
    %add3A_34 = arith.addi %mul3A_32, %add3A_33 : i32
    %mul3A_35 = arith.constant 112 : i32
    %mul3A_36 = arith.muli %add3A_34, %mul3A_35 : i32
    "tpu.region"() ({
      %run_scoped3A = tpu.sem_alloc : memref<!tpu.dma_semaphore, #tpu.memory_space<semaphore_mem>>
      %dma_start3A_68 = tpu.memref_slice %arg3[%mul3A_36] : memref<322560xi32, #tpu.memory_space<hbm>> -> memref<112xi32, #tpu.memory_space<hbm>>
      %dma_start3A_69 = tpu.memref_slice %arg3[%mul3A_36] : memref<322560xi32, #tpu.memory_space<hbm>> -> memref<112xi32, #tpu.memory_space<hbm>>
      tpu.enqueue_dma source(%dma_start3A_69 : memref<112xi32, #tpu.memory_space<hbm>>) target(%arg6 : memref<112xi32, #tpu.memory_space<vmem>>) target_semaphore(%run_scoped3A : memref<!tpu.dma_semaphore, #tpu.memory_space<semaphore_mem>>)
      %dma_wait3A = tpu.memref_slice %arg3[%mul3A_36] : memref<322560xi32, #tpu.memory_space<hbm>> -> memref<112xi32, #tpu.memory_space<hbm>>
      %dma_wait3A_70 = tpu.memref_slice %arg3[%mul3A_36] : memref<322560xi32, #tpu.memory_space<hbm>> -> memref<112xi32, #tpu.memory_space<hbm>>
      tpu.wait_dma2 semaphore(%run_scoped3A : memref<!tpu.dma_semaphore, #tpu.memory_space<semaphore_mem>>) src(%dma_wait3A_70 : memref<112xi32, #tpu.memory_space<hbm>>) dst(%arg6 : memref<112xi32, #tpu.memory_space<vmem>>)
      tpu.yield
    }) : () -> ()
    "tpu.region"() ({
      %run_scoped3A = tpu.sem_alloc : memref<!tpu.dma_semaphore, #tpu.memory_space<semaphore_mem>>
      %dma_start3A_68 = tpu.memref_slice %arg4[%mul3A_36] : memref<322560xi32, #tpu.memory_space<hbm>> -> memref<112xi32, #tpu.memory_space<hbm>>
      %dma_start3A_69 = tpu.memref_slice %arg4[%mul3A_36] : memref<322560xi32, #tpu.memory_space<hbm>> -> memref<112xi32, #tpu.memory_space<hbm>>
      tpu.enqueue_dma source(%dma_start3A_69 : memref<112xi32, #tpu.memory_space<hbm>>) target(%arg7 : memref<112xi32, #tpu.memory_space<vmem>>) target_semaphore(%run_scoped3A : memref<!tpu.dma_semaphore, #tpu.memory_space<semaphore_mem>>)
      %dma_wait3A = tpu.memref_slice %arg4[%mul3A_36] : memref<322560xi32, #tpu.memory_space<hbm>> -> memref<112xi32, #tpu.memory_space<hbm>>
      %dma_wait3A_70 = tpu.memref_slice %arg4[%mul3A_36] : memref<322560xi32, #tpu.memory_space<hbm>> -> memref<112xi32, #tpu.memory_space<hbm>>
      tpu.wait_dma2 semaphore(%run_scoped3A : memref<!tpu.dma_semaphore, #tpu.memory_space<semaphore_mem>>) src(%dma_wait3A_70 : memref<112xi32, #tpu.memory_space<hbm>>) dst(%arg7 : memref<112xi32, #tpu.memory_space<vmem>>)
      tpu.yield
    }) : () -> ()
    %dma_start3A = arith.constant 0 : i32
    %dma_start3A_37 = arith.constant 0 : i32
    %dma_start3A_38 = tpu.memref_slice %arg2[%dma_start3A, %dma_start3A_37] : memref<10240x128xf32, #tpu.memory_space<hbm>> -> memref<10240x128xf32, #tpu.memory_space<hbm>>
    tpu.enqueue_indirect_dma source(%dma_start3A_38 : memref<10240x128xf32, #tpu.memory_space<hbm>>) target(%arg12 : memref<112x128xf32, #tpu.memory_space<vmem>>) offsets(%arg6 : memref<112xi32, #tpu.memory_space<vmem>>) semaphore(%arg16 : memref<!tpu.dma_semaphore, #tpu.memory_space<semaphore_mem>>)
    %mul3A_39 = arith.constant 90 : i32
    %mul3A_40 = arith.muli %add3A, %mul3A_39 : i32
    %add3A_41 = arith.constant 1 : i32
    %add3A_42 = arith.addi %mul3A_40, %add3A_41 : i32
    %mul3A_43 = arith.constant 112 : i32
    %mul3A_44 = arith.muli %add3A_42, %mul3A_43 : i32
    "tpu.region"() ({
      %run_scoped3A = tpu.sem_alloc : memref<!tpu.dma_semaphore, #tpu.memory_space<semaphore_mem>>
      %dma_start3A_68 = tpu.memref_slice %arg3[%mul3A_44] : memref<322560xi32, #tpu.memory_space<hbm>> -> memref<112xi32, #tpu.memory_space<hbm>>
      %dma_start3A_69 = tpu.memref_slice %arg3[%mul3A_44] : memref<322560xi32, #tpu.memory_space<hbm>> -> memref<112xi32, #tpu.memory_space<hbm>>
      tpu.enqueue_dma source(%dma_start3A_69 : memref<112xi32, #tpu.memory_space<hbm>>) target(%arg8 : memref<112xi32, #tpu.memory_space<vmem>>) target_semaphore(%run_scoped3A : memref<!tpu.dma_semaphore, #tpu.memory_space<semaphore_mem>>)
      %dma_wait3A = tpu.memref_slice %arg3[%mul3A_44] : memref<322560xi32, #tpu.memory_space<hbm>> -> memref<112xi32, #tpu.memory_space<hbm>>
      %dma_wait3A_70 = tpu.memref_slice %arg3[%mul3A_44] : memref<322560xi32, #tpu.memory_space<hbm>> -> memref<112xi32, #tpu.memory_space<hbm>>
      tpu.wait_dma2 semaphore(%run_scoped3A : memref<!tpu.dma_semaphore, #tpu.memory_space<semaphore_mem>>) src(%dma_wait3A_70 : memref<112xi32, #tpu.memory_space<hbm>>) dst(%arg8 : memref<112xi32, #tpu.memory_space<vmem>>)
      tpu.yield
    }) : () -> ()
    "tpu.region"() ({
      %run_scoped3A = tpu.sem_alloc : memref<!tpu.dma_semaphore, #tpu.memory_space<semaphore_mem>>
      %dma_start3A_68 = tpu.memref_slice %arg4[%mul3A_44] : memref<322560xi32, #tpu.memory_space<hbm>> -> memref<112xi32, #tpu.memory_space<hbm>>
      %dma_start3A_69 = tpu.memref_slice %arg4[%mul3A_44] : memref<322560xi32, #tpu.memory_space<hbm>> -> memref<112xi32, #tpu.memory_space<hbm>>
      tpu.enqueue_dma source(%dma_start3A_69 : memref<112xi32, #tpu.memory_space<hbm>>) target(%arg9 : memref<112xi32, #tpu.memory_space<vmem>>) target_semaphore(%run_scoped3A : memref<!tpu.dma_semaphore, #tpu.memory_space<semaphore_mem>>)
      %dma_wait3A = tpu.memref_slice %arg4[%mul3A_44] : memref<322560xi32, #tpu.memory_space<hbm>> -> memref<112xi32, #tpu.memory_space<hbm>>
      %dma_wait3A_70 = tpu.memref_slice %arg4[%mul3A_44] : memref<322560xi32, #tpu.memory_space<hbm>> -> memref<112xi32, #tpu.memory_space<hbm>>
      tpu.wait_dma2 semaphore(%run_scoped3A : memref<!tpu.dma_semaphore, #tpu.memory_space<semaphore_mem>>) src(%dma_wait3A_70 : memref<112xi32, #tpu.memory_space<hbm>>) dst(%arg9 : memref<112xi32, #tpu.memory_space<vmem>>)
      tpu.yield
    }) : () -> ()
    %dma_start3A_45 = arith.constant 0 : i32
    %dma_start3A_46 = arith.constant 0 : i32
    %dma_start3A_47 = tpu.memref_slice %arg2[%dma_start3A_45, %dma_start3A_46] : memref<10240x128xf32, #tpu.memory_space<hbm>> -> memref<10240x128xf32, #tpu.memory_space<hbm>>
    tpu.enqueue_indirect_dma source(%dma_start3A_47 : memref<10240x128xf32, #tpu.memory_space<hbm>>) target(%arg13 : memref<112x128xf32, #tpu.memory_space<vmem>>) offsets(%arg8 : memref<112xi32, #tpu.memory_space<vmem>>) semaphore(%arg17 : memref<!tpu.dma_semaphore, #tpu.memory_space<semaphore_mem>>)
    %mul3A_48 = arith.constant 90 : i32
    %mul3A_49 = arith.muli %add3A, %mul3A_48 : i32
    %add3A_50 = arith.constant 2 : i32
    %add3A_51 = arith.addi %mul3A_49, %add3A_50 : i32
    %mul3A_52 = arith.constant 112 : i32
    %mul3A_53 = arith.muli %add3A_51, %mul3A_52 : i32
    "tpu.region"() ({
      %run_scoped3A = tpu.sem_alloc : memref<!tpu.dma_semaphore, #tpu.memory_space<semaphore_mem>>
      %dma_start3A_68 = tpu.memref_slice %arg3[%mul3A_53] : memref<322560xi32, #tpu.memory_space<hbm>> -> memref<112xi32, #tpu.memory_space<hbm>>
      %dma_start3A_69 = tpu.memref_slice %arg3[%mul3A_53] : memref<322560xi32, #tpu.memory_space<hbm>> -> memref<112xi32, #tpu.memory_space<hbm>>
      tpu.enqueue_dma source(%dma_start3A_69 : memref<112xi32, #tpu.memory_space<hbm>>) target(%arg10 : memref<112xi32, #tpu.memory_space<vmem>>) target_semaphore(%run_scoped3A : memref<!tpu.dma_semaphore, #tpu.memory_space<semaphore_mem>>)
      %dma_wait3A = tpu.memref_slice %arg3[%mul3A_53] : memref<322560xi32, #tpu.memory_space<hbm>> -> memref<112xi32, #tpu.memory_space<hbm>>
      %dma_wait3A_70 = tpu.memref_slice %arg3[%mul3A_53] : memref<322560xi32, #tpu.memory_space<hbm>> -> memref<112xi32, #tpu.memory_space<hbm>>
      tpu.wait_dma2 semaphore(%run_scoped3A : memref<!tpu.dma_semaphore, #tpu.memory_space<semaphore_mem>>) src(%dma_wait3A_70 : memref<112xi32, #tpu.memory_space<hbm>>) dst(%arg10 : memref<112xi32, #tpu.memory_space<vmem>>)
      tpu.yield
    }) : () -> ()
    "tpu.region"() ({
      %run_scoped3A = tpu.sem_alloc : memref<!tpu.dma_semaphore, #tpu.memory_space<semaphore_mem>>
      %dma_start3A_68 = tpu.memref_slice %arg4[%mul3A_53] : memref<322560xi32, #tpu.memory_space<hbm>> -> memref<112xi32, #tpu.memory_space<hbm>>
      %dma_start3A_69 = tpu.memref_slice %arg4[%mul3A_53] : memref<322560xi32, #tpu.memory_space<hbm>> -> memref<112xi32, #tpu.memory_space<hbm>>
      tpu.enqueue_dma source(%dma_start3A_69 : memref<112xi32, #tpu.memory_space<hbm>>) target(%arg11 : memref<112xi32, #tpu.memory_space<vmem>>) target_semaphore(%run_scoped3A : memref<!tpu.dma_semaphore, #tpu.memory_space<semaphore_mem>>)
      %dma_wait3A = tpu.memref_slice %arg4[%mul3A_53] : memref<322560xi32, #tpu.memory_space<hbm>> -> memref<112xi32, #tpu.memory_space<hbm>>
      %dma_wait3A_70 = tpu.memref_slice %arg4[%mul3A_53] : memref<322560xi32, #tpu.memory_space<hbm>> -> memref<112xi32, #tpu.memory_space<hbm>>
      tpu.wait_dma2 semaphore(%run_scoped3A : memref<!tpu.dma_semaphore, #tpu.memory_space<semaphore_mem>>) src(%dma_wait3A_70 : memref<112xi32, #tpu.memory_space<hbm>>) dst(%arg11 : memref<112xi32, #tpu.memory_space<vmem>>)
      tpu.yield
    }) : () -> ()
    %dma_start3A_54 = arith.constant 0 : i32
    %dma_start3A_55 = arith.constant 0 : i32
    %dma_start3A_56 = tpu.memref_slice %arg2[%dma_start3A_54, %dma_start3A_55] : memref<10240x128xf32, #tpu.memory_space<hbm>> -> memref<10240x128xf32, #tpu.memory_space<hbm>>
    tpu.enqueue_indirect_dma source(%dma_start3A_56 : memref<10240x128xf32, #tpu.memory_space<hbm>>) target(%arg14 : memref<112x128xf32, #tpu.memory_space<vmem>>) offsets(%arg10 : memref<112xi32, #tpu.memory_space<vmem>>) semaphore(%arg18 : memref<!tpu.dma_semaphore, #tpu.memory_space<semaphore_mem>>)
    %scan3A_57 = arith.constant 0 : i32
    %scan3A_58 = arith.constant 0 : i32
    %scan3A_59 = arith.constant 30 : i32
    %scan3A_60 = arith.addi %scan3A_58, %scan3A_59 : i32
    %scan3A_61 = arith.constant 1 : i32
    scf.for %scan3A_68 = %scan3A_58 to %scan3A_60 step %scan3A_61  : i32 {
      %mul3A_69 = arith.constant 3 : i32
      %mul3A_70 = arith.muli %mul3A_69, %scan3A_68 : i32
      %add3A_71 = arith.constant 0 : i32
      %add3A_72 = arith.addi %mul3A_70, %add3A_71 : i32
      %dma_wait3A = arith.constant 0 : i32
      %dma_wait3A_73 = arith.constant 0 : i32
      %dma_wait3A_74 = tpu.memref_slice %arg2[%dma_wait3A, %dma_wait3A_73] : memref<10240x128xf32, #tpu.memory_space<hbm>> -> memref<10240x128xf32, #tpu.memory_space<hbm>>
      tpu.wait_indirect_dma semaphore(%arg16 : memref<!tpu.dma_semaphore, #tpu.memory_space<semaphore_mem>>) src(%dma_wait3A_74 : memref<10240x128xf32, #tpu.memory_space<hbm>>) dst(%arg12 : memref<112x128xf32, #tpu.memory_space<vmem>>)
      "tpu.region"() ({
        %run_scoped3A = tpu.sem_alloc : memref<!tpu.dma_semaphore, #tpu.memory_space<semaphore_mem>>
        %dma_start3A_107 = arith.constant 0 : i32
        %dma_start3A_108 = arith.constant 0 : i32
        %dma_start3A_109 = tpu.memref_slice %arg15[%dma_start3A_107, %dma_start3A_108] : memref<10240x128xf32, #tpu.memory_space<vmem_shared>> -> memref<10240x128xf32, #tpu.memory_space<vmem_shared>>
        tpu.enqueue_indirect_dma source(%arg12 : memref<112x128xf32, #tpu.memory_space<vmem>>) target(%dma_start3A_109 : memref<10240x128xf32, #tpu.memory_space<vmem_shared>>) offsets(%arg7 : memref<112xi32, #tpu.memory_space<vmem>>) semaphore(%run_scoped3A : memref<!tpu.dma_semaphore, #tpu.memory_space<semaphore_mem>>) {add = true}
        %dma_wait3A_110 = arith.constant 0 : i32
        %dma_wait3A_111 = arith.constant 0 : i32
        %dma_wait3A_112 = tpu.memref_slice %arg15[%dma_wait3A_110, %dma_wait3A_111] : memref<10240x128xf32, #tpu.memory_space<vmem_shared>> -> memref<10240x128xf32, #tpu.memory_space<vmem_shared>>
        tpu.wait_indirect_dma semaphore(%run_scoped3A : memref<!tpu.dma_semaphore, #tpu.memory_space<semaphore_mem>>) src(%arg12 : memref<112x128xf32, #tpu.memory_space<vmem>>) dst(%dma_wait3A_112 : memref<10240x128xf32, #tpu.memory_space<vmem_shared>>)
        tpu.yield
      }) : () -> ()
      %add3A_75 = arith.constant 3 : i32
      %add3A_76 = arith.addi %add3A_72, %add3A_75 : i32
      %lt3A = arith.constant 90 : i32
      %lt3A_77 = arith.cmpi slt, %add3A_76, %lt3A : i32
      %convert_element_type3A = arith.extui %lt3A_77 : i1 to i32
      %cond3A = arith.constant 0 : i32
      %cond3A_78 = arith.cmpi ne, %convert_element_type3A, %cond3A : i32
      scf.if %cond3A_78 {
        %add3A_107 = arith.constant 3 : i32
        %add3A_108 = arith.addi %add3A_72, %add3A_107 : i32
        %mul3A_109 = arith.constant 90 : i32
        %mul3A_110 = arith.muli %add3A, %mul3A_109 : i32
        %add3A_111 = arith.addi %mul3A_110, %add3A_108 : i32
        %mul3A_112 = arith.constant 112 : i32
        %mul3A_113 = arith.muli %add3A_111, %mul3A_112 : i32
        "tpu.region"() ({
          %run_scoped3A = tpu.sem_alloc : memref<!tpu.dma_semaphore, #tpu.memory_space<semaphore_mem>>
          %dma_start3A_117 = tpu.memref_slice %arg3[%mul3A_113] : memref<322560xi32, #tpu.memory_space<hbm>> -> memref<112xi32, #tpu.memory_space<hbm>>
          %dma_start3A_118 = tpu.memref_slice %arg3[%mul3A_113] : memref<322560xi32, #tpu.memory_space<hbm>> -> memref<112xi32, #tpu.memory_space<hbm>>
          tpu.enqueue_dma source(%dma_start3A_118 : memref<112xi32, #tpu.memory_space<hbm>>) target(%arg6 : memref<112xi32, #tpu.memory_space<vmem>>) target_semaphore(%run_scoped3A : memref<!tpu.dma_semaphore, #tpu.memory_space<semaphore_mem>>)
          %dma_wait3A_119 = tpu.memref_slice %arg3[%mul3A_113] : memref<322560xi32, #tpu.memory_space<hbm>> -> memref<112xi32, #tpu.memory_space<hbm>>
          %dma_wait3A_120 = tpu.memref_slice %arg3[%mul3A_113] : memref<322560xi32, #tpu.memory_space<hbm>> -> memref<112xi32, #tpu.memory_space<hbm>>
          tpu.wait_dma2 semaphore(%run_scoped3A : memref<!tpu.dma_semaphore, #tpu.memory_space<semaphore_mem>>) src(%dma_wait3A_120 : memref<112xi32, #tpu.memory_space<hbm>>) dst(%arg6 : memref<112xi32, #tpu.memory_space<vmem>>)
          tpu.yield
        }) : () -> ()
        "tpu.region"() ({
          %run_scoped3A = tpu.sem_alloc : memref<!tpu.dma_semaphore, #tpu.memory_space<semaphore_mem>>
          %dma_start3A_117 = tpu.memref_slice %arg4[%mul3A_113] : memref<322560xi32, #tpu.memory_space<hbm>> -> memref<112xi32, #tpu.memory_space<hbm>>
          %dma_start3A_118 = tpu.memref_slice %arg4[%mul3A_113] : memref<322560xi32, #tpu.memory_space<hbm>> -> memref<112xi32, #tpu.memory_space<hbm>>
          tpu.enqueue_dma source(%dma_start3A_118 : memref<112xi32, #tpu.memory_space<hbm>>) target(%arg7 : memref<112xi32, #tpu.memory_space<vmem>>) target_semaphore(%run_scoped3A : memref<!tpu.dma_semaphore, #tpu.memory_space<semaphore_mem>>)
          %dma_wait3A_119 = tpu.memref_slice %arg4[%mul3A_113] : memref<322560xi32, #tpu.memory_space<hbm>> -> memref<112xi32, #tpu.memory_space<hbm>>
          %dma_wait3A_120 = tpu.memref_slice %arg4[%mul3A_113] : memref<322560xi32, #tpu.memory_space<hbm>> -> memref<112xi32, #tpu.memory_space<hbm>>
          tpu.wait_dma2 semaphore(%run_scoped3A : memref<!tpu.dma_semaphore, #tpu.memory_space<semaphore_mem>>) src(%dma_wait3A_120 : memref<112xi32, #tpu.memory_space<hbm>>) dst(%arg7 : memref<112xi32, #tpu.memory_space<vmem>>)
          tpu.yield
        }) : () -> ()
        %dma_start3A_114 = arith.constant 0 : i32
        %dma_start3A_115 = arith.constant 0 : i32
        %dma_start3A_116 = tpu.memref_slice %arg2[%dma_start3A_114, %dma_start3A_115] : memref<10240x128xf32, #tpu.memory_space<hbm>> -> memref<10240x128xf32, #tpu.memory_space<hbm>>
        tpu.enqueue_indirect_dma source(%dma_start3A_116 : memref<10240x128xf32, #tpu.memory_space<hbm>>) target(%arg12 : memref<112x128xf32, #tpu.memory_space<vmem>>) offsets(%arg6 : memref<112xi32, #tpu.memory_space<vmem>>) semaphore(%arg16 : memref<!tpu.dma_semaphore, #tpu.memory_space<semaphore_mem>>)
      } else {
      }
      %mul3A_79 = arith.constant 3 : i32
      %mul3A_80 = arith.muli %mul3A_79, %scan3A_68 : i32
      %add3A_81 = arith.constant 1 : i32
      %add3A_82 = arith.addi %mul3A_80, %add3A_81 : i32
      %dma_wait3A_83 = arith.constant 0 : i32
      %dma_wait3A_84 = arith.constant 0 : i32
      %dma_wait3A_85 = tpu.memref_slice %arg2[%dma_wait3A_83, %dma_wait3A_84] : memref<10240x128xf32, #tpu.memory_space<hbm>> -> memref<10240x128xf32, #tpu.memory_space<hbm>>
      tpu.wait_indirect_dma semaphore(%arg17 : memref<!tpu.dma_semaphore, #tpu.memory_space<semaphore_mem>>) src(%dma_wait3A_85 : memref<10240x128xf32, #tpu.memory_space<hbm>>) dst(%arg13 : memref<112x128xf32, #tpu.memory_space<vmem>>)
      "tpu.region"() ({
        %run_scoped3A = tpu.sem_alloc : memref<!tpu.dma_semaphore, #tpu.memory_space<semaphore_mem>>
        %dma_start3A_107 = arith.constant 0 : i32
        %dma_start3A_108 = arith.constant 0 : i32
        %dma_start3A_109 = tpu.memref_slice %arg15[%dma_start3A_107, %dma_start3A_108] : memref<10240x128xf32, #tpu.memory_space<vmem_shared>> -> memref<10240x128xf32, #tpu.memory_space<vmem_shared>>
        tpu.enqueue_indirect_dma source(%arg13 : memref<112x128xf32, #tpu.memory_space<vmem>>) target(%dma_start3A_109 : memref<10240x128xf32, #tpu.memory_space<vmem_shared>>) offsets(%arg9 : memref<112xi32, #tpu.memory_space<vmem>>) semaphore(%run_scoped3A : memref<!tpu.dma_semaphore, #tpu.memory_space<semaphore_mem>>) {add = true}
        %dma_wait3A_110 = arith.constant 0 : i32
        %dma_wait3A_111 = arith.constant 0 : i32
        %dma_wait3A_112 = tpu.memref_slice %arg15[%dma_wait3A_110, %dma_wait3A_111] : memref<10240x128xf32, #tpu.memory_space<vmem_shared>> -> memref<10240x128xf32, #tpu.memory_space<vmem_shared>>
        tpu.wait_indirect_dma semaphore(%run_scoped3A : memref<!tpu.dma_semaphore, #tpu.memory_space<semaphore_mem>>) src(%arg13 : memref<112x128xf32, #tpu.memory_space<vmem>>) dst(%dma_wait3A_112 : memref<10240x128xf32, #tpu.memory_space<vmem_shared>>)
        tpu.yield
      }) : () -> ()
      %add3A_86 = arith.constant 3 : i32
      %add3A_87 = arith.addi %add3A_82, %add3A_86 : i32
      %lt3A_88 = arith.constant 90 : i32
      %lt3A_89 = arith.cmpi slt, %add3A_87, %lt3A_88 : i32
      %convert_element_type3A_90 = arith.extui %lt3A_89 : i1 to i32
      %cond3A_91 = arith.constant 0 : i32
      %cond3A_92 = arith.cmpi ne, %convert_element_type3A_90, %cond3A_91 : i32
      scf.if %cond3A_92 {
        %add3A_107 = arith.constant 3 : i32
        %add3A_108 = arith.addi %add3A_82, %add3A_107 : i32
        %mul3A_109 = arith.constant 90 : i32
        %mul3A_110 = arith.muli %add3A, %mul3A_109 : i32
        %add3A_111 = arith.addi %mul3A_110, %add3A_108 : i32
        %mul3A_112 = arith.constant 112 : i32
        %mul3A_113 = arith.muli %add3A_111, %mul3A_112 : i32
        "tpu.region"() ({
          %run_scoped3A = tpu.sem_alloc : memref<!tpu.dma_semaphore, #tpu.memory_space<semaphore_mem>>
          %dma_start3A_117 = tpu.memref_slice %arg3[%mul3A_113] : memref<322560xi32, #tpu.memory_space<hbm>> -> memref<112xi32, #tpu.memory_space<hbm>>
          %dma_start3A_118 = tpu.memref_slice %arg3[%mul3A_113] : memref<322560xi32, #tpu.memory_space<hbm>> -> memref<112xi32, #tpu.memory_space<hbm>>
          tpu.enqueue_dma source(%dma_start3A_118 : memref<112xi32, #tpu.memory_space<hbm>>) target(%arg8 : memref<112xi32, #tpu.memory_space<vmem>>) target_semaphore(%run_scoped3A : memref<!tpu.dma_semaphore, #tpu.memory_space<semaphore_mem>>)
          %dma_wait3A_119 = tpu.memref_slice %arg3[%mul3A_113] : memref<322560xi32, #tpu.memory_space<hbm>> -> memref<112xi32, #tpu.memory_space<hbm>>
          %dma_wait3A_120 = tpu.memref_slice %arg3[%mul3A_113] : memref<322560xi32, #tpu.memory_space<hbm>> -> memref<112xi32, #tpu.memory_space<hbm>>
          tpu.wait_dma2 semaphore(%run_scoped3A : memref<!tpu.dma_semaphore, #tpu.memory_space<semaphore_mem>>) src(%dma_wait3A_120 : memref<112xi32, #tpu.memory_space<hbm>>) dst(%arg8 : memref<112xi32, #tpu.memory_space<vmem>>)
          tpu.yield
        }) : () -> ()
        "tpu.region"() ({
          %run_scoped3A = tpu.sem_alloc : memref<!tpu.dma_semaphore, #tpu.memory_space<semaphore_mem>>
          %dma_start3A_117 = tpu.memref_slice %arg4[%mul3A_113] : memref<322560xi32, #tpu.memory_space<hbm>> -> memref<112xi32, #tpu.memory_space<hbm>>
          %dma_start3A_118 = tpu.memref_slice %arg4[%mul3A_113] : memref<322560xi32, #tpu.memory_space<hbm>> -> memref<112xi32, #tpu.memory_space<hbm>>
          tpu.enqueue_dma source(%dma_start3A_118 : memref<112xi32, #tpu.memory_space<hbm>>) target(%arg9 : memref<112xi32, #tpu.memory_space<vmem>>) target_semaphore(%run_scoped3A : memref<!tpu.dma_semaphore, #tpu.memory_space<semaphore_mem>>)
          %dma_wait3A_119 = tpu.memref_slice %arg4[%mul3A_113] : memref<322560xi32, #tpu.memory_space<hbm>> -> memref<112xi32, #tpu.memory_space<hbm>>
          %dma_wait3A_120 = tpu.memref_slice %arg4[%mul3A_113] : memref<322560xi32, #tpu.memory_space<hbm>> -> memref<112xi32, #tpu.memory_space<hbm>>
          tpu.wait_dma2 semaphore(%run_scoped3A : memref<!tpu.dma_semaphore, #tpu.memory_space<semaphore_mem>>) src(%dma_wait3A_120 : memref<112xi32, #tpu.memory_space<hbm>>) dst(%arg9 : memref<112xi32, #tpu.memory_space<vmem>>)
          tpu.yield
        }) : () -> ()
        %dma_start3A_114 = arith.constant 0 : i32
        %dma_start3A_115 = arith.constant 0 : i32
        %dma_start3A_116 = tpu.memref_slice %arg2[%dma_start3A_114, %dma_start3A_115] : memref<10240x128xf32, #tpu.memory_space<hbm>> -> memref<10240x128xf32, #tpu.memory_space<hbm>>
        tpu.enqueue_indirect_dma source(%dma_start3A_116 : memref<10240x128xf32, #tpu.memory_space<hbm>>) target(%arg13 : memref<112x128xf32, #tpu.memory_space<vmem>>) offsets(%arg8 : memref<112xi32, #tpu.memory_space<vmem>>) semaphore(%arg17 : memref<!tpu.dma_semaphore, #tpu.memory_space<semaphore_mem>>)
      } else {
      }
      %mul3A_93 = arith.constant 3 : i32
      %mul3A_94 = arith.muli %mul3A_93, %scan3A_68 : i32
      %add3A_95 = arith.constant 2 : i32
      %add3A_96 = arith.addi %mul3A_94, %add3A_95 : i32
      %dma_wait3A_97 = arith.constant 0 : i32
      %dma_wait3A_98 = arith.constant 0 : i32
      %dma_wait3A_99 = tpu.memref_slice %arg2[%dma_wait3A_97, %dma_wait3A_98] : memref<10240x128xf32, #tpu.memory_space<hbm>> -> memref<10240x128xf32, #tpu.memory_space<hbm>>
      tpu.wait_indirect_dma semaphore(%arg18 : memref<!tpu.dma_semaphore, #tpu.memory_space<semaphore_mem>>) src(%dma_wait3A_99 : memref<10240x128xf32, #tpu.memory_space<hbm>>) dst(%arg14 : memref<112x128xf32, #tpu.memory_space<vmem>>)
      "tpu.region"() ({
        %run_scoped3A = tpu.sem_alloc : memref<!tpu.dma_semaphore, #tpu.memory_space<semaphore_mem>>
        %dma_start3A_107 = arith.constant 0 : i32
        %dma_start3A_108 = arith.constant 0 : i32
        %dma_start3A_109 = tpu.memref_slice %arg15[%dma_start3A_107, %dma_start3A_108] : memref<10240x128xf32, #tpu.memory_space<vmem_shared>> -> memref<10240x128xf32, #tpu.memory_space<vmem_shared>>
        tpu.enqueue_indirect_dma source(%arg14 : memref<112x128xf32, #tpu.memory_space<vmem>>) target(%dma_start3A_109 : memref<10240x128xf32, #tpu.memory_space<vmem_shared>>) offsets(%arg11 : memref<112xi32, #tpu.memory_space<vmem>>) semaphore(%run_scoped3A : memref<!tpu.dma_semaphore, #tpu.memory_space<semaphore_mem>>) {add = true}
        %dma_wait3A_110 = arith.constant 0 : i32
        %dma_wait3A_111 = arith.constant 0 : i32
        %dma_wait3A_112 = tpu.memref_slice %arg15[%dma_wait3A_110, %dma_wait3A_111] : memref<10240x128xf32, #tpu.memory_space<vmem_shared>> -> memref<10240x128xf32, #tpu.memory_space<vmem_shared>>
        tpu.wait_indirect_dma semaphore(%run_scoped3A : memref<!tpu.dma_semaphore, #tpu.memory_space<semaphore_mem>>) src(%arg14 : memref<112x128xf32, #tpu.memory_space<vmem>>) dst(%dma_wait3A_112 : memref<10240x128xf32, #tpu.memory_space<vmem_shared>>)
        tpu.yield
      }) : () -> ()
      %add3A_100 = arith.constant 3 : i32
      %add3A_101 = arith.addi %add3A_96, %add3A_100 : i32
      %lt3A_102 = arith.constant 90 : i32
      %lt3A_103 = arith.cmpi slt, %add3A_101, %lt3A_102 : i32
      %convert_element_type3A_104 = arith.extui %lt3A_103 : i1 to i32
      %cond3A_105 = arith.constant 0 : i32
      %cond3A_106 = arith.cmpi ne, %convert_element_type3A_104, %cond3A_105 : i32
      scf.if %cond3A_106 {
        %add3A_107 = arith.constant 3 : i32
        %add3A_108 = arith.addi %add3A_96, %add3A_107 : i32
        %mul3A_109 = arith.constant 90 : i32
        %mul3A_110 = arith.muli %add3A, %mul3A_109 : i32
        %add3A_111 = arith.addi %mul3A_110, %add3A_108 : i32
        %mul3A_112 = arith.constant 112 : i32
        %mul3A_113 = arith.muli %add3A_111, %mul3A_112 : i32
        "tpu.region"() ({
          %run_scoped3A = tpu.sem_alloc : memref<!tpu.dma_semaphore, #tpu.memory_space<semaphore_mem>>
          %dma_start3A_117 = tpu.memref_slice %arg3[%mul3A_113] : memref<322560xi32, #tpu.memory_space<hbm>> -> memref<112xi32, #tpu.memory_space<hbm>>
          %dma_start3A_118 = tpu.memref_slice %arg3[%mul3A_113] : memref<322560xi32, #tpu.memory_space<hbm>> -> memref<112xi32, #tpu.memory_space<hbm>>
          tpu.enqueue_dma source(%dma_start3A_118 : memref<112xi32, #tpu.memory_space<hbm>>) target(%arg10 : memref<112xi32, #tpu.memory_space<vmem>>) target_semaphore(%run_scoped3A : memref<!tpu.dma_semaphore, #tpu.memory_space<semaphore_mem>>)
          %dma_wait3A_119 = tpu.memref_slice %arg3[%mul3A_113] : memref<322560xi32, #tpu.memory_space<hbm>> -> memref<112xi32, #tpu.memory_space<hbm>>
          %dma_wait3A_120 = tpu.memref_slice %arg3[%mul3A_113] : memref<322560xi32, #tpu.memory_space<hbm>> -> memref<112xi32, #tpu.memory_space<hbm>>
          tpu.wait_dma2 semaphore(%run_scoped3A : memref<!tpu.dma_semaphore, #tpu.memory_space<semaphore_mem>>) src(%dma_wait3A_120 : memref<112xi32, #tpu.memory_space<hbm>>) dst(%arg10 : memref<112xi32, #tpu.memory_space<vmem>>)
          tpu.yield
        }) : () -> ()
        "tpu.region"() ({
          %run_scoped3A = tpu.sem_alloc : memref<!tpu.dma_semaphore, #tpu.memory_space<semaphore_mem>>
          %dma_start3A_117 = tpu.memref_slice %arg4[%mul3A_113] : memref<322560xi32, #tpu.memory_space<hbm>> -> memref<112xi32, #tpu.memory_space<hbm>>
          %dma_start3A_118 = tpu.memref_slice %arg4[%mul3A_113] : memref<322560xi32, #tpu.memory_space<hbm>> -> memref<112xi32, #tpu.memory_space<hbm>>
          tpu.enqueue_dma source(%dma_start3A_118 : memref<112xi32, #tpu.memory_space<hbm>>) target(%arg11 : memref<112xi32, #tpu.memory_space<vmem>>) target_semaphore(%run_scoped3A : memref<!tpu.dma_semaphore, #tpu.memory_space<semaphore_mem>>)
          %dma_wait3A_119 = tpu.memref_slice %arg4[%mul3A_113] : memref<322560xi32, #tpu.memory_space<hbm>> -> memref<112xi32, #tpu.memory_space<hbm>>
          %dma_wait3A_120 = tpu.memref_slice %arg4[%mul3A_113] : memref<322560xi32, #tpu.memory_space<hbm>> -> memref<112xi32, #tpu.memory_space<hbm>>
          tpu.wait_dma2 semaphore(%run_scoped3A : memref<!tpu.dma_semaphore, #tpu.memory_space<semaphore_mem>>) src(%dma_wait3A_120 : memref<112xi32, #tpu.memory_space<hbm>>) dst(%arg11 : memref<112xi32, #tpu.memory_space<vmem>>)
          tpu.yield
        }) : () -> ()
        %dma_start3A_114 = arith.constant 0 : i32
        %dma_start3A_115 = arith.constant 0 : i32
        %dma_start3A_116 = tpu.memref_slice %arg2[%dma_start3A_114, %dma_start3A_115] : memref<10240x128xf32, #tpu.memory_space<hbm>> -> memref<10240x128xf32, #tpu.memory_space<hbm>>
        tpu.enqueue_indirect_dma source(%dma_start3A_116 : memref<10240x128xf32, #tpu.memory_space<hbm>>) target(%arg14 : memref<112x128xf32, #tpu.memory_space<vmem>>) offsets(%arg10 : memref<112xi32, #tpu.memory_space<vmem>>) semaphore(%arg18 : memref<!tpu.dma_semaphore, #tpu.memory_space<semaphore_mem>>)
      } else {
      }
    }
    %scan3A_62 = arith.constant 30 : i32
    %barrier3A_63 = arith.constant 0 : index
    tpu.barrier barrier_id(%barrier3A_63)
    %mul3A_64 = arith.constant 640 : i32
    %mul3A_65 = arith.muli %arg1, %mul3A_64 : i32
    %mul3A_66 = arith.constant 640 : i32
    %mul3A_67 = arith.muli %arg1, %mul3A_66 : i32
    "tpu.region"() ({
      %run_scoped3A = tpu.sem_alloc : memref<!tpu.dma_semaphore, #tpu.memory_space<semaphore_mem>>
      %dma_start3A_68 = arith.constant 0 : i32
      %dma_start3A_69 = tpu.memref_slice %arg5[%arg0, %mul3A_67, %dma_start3A_68] : memref<2x10240x128xf32, #tpu.memory_space<hbm>> -> memref<1x640x128xf32, #tpu.memory_space<hbm>>
      %dma_start3A_70 = tpu.memref_squeeze %dma_start3A_69 : memref<1x640x128xf32, #tpu.memory_space<hbm>> -> memref<640x128xf32, #tpu.memory_space<hbm>>
      %dma_start3A_71 = arith.constant 0 : i32
      %dma_start3A_72 = tpu.memref_slice %arg15[%mul3A_65, %dma_start3A_71] : memref<10240x128xf32, #tpu.memory_space<vmem_shared>> -> memref<640x128xf32, #tpu.memory_space<vmem_shared>>
      tpu.enqueue_dma source(%dma_start3A_72 : memref<640x128xf32, #tpu.memory_space<vmem_shared>>) target(%dma_start3A_70 : memref<640x128xf32, #tpu.memory_space<hbm>>) target_semaphore(%run_scoped3A : memref<!tpu.dma_semaphore, #tpu.memory_space<semaphore_mem>>)
      %dma_wait3A = arith.constant 0 : i32
      %dma_wait3A_73 = tpu.memref_slice %arg5[%arg0, %mul3A_67, %dma_wait3A] : memref<2x10240x128xf32, #tpu.memory_space<hbm>> -> memref<1x640x128xf32, #tpu.memory_space<hbm>>
      %dma_wait3A_74 = tpu.memref_squeeze %dma_wait3A_73 : memref<1x640x128xf32, #tpu.memory_space<hbm>> -> memref<640x128xf32, #tpu.memory_space<hbm>>
      %dma_wait3A_75 = arith.constant 0 : i32
      %dma_wait3A_76 = tpu.memref_slice %arg15[%mul3A_65, %dma_wait3A_75] : memref<10240x128xf32, #tpu.memory_space<vmem_shared>> -> memref<640x128xf32, #tpu.memory_space<vmem_shared>>
      tpu.wait_dma2 semaphore(%run_scoped3A : memref<!tpu.dma_semaphore, #tpu.memory_space<semaphore_mem>>) src(%dma_wait3A_76 : memref<640x128xf32, #tpu.memory_space<vmem_shared>>) dst(%dma_wait3A_74 : memref<640x128xf32, #tpu.memory_space<hbm>>)
      tpu.yield
    }) : () -> ()
    return
  }
}

#map = affine_map<(d0, d1) -> (0, 0)>
#map1 = affine_map<(d0, d1) -> (0)>
#map2 = affine_map<(d0, d1) -> (0, 0, 0)>
module attributes {stable_mosaic.version = 14 : i64} {
  func.func @body(%arg0: i32, %arg1: i32, %arg2: memref<10240x128xf32, #tpu.memory_space<hbm>>, %arg3: memref<322560xi32, #tpu.memory_space<hbm>>, %arg4: memref<322560xi32, #tpu.memory_space<hbm>>, %arg5: memref<2x10240x128xf32, #tpu.memory_space<hbm>>, %arg6: memref<112xi32, #tpu.memory_space<vmem>>, %arg7: memref<112xi32, #tpu.memory_space<vmem>>, %arg8: memref<112xi32, #tpu.memory_space<vmem>>, %arg9: memref<112xi32, #tpu.memory_space<vmem>>, %arg10: memref<112xi32, #tpu.memory_space<vmem>>, %arg11: memref<112xi32, #tpu.memory_space<vmem>>, %arg12: memref<112x128xf32, #tpu.memory_space<vmem>>, %arg13: memref<112x128xf32, #tpu.memory_space<vmem>>, %arg14: memref<112x128xf32, #tpu.memory_space<vmem>>, %arg15: memref<10240x128xf32, #tpu.memory_space<vmem_shared>>, %arg16: memref<!tpu.dma_semaphore, #tpu.memory_space<semaphore_mem>>, %arg17: memref<!tpu.dma_semaphore, #tpu.memory_space<semaphore_mem>>, %arg18: memref<!tpu.dma_semaphore, #tpu.memory_space<semaphore_mem>>) attributes {dimension_semantics = [#tpu.dimension_semantics<core_parallel>, #tpu.dimension_semantics<subcore_parallel>], iteration_bounds = array<i64: 2, 16>, scalar_prefetch = 0 : i64, scratch_operands = 13 : i64, tpu.core_type = #tpu.core_type<sc_vector_subcore>, window_params = [{transform_indices = #map}, {transform_indices = #map1}, {transform_indices = #map1}, {transform_indices = #map2}]} {
    %mul3A = arith.constant 2 : i32
    %mul3A_0 = arith.muli %arg1, %mul3A : i32
    %add3A = arith.addi %mul3A_0, %arg0 : i32
    %broadcast_in_dim3A = arith.constant 0.000000e+00 : f32
    %broadcast_in_dim3A_1 = vector.broadcast %broadcast_in_dim3A : f32 to vector<16xf32>
    %scan3A = arith.constant 0 : i32
    %scan3A_2 = arith.constant 0 : i32
    %scan3A_3 = arith.constant 112 : i32
    %scan3A_4 = arith.addi %scan3A_2, %scan3A_3 : i32
    %scan3A_5 = arith.constant 1 : i32
    scf.for %scan3A_68 = %scan3A_2 to %scan3A_4 step %scan3A_5  : i32 {
      %swap3A = arith.index_cast %scan3A_68 : i32 to index
      %swap3A_69 = arith.constant 0 : index
      %swap3A_70 = tpu.vector_load %arg12[%swap3A, %swap3A_69] {strides = array<i32>} : memref<112x128xf32, #tpu.memory_space<vmem>>, vector<1x16xf32>,
      %swap3A_71 = vector.shape_cast %swap3A_70 : vector<1x16xf32> to vector<16xf32>
      %swap3A_72 = vector.shape_cast %broadcast_in_dim3A_1 : vector<16xf32> to vector<1x16xf32>
      tpu.vector_store %arg12[%swap3A, %swap3A_69], %swap3A_72 {strides = array<i32>} : memref<112x128xf32, #tpu.memory_space<vmem>>, vector<1x16xf32>,
      %swap3A_73 = arith.index_cast %scan3A_68 : i32 to index
      %swap3A_74 = arith.constant 16 : index
      %swap3A_75 = tpu.vector_load %arg12[%swap3A_73, %swap3A_74] {strides = array<i32>} : memref<112x128xf32, #tpu.memory_space<vmem>>, vector<1x16xf32>,
      %swap3A_76 = vector.shape_cast %swap3A_75 : vector<1x16xf32> to vector<16xf32>
      %swap3A_77 = vector.shape_cast %broadcast_in_dim3A_1 : vector<16xf32> to vector<1x16xf32>
      tpu.vector_store %arg12[%swap3A_73, %swap3A_74], %swap3A_77 {strides = array<i32>} : memref<112x128xf32, #tpu.memory_space<vmem>>, vector<1x16xf32>,
      %swap3A_78 = arith.index_cast %scan3A_68 : i32 to index
      %swap3A_79 = arith.constant 32 : index
      %swap3A_80 = tpu.vector_load %arg12[%swap3A_78, %swap3A_79] {strides = array<i32>} : memref<112x128xf32, #tpu.memory_space<vmem>>, vector<1x16xf32>,
      %swap3A_81 = vector.shape_cast %swap3A_80 : vector<1x16xf32> to vector<16xf32>
      %swap3A_82 = vector.shape_cast %broadcast_in_dim3A_1 : vector<16xf32> to vector<1x16xf32>
      tpu.vector_store %arg12[%swap3A_78, %swap3A_79], %swap3A_82 {strides = array<i32>} : memref<112x128xf32, #tpu.memory_space<vmem>>, vector<1x16xf32>,
      %swap3A_83 = arith.index_cast %scan3A_68 : i32 to index
      %swap3A_84 = arith.constant 48 : index
      %swap3A_85 = tpu.vector_load %arg12[%swap3A_83, %swap3A_84] {strides = array<i32>} : memref<112x128xf32, #tpu.memory_space<vmem>>, vector<1x16xf32>,
      %swap3A_86 = vector.shape_cast %swap3A_85 : vector<1x16xf32> to vector<16xf32>
      %swap3A_87 = vector.shape_cast %broadcast_in_dim3A_1 : vector<16xf32> to vector<1x16xf32>
      tpu.vector_store %arg12[%swap3A_83, %swap3A_84], %swap3A_87 {strides = array<i32>} : memref<112x128xf32, #tpu.memory_space<vmem>>, vector<1x16xf32>,
      %swap3A_88 = arith.index_cast %scan3A_68 : i32 to index
      %swap3A_89 = arith.constant 64 : index
      %swap3A_90 = tpu.vector_load %arg12[%swap3A_88, %swap3A_89] {strides = array<i32>} : memref<112x128xf32, #tpu.memory_space<vmem>>, vector<1x16xf32>,
      %swap3A_91 = vector.shape_cast %swap3A_90 : vector<1x16xf32> to vector<16xf32>
      %swap3A_92 = vector.shape_cast %broadcast_in_dim3A_1 : vector<16xf32> to vector<1x16xf32>
      tpu.vector_store %arg12[%swap3A_88, %swap3A_89], %swap3A_92 {strides = array<i32>} : memref<112x128xf32, #tpu.memory_space<vmem>>, vector<1x16xf32>,
      %swap3A_93 = arith.index_cast %scan3A_68 : i32 to index
      %swap3A_94 = arith.constant 80 : index
      %swap3A_95 = tpu.vector_load %arg12[%swap3A_93, %swap3A_94] {strides = array<i32>} : memref<112x128xf32, #tpu.memory_space<vmem>>, vector<1x16xf32>,
      %swap3A_96 = vector.shape_cast %swap3A_95 : vector<1x16xf32> to vector<16xf32>
      %swap3A_97 = vector.shape_cast %broadcast_in_dim3A_1 : vector<16xf32> to vector<1x16xf32>
      tpu.vector_store %arg12[%swap3A_93, %swap3A_94], %swap3A_97 {strides = array<i32>} : memref<112x128xf32, #tpu.memory_space<vmem>>, vector<1x16xf32>,
      %swap3A_98 = arith.index_cast %scan3A_68 : i32 to index
      %swap3A_99 = arith.constant 96 : index
      %swap3A_100 = tpu.vector_load %arg12[%swap3A_98, %swap3A_99] {strides = array<i32>} : memref<112x128xf32, #tpu.memory_space<vmem>>, vector<1x16xf32>,
      %swap3A_101 = vector.shape_cast %swap3A_100 : vector<1x16xf32> to vector<16xf32>
      %swap3A_102 = vector.shape_cast %broadcast_in_dim3A_1 : vector<16xf32> to vector<1x16xf32>
      tpu.vector_store %arg12[%swap3A_98, %swap3A_99], %swap3A_102 {strides = array<i32>} : memref<112x128xf32, #tpu.memory_space<vmem>>, vector<1x16xf32>,
      %swap3A_103 = arith.index_cast %scan3A_68 : i32 to index
      %swap3A_104 = arith.constant 112 : index
      %swap3A_105 = tpu.vector_load %arg12[%swap3A_103, %swap3A_104] {strides = array<i32>} : memref<112x128xf32, #tpu.memory_space<vmem>>, vector<1x16xf32>,
      %swap3A_106 = vector.shape_cast %swap3A_105 : vector<1x16xf32> to vector<16xf32>
      %swap3A_107 = vector.shape_cast %broadcast_in_dim3A_1 : vector<16xf32> to vector<1x16xf32>
      tpu.vector_store %arg12[%swap3A_103, %swap3A_104], %swap3A_107 {strides = array<i32>} : memref<112x128xf32, #tpu.memory_space<vmem>>, vector<1x16xf32>,
    }
    %scan3A_6 = arith.constant 112 : i32
    %mul3A_7 = arith.constant 640 : i32
    %mul3A_8 = arith.muli %arg1, %mul3A_7 : i32
    %add3A_9 = arith.constant 0 : i32
    %add3A_10 = arith.addi %mul3A_8, %add3A_9 : i32
    "tpu.region"() ({
      %run_scoped3A = tpu.sem_alloc : memref<!tpu.dma_semaphore, #tpu.memory_space<semaphore_mem>>
      %dma_start3A_68 = arith.constant 0 : i32
      %dma_start3A_69 = arith.constant 0 : i32
      %dma_start3A_70 = tpu.memref_slice %arg12[%dma_start3A_68, %dma_start3A_69] : memref<112x128xf32, #tpu.memory_space<vmem>> -> memref<112x128xf32, #tpu.memory_space<vmem>>
      %dma_start3A_71 = arith.constant 0 : i32
      %dma_start3A_72 = tpu.memref_slice %arg15[%add3A_10, %dma_start3A_71] : memref<10240x128xf32, #tpu.memory_space<vmem_shared>> -> memref<112x128xf32, #tpu.memory_space<vmem_shared>>
      %dma_start3A_73 = arith.constant 0 : i32
      %dma_start3A_74 = tpu.memref_slice %arg15[%add3A_10, %dma_start3A_73] : memref<10240x128xf32, #tpu.memory_space<vmem_shared>> -> memref<112x128xf32, #tpu.memory_space<vmem_shared>>
      %dma_start3A_75 = arith.constant 0 : i32
      %dma_start3A_76 = arith.constant 0 : i32
      %dma_start3A_77 = tpu.memref_slice %arg12[%dma_start3A_75, %dma_start3A_76] : memref<112x128xf32, #tpu.memory_space<vmem>> -> memref<112x128xf32, #tpu.memory_space<vmem>>
      tpu.enqueue_dma source(%dma_start3A_77 : memref<112x128xf32, #tpu.memory_space<vmem>>) target(%dma_start3A_74 : memref<112x128xf32, #tpu.memory_space<vmem_shared>>) target_semaphore(%run_scoped3A : memref<!tpu.dma_semaphore, #tpu.memory_space<semaphore_mem>>)
      %dma_wait3A = arith.constant 0 : i32
      %dma_wait3A_78 = arith.constant 0 : i32
      %dma_wait3A_79 = tpu.memref_slice %arg12[%dma_wait3A, %dma_wait3A_78] : memref<112x128xf32, #tpu.memory_space<vmem>> -> memref<112x128xf32, #tpu.memory_space<vmem>>
      %dma_wait3A_80 = arith.constant 0 : i32
      %dma_wait3A_81 = tpu.memref_slice %arg15[%add3A_10, %dma_wait3A_80] : memref<10240x128xf32, #tpu.memory_space<vmem_shared>> -> memref<112x128xf32, #tpu.memory_space<vmem_shared>>
      %dma_wait3A_82 = arith.constant 0 : i32
      %dma_wait3A_83 = tpu.memref_slice %arg15[%add3A_10, %dma_wait3A_82] : memref<10240x128xf32, #tpu.memory_space<vmem_shared>> -> memref<112x128xf32, #tpu.memory_space<vmem_shared>>
      %dma_wait3A_84 = arith.constant 0 : i32
      %dma_wait3A_85 = arith.constant 0 : i32
      %dma_wait3A_86 = tpu.memref_slice %arg12[%dma_wait3A_84, %dma_wait3A_85] : memref<112x128xf32, #tpu.memory_space<vmem>> -> memref<112x128xf32, #tpu.memory_space<vmem>>
      tpu.wait_dma2 semaphore(%run_scoped3A : memref<!tpu.dma_semaphore, #tpu.memory_space<semaphore_mem>>) src(%dma_wait3A_86 : memref<112x128xf32, #tpu.memory_space<vmem>>) dst(%dma_wait3A_83 : memref<112x128xf32, #tpu.memory_space<vmem_shared>>)
      tpu.yield
    }) : () -> ()
    %mul3A_11 = arith.constant 640 : i32
    %mul3A_12 = arith.muli %arg1, %mul3A_11 : i32
    %add3A_13 = arith.constant 112 : i32
    %add3A_14 = arith.addi %mul3A_12, %add3A_13 : i32
    "tpu.region"() ({
      %run_scoped3A = tpu.sem_alloc : memref<!tpu.dma_semaphore, #tpu.memory_space<semaphore_mem>>
      %dma_start3A_68 = arith.constant 0 : i32
      %dma_start3A_69 = arith.constant 0 : i32
      %dma_start3A_70 = tpu.memref_slice %arg12[%dma_start3A_68, %dma_start3A_69] : memref<112x128xf32, #tpu.memory_space<vmem>> -> memref<112x128xf32, #tpu.memory_space<vmem>>
      %dma_start3A_71 = arith.constant 0 : i32
      %dma_start3A_72 = tpu.memref_slice %arg15[%add3A_14, %dma_start3A_71] : memref<10240x128xf32, #tpu.memory_space<vmem_shared>> -> memref<112x128xf32, #tpu.memory_space<vmem_shared>>
      %dma_start3A_73 = arith.constant 0 : i32
      %dma_start3A_74 = tpu.memref_slice %arg15[%add3A_14, %dma_start3A_73] : memref<10240x128xf32, #tpu.memory_space<vmem_shared>> -> memref<112x128xf32, #tpu.memory_space<vmem_shared>>
      %dma_start3A_75 = arith.constant 0 : i32
      %dma_start3A_76 = arith.constant 0 : i32
      %dma_start3A_77 = tpu.memref_slice %arg12[%dma_start3A_75, %dma_start3A_76] : memref<112x128xf32, #tpu.memory_space<vmem>> -> memref<112x128xf32, #tpu.memory_space<vmem>>
      tpu.enqueue_dma source(%dma_start3A_77 : memref<112x128xf32, #tpu.memory_space<vmem>>) target(%dma_start3A_74 : memref<112x128xf32, #tpu.memory_space<vmem_shared>>) target_semaphore(%run_scoped3A : memref<!tpu.dma_semaphore, #tpu.memory_space<semaphore_mem>>)
      %dma_wait3A = arith.constant 0 : i32
      %dma_wait3A_78 = arith.constant 0 : i32
      %dma_wait3A_79 = tpu.memref_slice %arg12[%dma_wait3A, %dma_wait3A_78] : memref<112x128xf32, #tpu.memory_space<vmem>> -> memref<112x128xf32, #tpu.memory_space<vmem>>
      %dma_wait3A_80 = arith.constant 0 : i32
      %dma_wait3A_81 = tpu.memref_slice %arg15[%add3A_14, %dma_wait3A_80] : memref<10240x128xf32, #tpu.memory_space<vmem_shared>> -> memref<112x128xf32, #tpu.memory_space<vmem_shared>>
      %dma_wait3A_82 = arith.constant 0 : i32
      %dma_wait3A_83 = tpu.memref_slice %arg15[%add3A_14, %dma_wait3A_82] : memref<10240x128xf32, #tpu.memory_space<vmem_shared>> -> memref<112x128xf32, #tpu.memory_space<vmem_shared>>
      %dma_wait3A_84 = arith.constant 0 : i32
      %dma_wait3A_85 = arith.constant 0 : i32
      %dma_wait3A_86 = tpu.memref_slice %arg12[%dma_wait3A_84, %dma_wait3A_85] : memref<112x128xf32, #tpu.memory_space<vmem>> -> memref<112x128xf32, #tpu.memory_space<vmem>>
      tpu.wait_dma2 semaphore(%run_scoped3A : memref<!tpu.dma_semaphore, #tpu.memory_space<semaphore_mem>>) src(%dma_wait3A_86 : memref<112x128xf32, #tpu.memory_space<vmem>>) dst(%dma_wait3A_83 : memref<112x128xf32, #tpu.memory_space<vmem_shared>>)
      tpu.yield
    }) : () -> ()
    %mul3A_15 = arith.constant 640 : i32
    %mul3A_16 = arith.muli %arg1, %mul3A_15 : i32
    %add3A_17 = arith.constant 224 : i32
    %add3A_18 = arith.addi %mul3A_16, %add3A_17 : i32
    "tpu.region"() ({
      %run_scoped3A = tpu.sem_alloc : memref<!tpu.dma_semaphore, #tpu.memory_space<semaphore_mem>>
      %dma_start3A_68 = arith.constant 0 : i32
      %dma_start3A_69 = arith.constant 0 : i32
      %dma_start3A_70 = tpu.memref_slice %arg12[%dma_start3A_68, %dma_start3A_69] : memref<112x128xf32, #tpu.memory_space<vmem>> -> memref<112x128xf32, #tpu.memory_space<vmem>>
      %dma_start3A_71 = arith.constant 0 : i32
      %dma_start3A_72 = tpu.memref_slice %arg15[%add3A_18, %dma_start3A_71] : memref<10240x128xf32, #tpu.memory_space<vmem_shared>> -> memref<112x128xf32, #tpu.memory_space<vmem_shared>>
      %dma_start3A_73 = arith.constant 0 : i32
      %dma_start3A_74 = tpu.memref_slice %arg15[%add3A_18, %dma_start3A_73] : memref<10240x128xf32, #tpu.memory_space<vmem_shared>> -> memref<112x128xf32, #tpu.memory_space<vmem_shared>>
      %dma_start3A_75 = arith.constant 0 : i32
      %dma_start3A_76 = arith.constant 0 : i32
      %dma_start3A_77 = tpu.memref_slice %arg12[%dma_start3A_75, %dma_start3A_76] : memref<112x128xf32, #tpu.memory_space<vmem>> -> memref<112x128xf32, #tpu.memory_space<vmem>>
      tpu.enqueue_dma source(%dma_start3A_77 : memref<112x128xf32, #tpu.memory_space<vmem>>) target(%dma_start3A_74 : memref<112x128xf32, #tpu.memory_space<vmem_shared>>) target_semaphore(%run_scoped3A : memref<!tpu.dma_semaphore, #tpu.memory_space<semaphore_mem>>)
      %dma_wait3A = arith.constant 0 : i32
      %dma_wait3A_78 = arith.constant 0 : i32
      %dma_wait3A_79 = tpu.memref_slice %arg12[%dma_wait3A, %dma_wait3A_78] : memref<112x128xf32, #tpu.memory_space<vmem>> -> memref<112x128xf32, #tpu.memory_space<vmem>>
      %dma_wait3A_80 = arith.constant 0 : i32
      %dma_wait3A_81 = tpu.memref_slice %arg15[%add3A_18, %dma_wait3A_80] : memref<10240x128xf32, #tpu.memory_space<vmem_shared>> -> memref<112x128xf32, #tpu.memory_space<vmem_shared>>
      %dma_wait3A_82 = arith.constant 0 : i32
      %dma_wait3A_83 = tpu.memref_slice %arg15[%add3A_18, %dma_wait3A_82] : memref<10240x128xf32, #tpu.memory_space<vmem_shared>> -> memref<112x128xf32, #tpu.memory_space<vmem_shared>>
      %dma_wait3A_84 = arith.constant 0 : i32
      %dma_wait3A_85 = arith.constant 0 : i32
      %dma_wait3A_86 = tpu.memref_slice %arg12[%dma_wait3A_84, %dma_wait3A_85] : memref<112x128xf32, #tpu.memory_space<vmem>> -> memref<112x128xf32, #tpu.memory_space<vmem>>
      tpu.wait_dma2 semaphore(%run_scoped3A : memref<!tpu.dma_semaphore, #tpu.memory_space<semaphore_mem>>) src(%dma_wait3A_86 : memref<112x128xf32, #tpu.memory_space<vmem>>) dst(%dma_wait3A_83 : memref<112x128xf32, #tpu.memory_space<vmem_shared>>)
      tpu.yield
    }) : () -> ()
    %mul3A_19 = arith.constant 640 : i32
    %mul3A_20 = arith.muli %arg1, %mul3A_19 : i32
    %add3A_21 = arith.constant 336 : i32
    %add3A_22 = arith.addi %mul3A_20, %add3A_21 : i32
    "tpu.region"() ({
      %run_scoped3A = tpu.sem_alloc : memref<!tpu.dma_semaphore, #tpu.memory_space<semaphore_mem>>
      %dma_start3A_68 = arith.constant 0 : i32
      %dma_start3A_69 = arith.constant 0 : i32
      %dma_start3A_70 = tpu.memref_slice %arg12[%dma_start3A_68, %dma_start3A_69] : memref<112x128xf32, #tpu.memory_space<vmem>> -> memref<112x128xf32, #tpu.memory_space<vmem>>
      %dma_start3A_71 = arith.constant 0 : i32
      %dma_start3A_72 = tpu.memref_slice %arg15[%add3A_22, %dma_start3A_71] : memref<10240x128xf32, #tpu.memory_space<vmem_shared>> -> memref<112x128xf32, #tpu.memory_space<vmem_shared>>
      %dma_start3A_73 = arith.constant 0 : i32
      %dma_start3A_74 = tpu.memref_slice %arg15[%add3A_22, %dma_start3A_73] : memref<10240x128xf32, #tpu.memory_space<vmem_shared>> -> memref<112x128xf32, #tpu.memory_space<vmem_shared>>
      %dma_start3A_75 = arith.constant 0 : i32
      %dma_start3A_76 = arith.constant 0 : i32
      %dma_start3A_77 = tpu.memref_slice %arg12[%dma_start3A_75, %dma_start3A_76] : memref<112x128xf32, #tpu.memory_space<vmem>> -> memref<112x128xf32, #tpu.memory_space<vmem>>
      tpu.enqueue_dma source(%dma_start3A_77 : memref<112x128xf32, #tpu.memory_space<vmem>>) target(%dma_start3A_74 : memref<112x128xf32, #tpu.memory_space<vmem_shared>>) target_semaphore(%run_scoped3A : memref<!tpu.dma_semaphore, #tpu.memory_space<semaphore_mem>>)
      %dma_wait3A = arith.constant 0 : i32
      %dma_wait3A_78 = arith.constant 0 : i32
      %dma_wait3A_79 = tpu.memref_slice %arg12[%dma_wait3A, %dma_wait3A_78] : memref<112x128xf32, #tpu.memory_space<vmem>> -> memref<112x128xf32, #tpu.memory_space<vmem>>
      %dma_wait3A_80 = arith.constant 0 : i32
      %dma_wait3A_81 = tpu.memref_slice %arg15[%add3A_22, %dma_wait3A_80] : memref<10240x128xf32, #tpu.memory_space<vmem_shared>> -> memref<112x128xf32, #tpu.memory_space<vmem_shared>>
      %dma_wait3A_82 = arith.constant 0 : i32
      %dma_wait3A_83 = tpu.memref_slice %arg15[%add3A_22, %dma_wait3A_82] : memref<10240x128xf32, #tpu.memory_space<vmem_shared>> -> memref<112x128xf32, #tpu.memory_space<vmem_shared>>
      %dma_wait3A_84 = arith.constant 0 : i32
      %dma_wait3A_85 = arith.constant 0 : i32
      %dma_wait3A_86 = tpu.memref_slice %arg12[%dma_wait3A_84, %dma_wait3A_85] : memref<112x128xf32, #tpu.memory_space<vmem>> -> memref<112x128xf32, #tpu.memory_space<vmem>>
      tpu.wait_dma2 semaphore(%run_scoped3A : memref<!tpu.dma_semaphore, #tpu.memory_space<semaphore_mem>>) src(%dma_wait3A_86 : memref<112x128xf32, #tpu.memory_space<vmem>>) dst(%dma_wait3A_83 : memref<112x128xf32, #tpu.memory_space<vmem_shared>>)
      tpu.yield
    }) : () -> ()
    %mul3A_23 = arith.constant 640 : i32
    %mul3A_24 = arith.muli %arg1, %mul3A_23 : i32
    %add3A_25 = arith.constant 448 : i32
    %add3A_26 = arith.addi %mul3A_24, %add3A_25 : i32
    "tpu.region"() ({
      %run_scoped3A = tpu.sem_alloc : memref<!tpu.dma_semaphore, #tpu.memory_space<semaphore_mem>>
      %dma_start3A_68 = arith.constant 0 : i32
      %dma_start3A_69 = arith.constant 0 : i32
      %dma_start3A_70 = tpu.memref_slice %arg12[%dma_start3A_68, %dma_start3A_69] : memref<112x128xf32, #tpu.memory_space<vmem>> -> memref<112x128xf32, #tpu.memory_space<vmem>>
      %dma_start3A_71 = arith.constant 0 : i32
      %dma_start3A_72 = tpu.memref_slice %arg15[%add3A_26, %dma_start3A_71] : memref<10240x128xf32, #tpu.memory_space<vmem_shared>> -> memref<112x128xf32, #tpu.memory_space<vmem_shared>>
      %dma_start3A_73 = arith.constant 0 : i32
      %dma_start3A_74 = tpu.memref_slice %arg15[%add3A_26, %dma_start3A_73] : memref<10240x128xf32, #tpu.memory_space<vmem_shared>> -> memref<112x128xf32, #tpu.memory_space<vmem_shared>>
      %dma_start3A_75 = arith.constant 0 : i32
      %dma_start3A_76 = arith.constant 0 : i32
      %dma_start3A_77 = tpu.memref_slice %arg12[%dma_start3A_75, %dma_start3A_76] : memref<112x128xf32, #tpu.memory_space<vmem>> -> memref<112x128xf32, #tpu.memory_space<vmem>>
      tpu.enqueue_dma source(%dma_start3A_77 : memref<112x128xf32, #tpu.memory_space<vmem>>) target(%dma_start3A_74 : memref<112x128xf32, #tpu.memory_space<vmem_shared>>) target_semaphore(%run_scoped3A : memref<!tpu.dma_semaphore, #tpu.memory_space<semaphore_mem>>)
      %dma_wait3A = arith.constant 0 : i32
      %dma_wait3A_78 = arith.constant 0 : i32
      %dma_wait3A_79 = tpu.memref_slice %arg12[%dma_wait3A, %dma_wait3A_78] : memref<112x128xf32, #tpu.memory_space<vmem>> -> memref<112x128xf32, #tpu.memory_space<vmem>>
      %dma_wait3A_80 = arith.constant 0 : i32
      %dma_wait3A_81 = tpu.memref_slice %arg15[%add3A_26, %dma_wait3A_80] : memref<10240x128xf32, #tpu.memory_space<vmem_shared>> -> memref<112x128xf32, #tpu.memory_space<vmem_shared>>
      %dma_wait3A_82 = arith.constant 0 : i32
      %dma_wait3A_83 = tpu.memref_slice %arg15[%add3A_26, %dma_wait3A_82] : memref<10240x128xf32, #tpu.memory_space<vmem_shared>> -> memref<112x128xf32, #tpu.memory_space<vmem_shared>>
      %dma_wait3A_84 = arith.constant 0 : i32
      %dma_wait3A_85 = arith.constant 0 : i32
      %dma_wait3A_86 = tpu.memref_slice %arg12[%dma_wait3A_84, %dma_wait3A_85] : memref<112x128xf32, #tpu.memory_space<vmem>> -> memref<112x128xf32, #tpu.memory_space<vmem>>
      tpu.wait_dma2 semaphore(%run_scoped3A : memref<!tpu.dma_semaphore, #tpu.memory_space<semaphore_mem>>) src(%dma_wait3A_86 : memref<112x128xf32, #tpu.memory_space<vmem>>) dst(%dma_wait3A_83 : memref<112x128xf32, #tpu.memory_space<vmem_shared>>)
      tpu.yield
    }) : () -> ()
    %mul3A_27 = arith.constant 640 : i32
    %mul3A_28 = arith.muli %arg1, %mul3A_27 : i32
    %add3A_29 = arith.constant 560 : i32
    %add3A_30 = arith.addi %mul3A_28, %add3A_29 : i32
    "tpu.region"() ({
      %run_scoped3A = tpu.sem_alloc : memref<!tpu.dma_semaphore, #tpu.memory_space<semaphore_mem>>
      %dma_start3A_68 = arith.constant 0 : i32
      %dma_start3A_69 = arith.constant 0 : i32
      %dma_start3A_70 = tpu.memref_slice %arg12[%dma_start3A_68, %dma_start3A_69] : memref<112x128xf32, #tpu.memory_space<vmem>> -> memref<80x128xf32, #tpu.memory_space<vmem>>
      %dma_start3A_71 = arith.constant 0 : i32
      %dma_start3A_72 = tpu.memref_slice %arg15[%add3A_30, %dma_start3A_71] : memref<10240x128xf32, #tpu.memory_space<vmem_shared>> -> memref<80x128xf32, #tpu.memory_space<vmem_shared>>
      %dma_start3A_73 = arith.constant 0 : i32
      %dma_start3A_74 = tpu.memref_slice %arg15[%add3A_30, %dma_start3A_73] : memref<10240x128xf32, #tpu.memory_space<vmem_shared>> -> memref<80x128xf32, #tpu.memory_space<vmem_shared>>
      %dma_start3A_75 = arith.constant 0 : i32
      %dma_start3A_76 = arith.constant 0 : i32
      %dma_start3A_77 = tpu.memref_slice %arg12[%dma_start3A_75, %dma_start3A_76] : memref<112x128xf32, #tpu.memory_space<vmem>> -> memref<80x128xf32, #tpu.memory_space<vmem>>
      tpu.enqueue_dma source(%dma_start3A_77 : memref<80x128xf32, #tpu.memory_space<vmem>>) target(%dma_start3A_74 : memref<80x128xf32, #tpu.memory_space<vmem_shared>>) target_semaphore(%run_scoped3A : memref<!tpu.dma_semaphore, #tpu.memory_space<semaphore_mem>>)
      %dma_wait3A = arith.constant 0 : i32
      %dma_wait3A_78 = arith.constant 0 : i32
      %dma_wait3A_79 = tpu.memref_slice %arg12[%dma_wait3A, %dma_wait3A_78] : memref<112x128xf32, #tpu.memory_space<vmem>> -> memref<80x128xf32, #tpu.memory_space<vmem>>
      %dma_wait3A_80 = arith.constant 0 : i32
      %dma_wait3A_81 = tpu.memref_slice %arg15[%add3A_30, %dma_wait3A_80] : memref<10240x128xf32, #tpu.memory_space<vmem_shared>> -> memref<80x128xf32, #tpu.memory_space<vmem_shared>>
      %dma_wait3A_82 = arith.constant 0 : i32
      %dma_wait3A_83 = tpu.memref_slice %arg15[%add3A_30, %dma_wait3A_82] : memref<10240x128xf32, #tpu.memory_space<vmem_shared>> -> memref<80x128xf32, #tpu.memory_space<vmem_shared>>
      %dma_wait3A_84 = arith.constant 0 : i32
      %dma_wait3A_85 = arith.constant 0 : i32
      %dma_wait3A_86 = tpu.memref_slice %arg12[%dma_wait3A_84, %dma_wait3A_85] : memref<112x128xf32, #tpu.memory_space<vmem>> -> memref<80x128xf32, #tpu.memory_space<vmem>>
      tpu.wait_dma2 semaphore(%run_scoped3A : memref<!tpu.dma_semaphore, #tpu.memory_space<semaphore_mem>>) src(%dma_wait3A_86 : memref<80x128xf32, #tpu.memory_space<vmem>>) dst(%dma_wait3A_83 : memref<80x128xf32, #tpu.memory_space<vmem_shared>>)
      tpu.yield
    }) : () -> ()
    %barrier3A = arith.constant 0 : index
    tpu.barrier barrier_id(%barrier3A)
    %mul3A_31 = arith.constant 90 : i32
    %mul3A_32 = arith.muli %add3A, %mul3A_31 : i32
    %add3A_33 = arith.constant 0 : i32
    %add3A_34 = arith.addi %mul3A_32, %add3A_33 : i32
    %mul3A_35 = arith.constant 112 : i32
    %mul3A_36 = arith.muli %add3A_34, %mul3A_35 : i32
    "tpu.region"() ({
      %run_scoped3A = tpu.sem_alloc : memref<!tpu.dma_semaphore, #tpu.memory_space<semaphore_mem>>
      %dma_start3A_68 = tpu.memref_slice %arg3[%mul3A_36] : memref<322560xi32, #tpu.memory_space<hbm>> -> memref<112xi32, #tpu.memory_space<hbm>>
      %dma_start3A_69 = tpu.memref_slice %arg3[%mul3A_36] : memref<322560xi32, #tpu.memory_space<hbm>> -> memref<112xi32, #tpu.memory_space<hbm>>
      tpu.enqueue_dma source(%dma_start3A_69 : memref<112xi32, #tpu.memory_space<hbm>>) target(%arg6 : memref<112xi32, #tpu.memory_space<vmem>>) target_semaphore(%run_scoped3A : memref<!tpu.dma_semaphore, #tpu.memory_space<semaphore_mem>>)
      %dma_wait3A = tpu.memref_slice %arg3[%mul3A_36] : memref<322560xi32, #tpu.memory_space<hbm>> -> memref<112xi32, #tpu.memory_space<hbm>>
      %dma_wait3A_70 = tpu.memref_slice %arg3[%mul3A_36] : memref<322560xi32, #tpu.memory_space<hbm>> -> memref<112xi32, #tpu.memory_space<hbm>>
      tpu.wait_dma2 semaphore(%run_scoped3A : memref<!tpu.dma_semaphore, #tpu.memory_space<semaphore_mem>>) src(%dma_wait3A_70 : memref<112xi32, #tpu.memory_space<hbm>>) dst(%arg6 : memref<112xi32, #tpu.memory_space<vmem>>)
      tpu.yield
    }) : () -> ()
    "tpu.region"() ({
      %run_scoped3A = tpu.sem_alloc : memref<!tpu.dma_semaphore, #tpu.memory_space<semaphore_mem>>
      %dma_start3A_68 = tpu.memref_slice %arg4[%mul3A_36] : memref<322560xi32, #tpu.memory_space<hbm>> -> memref<112xi32, #tpu.memory_space<hbm>>
      %dma_start3A_69 = tpu.memref_slice %arg4[%mul3A_36] : memref<322560xi32, #tpu.memory_space<hbm>> -> memref<112xi32, #tpu.memory_space<hbm>>
      tpu.enqueue_dma source(%dma_start3A_69 : memref<112xi32, #tpu.memory_space<hbm>>) target(%arg7 : memref<112xi32, #tpu.memory_space<vmem>>) target_semaphore(%run_scoped3A : memref<!tpu.dma_semaphore, #tpu.memory_space<semaphore_mem>>)
      %dma_wait3A = tpu.memref_slice %arg4[%mul3A_36] : memref<322560xi32, #tpu.memory_space<hbm>> -> memref<112xi32, #tpu.memory_space<hbm>>
      %dma_wait3A_70 = tpu.memref_slice %arg4[%mul3A_36] : memref<322560xi32, #tpu.memory_space<hbm>> -> memref<112xi32, #tpu.memory_space<hbm>>
      tpu.wait_dma2 semaphore(%run_scoped3A : memref<!tpu.dma_semaphore, #tpu.memory_space<semaphore_mem>>) src(%dma_wait3A_70 : memref<112xi32, #tpu.memory_space<hbm>>) dst(%arg7 : memref<112xi32, #tpu.memory_space<vmem>>)
      tpu.yield
    }) : () -> ()
    %dma_start3A = arith.constant 0 : i32
    %dma_start3A_37 = arith.constant 0 : i32
    %dma_start3A_38 = tpu.memref_slice %arg2[%dma_start3A, %dma_start3A_37] : memref<10240x128xf32, #tpu.memory_space<hbm>> -> memref<10240x128xf32, #tpu.memory_space<hbm>>
    tpu.enqueue_indirect_dma source(%dma_start3A_38 : memref<10240x128xf32, #tpu.memory_space<hbm>>) target(%arg12 : memref<112x128xf32, #tpu.memory_space<vmem>>) offsets(%arg6 : memref<112xi32, #tpu.memory_space<vmem>>) semaphore(%arg16 : memref<!tpu.dma_semaphore, #tpu.memory_space<semaphore_mem>>)
    %mul3A_39 = arith.constant 90 : i32
    %mul3A_40 = arith.muli %add3A, %mul3A_39 : i32
    %add3A_41 = arith.constant 1 : i32
    %add3A_42 = arith.addi %mul3A_40, %add3A_41 : i32
    %mul3A_43 = arith.constant 112 : i32
    %mul3A_44 = arith.muli %add3A_42, %mul3A_43 : i32
    "tpu.region"() ({
      %run_scoped3A = tpu.sem_alloc : memref<!tpu.dma_semaphore, #tpu.memory_space<semaphore_mem>>
      %dma_start3A_68 = tpu.memref_slice %arg3[%mul3A_44] : memref<322560xi32, #tpu.memory_space<hbm>> -> memref<112xi32, #tpu.memory_space<hbm>>
      %dma_start3A_69 = tpu.memref_slice %arg3[%mul3A_44] : memref<322560xi32, #tpu.memory_space<hbm>> -> memref<112xi32, #tpu.memory_space<hbm>>
      tpu.enqueue_dma source(%dma_start3A_69 : memref<112xi32, #tpu.memory_space<hbm>>) target(%arg8 : memref<112xi32, #tpu.memory_space<vmem>>) target_semaphore(%run_scoped3A : memref<!tpu.dma_semaphore, #tpu.memory_space<semaphore_mem>>)
      %dma_wait3A = tpu.memref_slice %arg3[%mul3A_44] : memref<322560xi32, #tpu.memory_space<hbm>> -> memref<112xi32, #tpu.memory_space<hbm>>
      %dma_wait3A_70 = tpu.memref_slice %arg3[%mul3A_44] : memref<322560xi32, #tpu.memory_space<hbm>> -> memref<112xi32, #tpu.memory_space<hbm>>
      tpu.wait_dma2 semaphore(%run_scoped3A : memref<!tpu.dma_semaphore, #tpu.memory_space<semaphore_mem>>) src(%dma_wait3A_70 : memref<112xi32, #tpu.memory_space<hbm>>) dst(%arg8 : memref<112xi32, #tpu.memory_space<vmem>>)
      tpu.yield
    }) : () -> ()
    "tpu.region"() ({
      %run_scoped3A = tpu.sem_alloc : memref<!tpu.dma_semaphore, #tpu.memory_space<semaphore_mem>>
      %dma_start3A_68 = tpu.memref_slice %arg4[%mul3A_44] : memref<322560xi32, #tpu.memory_space<hbm>> -> memref<112xi32, #tpu.memory_space<hbm>>
      %dma_start3A_69 = tpu.memref_slice %arg4[%mul3A_44] : memref<322560xi32, #tpu.memory_space<hbm>> -> memref<112xi32, #tpu.memory_space<hbm>>
      tpu.enqueue_dma source(%dma_start3A_69 : memref<112xi32, #tpu.memory_space<hbm>>) target(%arg9 : memref<112xi32, #tpu.memory_space<vmem>>) target_semaphore(%run_scoped3A : memref<!tpu.dma_semaphore, #tpu.memory_space<semaphore_mem>>)
      %dma_wait3A = tpu.memref_slice %arg4[%mul3A_44] : memref<322560xi32, #tpu.memory_space<hbm>> -> memref<112xi32, #tpu.memory_space<hbm>>
      %dma_wait3A_70 = tpu.memref_slice %arg4[%mul3A_44] : memref<322560xi32, #tpu.memory_space<hbm>> -> memref<112xi32, #tpu.memory_space<hbm>>
      tpu.wait_dma2 semaphore(%run_scoped3A : memref<!tpu.dma_semaphore, #tpu.memory_space<semaphore_mem>>) src(%dma_wait3A_70 : memref<112xi32, #tpu.memory_space<hbm>>) dst(%arg9 : memref<112xi32, #tpu.memory_space<vmem>>)
      tpu.yield
    }) : () -> ()
    %dma_start3A_45 = arith.constant 0 : i32
    %dma_start3A_46 = arith.constant 0 : i32
    %dma_start3A_47 = tpu.memref_slice %arg2[%dma_start3A_45, %dma_start3A_46] : memref<10240x128xf32, #tpu.memory_space<hbm>> -> memref<10240x128xf32, #tpu.memory_space<hbm>>
    tpu.enqueue_indirect_dma source(%dma_start3A_47 : memref<10240x128xf32, #tpu.memory_space<hbm>>) target(%arg13 : memref<112x128xf32, #tpu.memory_space<vmem>>) offsets(%arg8 : memref<112xi32, #tpu.memory_space<vmem>>) semaphore(%arg17 : memref<!tpu.dma_semaphore, #tpu.memory_space<semaphore_mem>>)
    %mul3A_48 = arith.constant 90 : i32
    %mul3A_49 = arith.muli %add3A, %mul3A_48 : i32
    %add3A_50 = arith.constant 2 : i32
    %add3A_51 = arith.addi %mul3A_49, %add3A_50 : i32
    %mul3A_52 = arith.constant 112 : i32
    %mul3A_53 = arith.muli %add3A_51, %mul3A_52 : i32
    "tpu.region"() ({
      %run_scoped3A = tpu.sem_alloc : memref<!tpu.dma_semaphore, #tpu.memory_space<semaphore_mem>>
      %dma_start3A_68 = tpu.memref_slice %arg3[%mul3A_53] : memref<322560xi32, #tpu.memory_space<hbm>> -> memref<112xi32, #tpu.memory_space<hbm>>
      %dma_start3A_69 = tpu.memref_slice %arg3[%mul3A_53] : memref<322560xi32, #tpu.memory_space<hbm>> -> memref<112xi32, #tpu.memory_space<hbm>>
      tpu.enqueue_dma source(%dma_start3A_69 : memref<112xi32, #tpu.memory_space<hbm>>) target(%arg10 : memref<112xi32, #tpu.memory_space<vmem>>) target_semaphore(%run_scoped3A : memref<!tpu.dma_semaphore, #tpu.memory_space<semaphore_mem>>)
      %dma_wait3A = tpu.memref_slice %arg3[%mul3A_53] : memref<322560xi32, #tpu.memory_space<hbm>> -> memref<112xi32, #tpu.memory_space<hbm>>
      %dma_wait3A_70 = tpu.memref_slice %arg3[%mul3A_53] : memref<322560xi32, #tpu.memory_space<hbm>> -> memref<112xi32, #tpu.memory_space<hbm>>
      tpu.wait_dma2 semaphore(%run_scoped3A : memref<!tpu.dma_semaphore, #tpu.memory_space<semaphore_mem>>) src(%dma_wait3A_70 : memref<112xi32, #tpu.memory_space<hbm>>) dst(%arg10 : memref<112xi32, #tpu.memory_space<vmem>>)
      tpu.yield
    }) : () -> ()
    "tpu.region"() ({
      %run_scoped3A = tpu.sem_alloc : memref<!tpu.dma_semaphore, #tpu.memory_space<semaphore_mem>>
      %dma_start3A_68 = tpu.memref_slice %arg4[%mul3A_53] : memref<322560xi32, #tpu.memory_space<hbm>> -> memref<112xi32, #tpu.memory_space<hbm>>
      %dma_start3A_69 = tpu.memref_slice %arg4[%mul3A_53] : memref<322560xi32, #tpu.memory_space<hbm>> -> memref<112xi32, #tpu.memory_space<hbm>>
      tpu.enqueue_dma source(%dma_start3A_69 : memref<112xi32, #tpu.memory_space<hbm>>) target(%arg11 : memref<112xi32, #tpu.memory_space<vmem>>) target_semaphore(%run_scoped3A : memref<!tpu.dma_semaphore, #tpu.memory_space<semaphore_mem>>)
      %dma_wait3A = tpu.memref_slice %arg4[%mul3A_53] : memref<322560xi32, #tpu.memory_space<hbm>> -> memref<112xi32, #tpu.memory_space<hbm>>
      %dma_wait3A_70 = tpu.memref_slice %arg4[%mul3A_53] : memref<322560xi32, #tpu.memory_space<hbm>> -> memref<112xi32, #tpu.memory_space<hbm>>
      tpu.wait_dma2 semaphore(%run_scoped3A : memref<!tpu.dma_semaphore, #tpu.memory_space<semaphore_mem>>) src(%dma_wait3A_70 : memref<112xi32, #tpu.memory_space<hbm>>) dst(%arg11 : memref<112xi32, #tpu.memory_space<vmem>>)
      tpu.yield
    }) : () -> ()
    %dma_start3A_54 = arith.constant 0 : i32
    %dma_start3A_55 = arith.constant 0 : i32
    %dma_start3A_56 = tpu.memref_slice %arg2[%dma_start3A_54, %dma_start3A_55] : memref<10240x128xf32, #tpu.memory_space<hbm>> -> memref<10240x128xf32, #tpu.memory_space<hbm>>
    tpu.enqueue_indirect_dma source(%dma_start3A_56 : memref<10240x128xf32, #tpu.memory_space<hbm>>) target(%arg14 : memref<112x128xf32, #tpu.memory_space<vmem>>) offsets(%arg10 : memref<112xi32, #tpu.memory_space<vmem>>) semaphore(%arg18 : memref<!tpu.dma_semaphore, #tpu.memory_space<semaphore_mem>>)
    %scan3A_57 = arith.constant 0 : i32
    %scan3A_58 = arith.constant 0 : i32
    %scan3A_59 = arith.constant 30 : i32
    %scan3A_60 = arith.addi %scan3A_58, %scan3A_59 : i32
    %scan3A_61 = arith.constant 1 : i32
    scf.for %scan3A_68 = %scan3A_58 to %scan3A_60 step %scan3A_61  : i32 {
      %mul3A_69 = arith.constant 3 : i32
      %mul3A_70 = arith.muli %mul3A_69, %scan3A_68 : i32
      %add3A_71 = arith.constant 0 : i32
      %add3A_72 = arith.addi %mul3A_70, %add3A_71 : i32
      %dma_wait3A = arith.constant 0 : i32
      %dma_wait3A_73 = arith.constant 0 : i32
      %dma_wait3A_74 = tpu.memref_slice %arg2[%dma_wait3A, %dma_wait3A_73] : memref<10240x128xf32, #tpu.memory_space<hbm>> -> memref<10240x128xf32, #tpu.memory_space<hbm>>
      tpu.wait_indirect_dma semaphore(%arg16 : memref<!tpu.dma_semaphore, #tpu.memory_space<semaphore_mem>>) src(%dma_wait3A_74 : memref<10240x128xf32, #tpu.memory_space<hbm>>) dst(%arg12 : memref<112x128xf32, #tpu.memory_space<vmem>>)
      "tpu.region"() ({
        %run_scoped3A = tpu.sem_alloc : memref<!tpu.dma_semaphore, #tpu.memory_space<semaphore_mem>>
        %dma_start3A_107 = arith.constant 0 : i32
        %dma_start3A_108 = arith.constant 0 : i32
        %dma_start3A_109 = tpu.memref_slice %arg15[%dma_start3A_107, %dma_start3A_108] : memref<10240x128xf32, #tpu.memory_space<vmem_shared>> -> memref<10240x128xf32, #tpu.memory_space<vmem_shared>>
        tpu.enqueue_indirect_dma source(%arg12 : memref<112x128xf32, #tpu.memory_space<vmem>>) target(%dma_start3A_109 : memref<10240x128xf32, #tpu.memory_space<vmem_shared>>) offsets(%arg7 : memref<112xi32, #tpu.memory_space<vmem>>) semaphore(%run_scoped3A : memref<!tpu.dma_semaphore, #tpu.memory_space<semaphore_mem>>) {add = true}
        %dma_wait3A_110 = arith.constant 0 : i32
        %dma_wait3A_111 = arith.constant 0 : i32
        %dma_wait3A_112 = tpu.memref_slice %arg15[%dma_wait3A_110, %dma_wait3A_111] : memref<10240x128xf32, #tpu.memory_space<vmem_shared>> -> memref<10240x128xf32, #tpu.memory_space<vmem_shared>>
        tpu.wait_indirect_dma semaphore(%run_scoped3A : memref<!tpu.dma_semaphore, #tpu.memory_space<semaphore_mem>>) src(%arg12 : memref<112x128xf32, #tpu.memory_space<vmem>>) dst(%dma_wait3A_112 : memref<10240x128xf32, #tpu.memory_space<vmem_shared>>)
        tpu.yield
      }) : () -> ()
      %add3A_75 = arith.constant 3 : i32
      %add3A_76 = arith.addi %add3A_72, %add3A_75 : i32
      %lt3A = arith.constant 90 : i32
      %lt3A_77 = arith.cmpi slt, %add3A_76, %lt3A : i32
      %convert_element_type3A = arith.extui %lt3A_77 : i1 to i32
      %cond3A = arith.constant 0 : i32
      %cond3A_78 = arith.cmpi ne, %convert_element_type3A, %cond3A : i32
      scf.if %cond3A_78 {
        %add3A_107 = arith.constant 3 : i32
        %add3A_108 = arith.addi %add3A_72, %add3A_107 : i32
        %mul3A_109 = arith.constant 90 : i32
        %mul3A_110 = arith.muli %add3A, %mul3A_109 : i32
        %add3A_111 = arith.addi %mul3A_110, %add3A_108 : i32
        %mul3A_112 = arith.constant 112 : i32
        %mul3A_113 = arith.muli %add3A_111, %mul3A_112 : i32
        "tpu.region"() ({
          %run_scoped3A = tpu.sem_alloc : memref<!tpu.dma_semaphore, #tpu.memory_space<semaphore_mem>>
          %dma_start3A_117 = tpu.memref_slice %arg3[%mul3A_113] : memref<322560xi32, #tpu.memory_space<hbm>> -> memref<112xi32, #tpu.memory_space<hbm>>
          %dma_start3A_118 = tpu.memref_slice %arg3[%mul3A_113] : memref<322560xi32, #tpu.memory_space<hbm>> -> memref<112xi32, #tpu.memory_space<hbm>>
          tpu.enqueue_dma source(%dma_start3A_118 : memref<112xi32, #tpu.memory_space<hbm>>) target(%arg6 : memref<112xi32, #tpu.memory_space<vmem>>) target_semaphore(%run_scoped3A : memref<!tpu.dma_semaphore, #tpu.memory_space<semaphore_mem>>)
          %dma_wait3A_119 = tpu.memref_slice %arg3[%mul3A_113] : memref<322560xi32, #tpu.memory_space<hbm>> -> memref<112xi32, #tpu.memory_space<hbm>>
          %dma_wait3A_120 = tpu.memref_slice %arg3[%mul3A_113] : memref<322560xi32, #tpu.memory_space<hbm>> -> memref<112xi32, #tpu.memory_space<hbm>>
          tpu.wait_dma2 semaphore(%run_scoped3A : memref<!tpu.dma_semaphore, #tpu.memory_space<semaphore_mem>>) src(%dma_wait3A_120 : memref<112xi32, #tpu.memory_space<hbm>>) dst(%arg6 : memref<112xi32, #tpu.memory_space<vmem>>)
          tpu.yield
        }) : () -> ()
        "tpu.region"() ({
          %run_scoped3A = tpu.sem_alloc : memref<!tpu.dma_semaphore, #tpu.memory_space<semaphore_mem>>
          %dma_start3A_117 = tpu.memref_slice %arg4[%mul3A_113] : memref<322560xi32, #tpu.memory_space<hbm>> -> memref<112xi32, #tpu.memory_space<hbm>>
          %dma_start3A_118 = tpu.memref_slice %arg4[%mul3A_113] : memref<322560xi32, #tpu.memory_space<hbm>> -> memref<112xi32, #tpu.memory_space<hbm>>
          tpu.enqueue_dma source(%dma_start3A_118 : memref<112xi32, #tpu.memory_space<hbm>>) target(%arg7 : memref<112xi32, #tpu.memory_space<vmem>>) target_semaphore(%run_scoped3A : memref<!tpu.dma_semaphore, #tpu.memory_space<semaphore_mem>>)
          %dma_wait3A_119 = tpu.memref_slice %arg4[%mul3A_113] : memref<322560xi32, #tpu.memory_space<hbm>> -> memref<112xi32, #tpu.memory_space<hbm>>
          %dma_wait3A_120 = tpu.memref_slice %arg4[%mul3A_113] : memref<322560xi32, #tpu.memory_space<hbm>> -> memref<112xi32, #tpu.memory_space<hbm>>
          tpu.wait_dma2 semaphore(%run_scoped3A : memref<!tpu.dma_semaphore, #tpu.memory_space<semaphore_mem>>) src(%dma_wait3A_120 : memref<112xi32, #tpu.memory_space<hbm>>) dst(%arg7 : memref<112xi32, #tpu.memory_space<vmem>>)
          tpu.yield
        }) : () -> ()
        %dma_start3A_114 = arith.constant 0 : i32
        %dma_start3A_115 = arith.constant 0 : i32
        %dma_start3A_116 = tpu.memref_slice %arg2[%dma_start3A_114, %dma_start3A_115] : memref<10240x128xf32, #tpu.memory_space<hbm>> -> memref<10240x128xf32, #tpu.memory_space<hbm>>
        tpu.enqueue_indirect_dma source(%dma_start3A_116 : memref<10240x128xf32, #tpu.memory_space<hbm>>) target(%arg12 : memref<112x128xf32, #tpu.memory_space<vmem>>) offsets(%arg6 : memref<112xi32, #tpu.memory_space<vmem>>) semaphore(%arg16 : memref<!tpu.dma_semaphore, #tpu.memory_space<semaphore_mem>>)
      } else {
      }
      %mul3A_79 = arith.constant 3 : i32
      %mul3A_80 = arith.muli %mul3A_79, %scan3A_68 : i32
      %add3A_81 = arith.constant 1 : i32
      %add3A_82 = arith.addi %mul3A_80, %add3A_81 : i32
      %dma_wait3A_83 = arith.constant 0 : i32
      %dma_wait3A_84 = arith.constant 0 : i32
      %dma_wait3A_85 = tpu.memref_slice %arg2[%dma_wait3A_83, %dma_wait3A_84] : memref<10240x128xf32, #tpu.memory_space<hbm>> -> memref<10240x128xf32, #tpu.memory_space<hbm>>
      tpu.wait_indirect_dma semaphore(%arg17 : memref<!tpu.dma_semaphore, #tpu.memory_space<semaphore_mem>>) src(%dma_wait3A_85 : memref<10240x128xf32, #tpu.memory_space<hbm>>) dst(%arg13 : memref<112x128xf32, #tpu.memory_space<vmem>>)
      "tpu.region"() ({
        %run_scoped3A = tpu.sem_alloc : memref<!tpu.dma_semaphore, #tpu.memory_space<semaphore_mem>>
        %dma_start3A_107 = arith.constant 0 : i32
        %dma_start3A_108 = arith.constant 0 : i32
        %dma_start3A_109 = tpu.memref_slice %arg15[%dma_start3A_107, %dma_start3A_108] : memref<10240x128xf32, #tpu.memory_space<vmem_shared>> -> memref<10240x128xf32, #tpu.memory_space<vmem_shared>>
        tpu.enqueue_indirect_dma source(%arg13 : memref<112x128xf32, #tpu.memory_space<vmem>>) target(%dma_start3A_109 : memref<10240x128xf32, #tpu.memory_space<vmem_shared>>) offsets(%arg9 : memref<112xi32, #tpu.memory_space<vmem>>) semaphore(%run_scoped3A : memref<!tpu.dma_semaphore, #tpu.memory_space<semaphore_mem>>) {add = true}
        %dma_wait3A_110 = arith.constant 0 : i32
        %dma_wait3A_111 = arith.constant 0 : i32
        %dma_wait3A_112 = tpu.memref_slice %arg15[%dma_wait3A_110, %dma_wait3A_111] : memref<10240x128xf32, #tpu.memory_space<vmem_shared>> -> memref<10240x128xf32, #tpu.memory_space<vmem_shared>>
        tpu.wait_indirect_dma semaphore(%run_scoped3A : memref<!tpu.dma_semaphore, #tpu.memory_space<semaphore_mem>>) src(%arg13 : memref<112x128xf32, #tpu.memory_space<vmem>>) dst(%dma_wait3A_112 : memref<10240x128xf32, #tpu.memory_space<vmem_shared>>)
        tpu.yield
      }) : () -> ()
      %add3A_86 = arith.constant 3 : i32
      %add3A_87 = arith.addi %add3A_82, %add3A_86 : i32
      %lt3A_88 = arith.constant 90 : i32
      %lt3A_89 = arith.cmpi slt, %add3A_87, %lt3A_88 : i32
      %convert_element_type3A_90 = arith.extui %lt3A_89 : i1 to i32
      %cond3A_91 = arith.constant 0 : i32
      %cond3A_92 = arith.cmpi ne, %convert_element_type3A_90, %cond3A_91 : i32
      scf.if %cond3A_92 {
        %add3A_107 = arith.constant 3 : i32
        %add3A_108 = arith.addi %add3A_82, %add3A_107 : i32
        %mul3A_109 = arith.constant 90 : i32
        %mul3A_110 = arith.muli %add3A, %mul3A_109 : i32
        %add3A_111 = arith.addi %mul3A_110, %add3A_108 : i32
        %mul3A_112 = arith.constant 112 : i32
        %mul3A_113 = arith.muli %add3A_111, %mul3A_112 : i32
        "tpu.region"() ({
          %run_scoped3A = tpu.sem_alloc : memref<!tpu.dma_semaphore, #tpu.memory_space<semaphore_mem>>
          %dma_start3A_117 = tpu.memref_slice %arg3[%mul3A_113] : memref<322560xi32, #tpu.memory_space<hbm>> -> memref<112xi32, #tpu.memory_space<hbm>>
          %dma_start3A_118 = tpu.memref_slice %arg3[%mul3A_113] : memref<322560xi32, #tpu.memory_space<hbm>> -> memref<112xi32, #tpu.memory_space<hbm>>
          tpu.enqueue_dma source(%dma_start3A_118 : memref<112xi32, #tpu.memory_space<hbm>>) target(%arg8 : memref<112xi32, #tpu.memory_space<vmem>>) target_semaphore(%run_scoped3A : memref<!tpu.dma_semaphore, #tpu.memory_space<semaphore_mem>>)
          %dma_wait3A_119 = tpu.memref_slice %arg3[%mul3A_113] : memref<322560xi32, #tpu.memory_space<hbm>> -> memref<112xi32, #tpu.memory_space<hbm>>
          %dma_wait3A_120 = tpu.memref_slice %arg3[%mul3A_113] : memref<322560xi32, #tpu.memory_space<hbm>> -> memref<112xi32, #tpu.memory_space<hbm>>
          tpu.wait_dma2 semaphore(%run_scoped3A : memref<!tpu.dma_semaphore, #tpu.memory_space<semaphore_mem>>) src(%dma_wait3A_120 : memref<112xi32, #tpu.memory_space<hbm>>) dst(%arg8 : memref<112xi32, #tpu.memory_space<vmem>>)
          tpu.yield
        }) : () -> ()
        "tpu.region"() ({
          %run_scoped3A = tpu.sem_alloc : memref<!tpu.dma_semaphore, #tpu.memory_space<semaphore_mem>>
          %dma_start3A_117 = tpu.memref_slice %arg4[%mul3A_113] : memref<322560xi32, #tpu.memory_space<hbm>> -> memref<112xi32, #tpu.memory_space<hbm>>
          %dma_start3A_118 = tpu.memref_slice %arg4[%mul3A_113] : memref<322560xi32, #tpu.memory_space<hbm>> -> memref<112xi32, #tpu.memory_space<hbm>>
          tpu.enqueue_dma source(%dma_start3A_118 : memref<112xi32, #tpu.memory_space<hbm>>) target(%arg9 : memref<112xi32, #tpu.memory_space<vmem>>) target_semaphore(%run_scoped3A : memref<!tpu.dma_semaphore, #tpu.memory_space<semaphore_mem>>)
          %dma_wait3A_119 = tpu.memref_slice %arg4[%mul3A_113] : memref<322560xi32, #tpu.memory_space<hbm>> -> memref<112xi32, #tpu.memory_space<hbm>>
          %dma_wait3A_120 = tpu.memref_slice %arg4[%mul3A_113] : memref<322560xi32, #tpu.memory_space<hbm>> -> memref<112xi32, #tpu.memory_space<hbm>>
          tpu.wait_dma2 semaphore(%run_scoped3A : memref<!tpu.dma_semaphore, #tpu.memory_space<semaphore_mem>>) src(%dma_wait3A_120 : memref<112xi32, #tpu.memory_space<hbm>>) dst(%arg9 : memref<112xi32, #tpu.memory_space<vmem>>)
          tpu.yield
        }) : () -> ()
        %dma_start3A_114 = arith.constant 0 : i32
        %dma_start3A_115 = arith.constant 0 : i32
        %dma_start3A_116 = tpu.memref_slice %arg2[%dma_start3A_114, %dma_start3A_115] : memref<10240x128xf32, #tpu.memory_space<hbm>> -> memref<10240x128xf32, #tpu.memory_space<hbm>>
        tpu.enqueue_indirect_dma source(%dma_start3A_116 : memref<10240x128xf32, #tpu.memory_space<hbm>>) target(%arg13 : memref<112x128xf32, #tpu.memory_space<vmem>>) offsets(%arg8 : memref<112xi32, #tpu.memory_space<vmem>>) semaphore(%arg17 : memref<!tpu.dma_semaphore, #tpu.memory_space<semaphore_mem>>)
      } else {
      }
      %mul3A_93 = arith.constant 3 : i32
      %mul3A_94 = arith.muli %mul3A_93, %scan3A_68 : i32
      %add3A_95 = arith.constant 2 : i32
      %add3A_96 = arith.addi %mul3A_94, %add3A_95 : i32
      %dma_wait3A_97 = arith.constant 0 : i32
      %dma_wait3A_98 = arith.constant 0 : i32
      %dma_wait3A_99 = tpu.memref_slice %arg2[%dma_wait3A_97, %dma_wait3A_98] : memref<10240x128xf32, #tpu.memory_space<hbm>> -> memref<10240x128xf32, #tpu.memory_space<hbm>>
      tpu.wait_indirect_dma semaphore(%arg18 : memref<!tpu.dma_semaphore, #tpu.memory_space<semaphore_mem>>) src(%dma_wait3A_99 : memref<10240x128xf32, #tpu.memory_space<hbm>>) dst(%arg14 : memref<112x128xf32, #tpu.memory_space<vmem>>)
      "tpu.region"() ({
        %run_scoped3A = tpu.sem_alloc : memref<!tpu.dma_semaphore, #tpu.memory_space<semaphore_mem>>
        %dma_start3A_107 = arith.constant 0 : i32
        %dma_start3A_108 = arith.constant 0 : i32
        %dma_start3A_109 = tpu.memref_slice %arg15[%dma_start3A_107, %dma_start3A_108] : memref<10240x128xf32, #tpu.memory_space<vmem_shared>> -> memref<10240x128xf32, #tpu.memory_space<vmem_shared>>
        tpu.enqueue_indirect_dma source(%arg14 : memref<112x128xf32, #tpu.memory_space<vmem>>) target(%dma_start3A_109 : memref<10240x128xf32, #tpu.memory_space<vmem_shared>>) offsets(%arg11 : memref<112xi32, #tpu.memory_space<vmem>>) semaphore(%run_scoped3A : memref<!tpu.dma_semaphore, #tpu.memory_space<semaphore_mem>>) {add = true}
        %dma_wait3A_110 = arith.constant 0 : i32
        %dma_wait3A_111 = arith.constant 0 : i32
        %dma_wait3A_112 = tpu.memref_slice %arg15[%dma_wait3A_110, %dma_wait3A_111] : memref<10240x128xf32, #tpu.memory_space<vmem_shared>> -> memref<10240x128xf32, #tpu.memory_space<vmem_shared>>
        tpu.wait_indirect_dma semaphore(%run_scoped3A : memref<!tpu.dma_semaphore, #tpu.memory_space<semaphore_mem>>) src(%arg14 : memref<112x128xf32, #tpu.memory_space<vmem>>) dst(%dma_wait3A_112 : memref<10240x128xf32, #tpu.memory_space<vmem_shared>>)
        tpu.yield
      }) : () -> ()
      %add3A_100 = arith.constant 3 : i32
      %add3A_101 = arith.addi %add3A_96, %add3A_100 : i32
      %lt3A_102 = arith.constant 90 : i32
      %lt3A_103 = arith.cmpi slt, %add3A_101, %lt3A_102 : i32
      %convert_element_type3A_104 = arith.extui %lt3A_103 : i1 to i32
      %cond3A_105 = arith.constant 0 : i32
      %cond3A_106 = arith.cmpi ne, %convert_element_type3A_104, %cond3A_105 : i32
      scf.if %cond3A_106 {
        %add3A_107 = arith.constant 3 : i32
        %add3A_108 = arith.addi %add3A_96, %add3A_107 : i32
        %mul3A_109 = arith.constant 90 : i32
        %mul3A_110 = arith.muli %add3A, %mul3A_109 : i32
        %add3A_111 = arith.addi %mul3A_110, %add3A_108 : i32
        %mul3A_112 = arith.constant 112 : i32
        %mul3A_113 = arith.muli %add3A_111, %mul3A_112 : i32
        "tpu.region"() ({
          %run_scoped3A = tpu.sem_alloc : memref<!tpu.dma_semaphore, #tpu.memory_space<semaphore_mem>>
          %dma_start3A_117 = tpu.memref_slice %arg3[%mul3A_113] : memref<322560xi32, #tpu.memory_space<hbm>> -> memref<112xi32, #tpu.memory_space<hbm>>
          %dma_start3A_118 = tpu.memref_slice %arg3[%mul3A_113] : memref<322560xi32, #tpu.memory_space<hbm>> -> memref<112xi32, #tpu.memory_space<hbm>>
          tpu.enqueue_dma source(%dma_start3A_118 : memref<112xi32, #tpu.memory_space<hbm>>) target(%arg10 : memref<112xi32, #tpu.memory_space<vmem>>) target_semaphore(%run_scoped3A : memref<!tpu.dma_semaphore, #tpu.memory_space<semaphore_mem>>)
          %dma_wait3A_119 = tpu.memref_slice %arg3[%mul3A_113] : memref<322560xi32, #tpu.memory_space<hbm>> -> memref<112xi32, #tpu.memory_space<hbm>>
          %dma_wait3A_120 = tpu.memref_slice %arg3[%mul3A_113] : memref<322560xi32, #tpu.memory_space<hbm>> -> memref<112xi32, #tpu.memory_space<hbm>>
          tpu.wait_dma2 semaphore(%run_scoped3A : memref<!tpu.dma_semaphore, #tpu.memory_space<semaphore_mem>>) src(%dma_wait3A_120 : memref<112xi32, #tpu.memory_space<hbm>>) dst(%arg10 : memref<112xi32, #tpu.memory_space<vmem>>)
          tpu.yield
        }) : () -> ()
        "tpu.region"() ({
          %run_scoped3A = tpu.sem_alloc : memref<!tpu.dma_semaphore, #tpu.memory_space<semaphore_mem>>
          %dma_start3A_117 = tpu.memref_slice %arg4[%mul3A_113] : memref<322560xi32, #tpu.memory_space<hbm>> -> memref<112xi32, #tpu.memory_space<hbm>>
          %dma_start3A_118 = tpu.memref_slice %arg4[%mul3A_113] : memref<322560xi32, #tpu.memory_space<hbm>> -> memref<112xi32, #tpu.memory_space<hbm>>
          tpu.enqueue_dma source(%dma_start3A_118 : memref<112xi32, #tpu.memory_space<hbm>>) target(%arg11 : memref<112xi32, #tpu.memory_space<vmem>>) target_semaphore(%run_scoped3A : memref<!tpu.dma_semaphore, #tpu.memory_space<semaphore_mem>>)
          %dma_wait3A_119 = tpu.memref_slice %arg4[%mul3A_113] : memref<322560xi32, #tpu.memory_space<hbm>> -> memref<112xi32, #tpu.memory_space<hbm>>
          %dma_wait3A_120 = tpu.memref_slice %arg4[%mul3A_113] : memref<322560xi32, #tpu.memory_space<hbm>> -> memref<112xi32, #tpu.memory_space<hbm>>
          tpu.wait_dma2 semaphore(%run_scoped3A : memref<!tpu.dma_semaphore, #tpu.memory_space<semaphore_mem>>) src(%dma_wait3A_120 : memref<112xi32, #tpu.memory_space<hbm>>) dst(%arg11 : memref<112xi32, #tpu.memory_space<vmem>>)
          tpu.yield
        }) : () -> ()
        %dma_start3A_114 = arith.constant 0 : i32
        %dma_start3A_115 = arith.constant 0 : i32
        %dma_start3A_116 = tpu.memref_slice %arg2[%dma_start3A_114, %dma_start3A_115] : memref<10240x128xf32, #tpu.memory_space<hbm>> -> memref<10240x128xf32, #tpu.memory_space<hbm>>
        tpu.enqueue_indirect_dma source(%dma_start3A_116 : memref<10240x128xf32, #tpu.memory_space<hbm>>) target(%arg14 : memref<112x128xf32, #tpu.memory_space<vmem>>) offsets(%arg10 : memref<112xi32, #tpu.memory_space<vmem>>) semaphore(%arg18 : memref<!tpu.dma_semaphore, #tpu.memory_space<semaphore_mem>>)
      } else {
      }
    }
    %scan3A_62 = arith.constant 30 : i32
    %barrier3A_63 = arith.constant 0 : index
    tpu.barrier barrier_id(%barrier3A_63)
    %mul3A_64 = arith.constant 640 : i32
    %mul3A_65 = arith.muli %arg1, %mul3A_64 : i32
    %mul3A_66 = arith.constant 640 : i32
    %mul3A_67 = arith.muli %arg1, %mul3A_66 : i32
    "tpu.region"() ({
      %run_scoped3A = tpu.sem_alloc : memref<!tpu.dma_semaphore, #tpu.memory_space<semaphore_mem>>
      %dma_start3A_68 = arith.constant 0 : i32
      %dma_start3A_69 = tpu.memref_slice %arg5[%arg0, %mul3A_67, %dma_start3A_68] : memref<2x10240x128xf32, #tpu.memory_space<hbm>> -> memref<1x640x128xf32, #tpu.memory_space<hbm>>
      %dma_start3A_70 = tpu.memref_squeeze %dma_start3A_69 : memref<1x640x128xf32, #tpu.memory_space<hbm>> -> memref<640x128xf32, #tpu.memory_space<hbm>>
      %dma_start3A_71 = arith.constant 0 : i32
      %dma_start3A_72 = tpu.memref_slice %arg15[%mul3A_65, %dma_start3A_71] : memref<10240x128xf32, #tpu.memory_space<vmem_shared>> -> memref<640x128xf32, #tpu.memory_space<vmem_shared>>
      tpu.enqueue_dma source(%dma_start3A_72 : memref<640x128xf32, #tpu.memory_space<vmem_shared>>) target(%dma_start3A_70 : memref<640x128xf32, #tpu.memory_space<hbm>>) target_semaphore(%run_scoped3A : memref<!tpu.dma_semaphore, #tpu.memory_space<semaphore_mem>>)
      %dma_wait3A = arith.constant 0 : i32
      %dma_wait3A_73 = tpu.memref_slice %arg5[%arg0, %mul3A_67, %dma_wait3A] : memref<2x10240x128xf32, #tpu.memory_space<hbm>> -> memref<1x640x128xf32, #tpu.memory_space<hbm>>
      %dma_wait3A_74 = tpu.memref_squeeze %dma_wait3A_73 : memref<1x640x128xf32, #tpu.memory_space<hbm>> -> memref<640x128xf32, #tpu.memory_space<hbm>>
      %dma_wait3A_75 = arith.constant 0 : i32
      %dma_wait3A_76 = tpu.memref_slice %arg15[%mul3A_65, %dma_wait3A_75] : memref<10240x128xf32, #tpu.memory_space<vmem_shared>> -> memref<640x128xf32, #tpu.memory_space<vmem_shared>>
      tpu.wait_dma2 semaphore(%run_scoped3A : memref<!tpu.dma_semaphore, #tpu.memory_space<semaphore_mem>>) src(%dma_wait3A_76 : memref<640x128xf32, #tpu.memory_space<vmem_shared>>) dst(%dma_wait3A_74 : memref<640x128xf32, #tpu.memory_space<hbm>>)
      tpu.yield
    }) : () -> ()
    return
  }
}

#map = affine_map<(d0, d1) -> (0)>
#map1 = affine_map<(d0, d1) -> (0, 0, 0)>
module attributes {stable_mosaic.version = 14 : i64} {
  func.func @_sc_deg(%arg0: i32, %arg1: i32, %arg2: memref<322560xi32, #tpu.memory_space<hbm>>, %arg3: memref<2x10240x128xf32, #tpu.memory_space<hbm>>, %arg4: memref<10080xi32, #tpu.memory_space<vmem>>, %arg5: memref<112xi32, #tpu.memory_space<vmem>>, %arg6: memref<112x128xf32, #tpu.memory_space<vmem>>, %arg7: memref<10240x128xf32, #tpu.memory_space<vmem_shared>>) attributes {dimension_semantics = [#tpu.dimension_semantics<core_parallel>, #tpu.dimension_semantics<subcore_parallel>], iteration_bounds = array<i64: 2, 16>, scalar_prefetch = 0 : i64, scratch_operands = 4 : i64, tpu.core_type = #tpu.core_type<sc_vector_subcore>, window_params = [{transform_indices = #map}, {transform_indices = #map1}]} {
    %mul3A = arith.constant 2 : i32
    %mul3A_0 = arith.muli %arg1, %mul3A : i32
    %add3A = arith.addi %mul3A_0, %arg0 : i32
    %broadcast_in_dim3A = arith.constant 0.000000e+00 : f32
    %broadcast_in_dim3A_1 = vector.broadcast %broadcast_in_dim3A : f32 to vector<16xf32>
    %broadcast_in_dim3A_2 = arith.constant 1.000000e+00 : f32
    %broadcast_in_dim3A_3 = vector.broadcast %broadcast_in_dim3A_2 : f32 to vector<16xf32>
    %scan3A = arith.constant 0 : i32
    %scan3A_4 = arith.constant 0 : i32
    %scan3A_5 = arith.constant 112 : i32
    %scan3A_6 = arith.addi %scan3A_4, %scan3A_5 : i32
    %scan3A_7 = arith.constant 1 : i32
    scf.for %scan3A_54 = %scan3A_4 to %scan3A_6 step %scan3A_7  : i32 {
      %swap3A = arith.index_cast %scan3A_54 : i32 to index
      %swap3A_55 = arith.constant 0 : index
      %swap3A_56 = tpu.vector_load %arg6[%swap3A, %swap3A_55] {strides = array<i32>} : memref<112x128xf32, #tpu.memory_space<vmem>>, vector<1x16xf32>,
      %swap3A_57 = vector.shape_cast %swap3A_56 : vector<1x16xf32> to vector<16xf32>
      %swap3A_58 = vector.shape_cast %broadcast_in_dim3A_1 : vector<16xf32> to vector<1x16xf32>
      tpu.vector_store %arg6[%swap3A, %swap3A_55], %swap3A_58 {strides = array<i32>} : memref<112x128xf32, #tpu.memory_space<vmem>>, vector<1x16xf32>,
      %swap3A_59 = arith.index_cast %scan3A_54 : i32 to index
      %swap3A_60 = arith.constant 16 : index
      %swap3A_61 = tpu.vector_load %arg6[%swap3A_59, %swap3A_60] {strides = array<i32>} : memref<112x128xf32, #tpu.memory_space<vmem>>, vector<1x16xf32>,
      %swap3A_62 = vector.shape_cast %swap3A_61 : vector<1x16xf32> to vector<16xf32>
      %swap3A_63 = vector.shape_cast %broadcast_in_dim3A_1 : vector<16xf32> to vector<1x16xf32>
      tpu.vector_store %arg6[%swap3A_59, %swap3A_60], %swap3A_63 {strides = array<i32>} : memref<112x128xf32, #tpu.memory_space<vmem>>, vector<1x16xf32>,
      %swap3A_64 = arith.index_cast %scan3A_54 : i32 to index
      %swap3A_65 = arith.constant 32 : index
      %swap3A_66 = tpu.vector_load %arg6[%swap3A_64, %swap3A_65] {strides = array<i32>} : memref<112x128xf32, #tpu.memory_space<vmem>>, vector<1x16xf32>,
      %swap3A_67 = vector.shape_cast %swap3A_66 : vector<1x16xf32> to vector<16xf32>
      %swap3A_68 = vector.shape_cast %broadcast_in_dim3A_1 : vector<16xf32> to vector<1x16xf32>
      tpu.vector_store %arg6[%swap3A_64, %swap3A_65], %swap3A_68 {strides = array<i32>} : memref<112x128xf32, #tpu.memory_space<vmem>>, vector<1x16xf32>,
      %swap3A_69 = arith.index_cast %scan3A_54 : i32 to index
      %swap3A_70 = arith.constant 48 : index
      %swap3A_71 = tpu.vector_load %arg6[%swap3A_69, %swap3A_70] {strides = array<i32>} : memref<112x128xf32, #tpu.memory_space<vmem>>, vector<1x16xf32>,
      %swap3A_72 = vector.shape_cast %swap3A_71 : vector<1x16xf32> to vector<16xf32>
      %swap3A_73 = vector.shape_cast %broadcast_in_dim3A_1 : vector<16xf32> to vector<1x16xf32>
      tpu.vector_store %arg6[%swap3A_69, %swap3A_70], %swap3A_73 {strides = array<i32>} : memref<112x128xf32, #tpu.memory_space<vmem>>, vector<1x16xf32>,
      %swap3A_74 = arith.index_cast %scan3A_54 : i32 to index
      %swap3A_75 = arith.constant 64 : index
      %swap3A_76 = tpu.vector_load %arg6[%swap3A_74, %swap3A_75] {strides = array<i32>} : memref<112x128xf32, #tpu.memory_space<vmem>>, vector<1x16xf32>,
      %swap3A_77 = vector.shape_cast %swap3A_76 : vector<1x16xf32> to vector<16xf32>
      %swap3A_78 = vector.shape_cast %broadcast_in_dim3A_1 : vector<16xf32> to vector<1x16xf32>
      tpu.vector_store %arg6[%swap3A_74, %swap3A_75], %swap3A_78 {strides = array<i32>} : memref<112x128xf32, #tpu.memory_space<vmem>>, vector<1x16xf32>,
      %swap3A_79 = arith.index_cast %scan3A_54 : i32 to index
      %swap3A_80 = arith.constant 80 : index
      %swap3A_81 = tpu.vector_load %arg6[%swap3A_79, %swap3A_80] {strides = array<i32>} : memref<112x128xf32, #tpu.memory_space<vmem>>, vector<1x16xf32>,
      %swap3A_82 = vector.shape_cast %swap3A_81 : vector<1x16xf32> to vector<16xf32>
      %swap3A_83 = vector.shape_cast %broadcast_in_dim3A_1 : vector<16xf32> to vector<1x16xf32>
      tpu.vector_store %arg6[%swap3A_79, %swap3A_80], %swap3A_83 {strides = array<i32>} : memref<112x128xf32, #tpu.memory_space<vmem>>, vector<1x16xf32>,
      %swap3A_84 = arith.index_cast %scan3A_54 : i32 to index
      %swap3A_85 = arith.constant 96 : index
      %swap3A_86 = tpu.vector_load %arg6[%swap3A_84, %swap3A_85] {strides = array<i32>} : memref<112x128xf32, #tpu.memory_space<vmem>>, vector<1x16xf32>,
      %swap3A_87 = vector.shape_cast %swap3A_86 : vector<1x16xf32> to vector<16xf32>
      %swap3A_88 = vector.shape_cast %broadcast_in_dim3A_1 : vector<16xf32> to vector<1x16xf32>
      tpu.vector_store %arg6[%swap3A_84, %swap3A_85], %swap3A_88 {strides = array<i32>} : memref<112x128xf32, #tpu.memory_space<vmem>>, vector<1x16xf32>,
      %swap3A_89 = arith.index_cast %scan3A_54 : i32 to index
      %swap3A_90 = arith.constant 112 : index
      %swap3A_91 = tpu.vector_load %arg6[%swap3A_89, %swap3A_90] {strides = array<i32>} : memref<112x128xf32, #tpu.memory_space<vmem>>, vector<1x16xf32>,
      %swap3A_92 = vector.shape_cast %swap3A_91 : vector<1x16xf32> to vector<16xf32>
      %swap3A_93 = vector.shape_cast %broadcast_in_dim3A_1 : vector<16xf32> to vector<1x16xf32>
      tpu.vector_store %arg6[%swap3A_89, %swap3A_90], %swap3A_93 {strides = array<i32>} : memref<112x128xf32, #tpu.memory_space<vmem>>, vector<1x16xf32>,
    }
    %scan3A_8 = arith.constant 112 : i32
    %mul3A_9 = arith.constant 640 : i32
    %mul3A_10 = arith.muli %arg1, %mul3A_9 : i32
    %add3A_11 = arith.constant 0 : i32
    %add3A_12 = arith.addi %mul3A_10, %add3A_11 : i32
    "tpu.region"() ({
      %run_scoped3A = tpu.sem_alloc : memref<!tpu.dma_semaphore, #tpu.memory_space<semaphore_mem>>
      %dma_start3A = arith.constant 0 : i32
      %dma_start3A_54 = arith.constant 0 : i32
      %dma_start3A_55 = tpu.memref_slice %arg6[%dma_start3A, %dma_start3A_54] : memref<112x128xf32, #tpu.memory_space<vmem>> -> memref<112x128xf32, #tpu.memory_space<vmem>>
      %dma_start3A_56 = arith.constant 0 : i32
      %dma_start3A_57 = tpu.memref_slice %arg7[%add3A_12, %dma_start3A_56] : memref<10240x128xf32, #tpu.memory_space<vmem_shared>> -> memref<112x128xf32, #tpu.memory_space<vmem_shared>>
      %dma_start3A_58 = arith.constant 0 : i32
      %dma_start3A_59 = tpu.memref_slice %arg7[%add3A_12, %dma_start3A_58] : memref<10240x128xf32, #tpu.memory_space<vmem_shared>> -> memref<112x128xf32, #tpu.memory_space<vmem_shared>>
      %dma_start3A_60 = arith.constant 0 : i32
      %dma_start3A_61 = arith.constant 0 : i32
      %dma_start3A_62 = tpu.memref_slice %arg6[%dma_start3A_60, %dma_start3A_61] : memref<112x128xf32, #tpu.memory_space<vmem>> -> memref<112x128xf32, #tpu.memory_space<vmem>>
      tpu.enqueue_dma source(%dma_start3A_62 : memref<112x128xf32, #tpu.memory_space<vmem>>) target(%dma_start3A_59 : memref<112x128xf32, #tpu.memory_space<vmem_shared>>) target_semaphore(%run_scoped3A : memref<!tpu.dma_semaphore, #tpu.memory_space<semaphore_mem>>)
      %dma_wait3A = arith.constant 0 : i32
      %dma_wait3A_63 = arith.constant 0 : i32
      %dma_wait3A_64 = tpu.memref_slice %arg6[%dma_wait3A, %dma_wait3A_63] : memref<112x128xf32, #tpu.memory_space<vmem>> -> memref<112x128xf32, #tpu.memory_space<vmem>>
      %dma_wait3A_65 = arith.constant 0 : i32
      %dma_wait3A_66 = tpu.memref_slice %arg7[%add3A_12, %dma_wait3A_65] : memref<10240x128xf32, #tpu.memory_space<vmem_shared>> -> memref<112x128xf32, #tpu.memory_space<vmem_shared>>
      %dma_wait3A_67 = arith.constant 0 : i32
      %dma_wait3A_68 = tpu.memref_slice %arg7[%add3A_12, %dma_wait3A_67] : memref<10240x128xf32, #tpu.memory_space<vmem_shared>> -> memref<112x128xf32, #tpu.memory_space<vmem_shared>>
      %dma_wait3A_69 = arith.constant 0 : i32
      %dma_wait3A_70 = arith.constant 0 : i32
      %dma_wait3A_71 = tpu.memref_slice %arg6[%dma_wait3A_69, %dma_wait3A_70] : memref<112x128xf32, #tpu.memory_space<vmem>> -> memref<112x128xf32, #tpu.memory_space<vmem>>
      tpu.wait_dma2 semaphore(%run_scoped3A : memref<!tpu.dma_semaphore, #tpu.memory_space<semaphore_mem>>) src(%dma_wait3A_71 : memref<112x128xf32, #tpu.memory_space<vmem>>) dst(%dma_wait3A_68 : memref<112x128xf32, #tpu.memory_space<vmem_shared>>)
      tpu.yield
    }) : () -> ()
    %mul3A_13 = arith.constant 640 : i32
    %mul3A_14 = arith.muli %arg1, %mul3A_13 : i32
    %add3A_15 = arith.constant 112 : i32
    %add3A_16 = arith.addi %mul3A_14, %add3A_15 : i32
    "tpu.region"() ({
      %run_scoped3A = tpu.sem_alloc : memref<!tpu.dma_semaphore, #tpu.memory_space<semaphore_mem>>
      %dma_start3A = arith.constant 0 : i32
      %dma_start3A_54 = arith.constant 0 : i32
      %dma_start3A_55 = tpu.memref_slice %arg6[%dma_start3A, %dma_start3A_54] : memref<112x128xf32, #tpu.memory_space<vmem>> -> memref<112x128xf32, #tpu.memory_space<vmem>>
      %dma_start3A_56 = arith.constant 0 : i32
      %dma_start3A_57 = tpu.memref_slice %arg7[%add3A_16, %dma_start3A_56] : memref<10240x128xf32, #tpu.memory_space<vmem_shared>> -> memref<112x128xf32, #tpu.memory_space<vmem_shared>>
      %dma_start3A_58 = arith.constant 0 : i32
      %dma_start3A_59 = tpu.memref_slice %arg7[%add3A_16, %dma_start3A_58] : memref<10240x128xf32, #tpu.memory_space<vmem_shared>> -> memref<112x128xf32, #tpu.memory_space<vmem_shared>>
      %dma_start3A_60 = arith.constant 0 : i32
      %dma_start3A_61 = arith.constant 0 : i32
      %dma_start3A_62 = tpu.memref_slice %arg6[%dma_start3A_60, %dma_start3A_61] : memref<112x128xf32, #tpu.memory_space<vmem>> -> memref<112x128xf32, #tpu.memory_space<vmem>>
      tpu.enqueue_dma source(%dma_start3A_62 : memref<112x128xf32, #tpu.memory_space<vmem>>) target(%dma_start3A_59 : memref<112x128xf32, #tpu.memory_space<vmem_shared>>) target_semaphore(%run_scoped3A : memref<!tpu.dma_semaphore, #tpu.memory_space<semaphore_mem>>)
      %dma_wait3A = arith.constant 0 : i32
      %dma_wait3A_63 = arith.constant 0 : i32
      %dma_wait3A_64 = tpu.memref_slice %arg6[%dma_wait3A, %dma_wait3A_63] : memref<112x128xf32, #tpu.memory_space<vmem>> -> memref<112x128xf32, #tpu.memory_space<vmem>>
      %dma_wait3A_65 = arith.constant 0 : i32
      %dma_wait3A_66 = tpu.memref_slice %arg7[%add3A_16, %dma_wait3A_65] : memref<10240x128xf32, #tpu.memory_space<vmem_shared>> -> memref<112x128xf32, #tpu.memory_space<vmem_shared>>
      %dma_wait3A_67 = arith.constant 0 : i32
      %dma_wait3A_68 = tpu.memref_slice %arg7[%add3A_16, %dma_wait3A_67] : memref<10240x128xf32, #tpu.memory_space<vmem_shared>> -> memref<112x128xf32, #tpu.memory_space<vmem_shared>>
      %dma_wait3A_69 = arith.constant 0 : i32
      %dma_wait3A_70 = arith.constant 0 : i32
      %dma_wait3A_71 = tpu.memref_slice %arg6[%dma_wait3A_69, %dma_wait3A_70] : memref<112x128xf32, #tpu.memory_space<vmem>> -> memref<112x128xf32, #tpu.memory_space<vmem>>
      tpu.wait_dma2 semaphore(%run_scoped3A : memref<!tpu.dma_semaphore, #tpu.memory_space<semaphore_mem>>) src(%dma_wait3A_71 : memref<112x128xf32, #tpu.memory_space<vmem>>) dst(%dma_wait3A_68 : memref<112x128xf32, #tpu.memory_space<vmem_shared>>)
      tpu.yield
    }) : () -> ()
    %mul3A_17 = arith.constant 640 : i32
    %mul3A_18 = arith.muli %arg1, %mul3A_17 : i32
    %add3A_19 = arith.constant 224 : i32
    %add3A_20 = arith.addi %mul3A_18, %add3A_19 : i32
    "tpu.region"() ({
      %run_scoped3A = tpu.sem_alloc : memref<!tpu.dma_semaphore, #tpu.memory_space<semaphore_mem>>
      %dma_start3A = arith.constant 0 : i32
      %dma_start3A_54 = arith.constant 0 : i32
      %dma_start3A_55 = tpu.memref_slice %arg6[%dma_start3A, %dma_start3A_54] : memref<112x128xf32, #tpu.memory_space<vmem>> -> memref<112x128xf32, #tpu.memory_space<vmem>>
      %dma_start3A_56 = arith.constant 0 : i32
      %dma_start3A_57 = tpu.memref_slice %arg7[%add3A_20, %dma_start3A_56] : memref<10240x128xf32, #tpu.memory_space<vmem_shared>> -> memref<112x128xf32, #tpu.memory_space<vmem_shared>>
      %dma_start3A_58 = arith.constant 0 : i32
      %dma_start3A_59 = tpu.memref_slice %arg7[%add3A_20, %dma_start3A_58] : memref<10240x128xf32, #tpu.memory_space<vmem_shared>> -> memref<112x128xf32, #tpu.memory_space<vmem_shared>>
      %dma_start3A_60 = arith.constant 0 : i32
      %dma_start3A_61 = arith.constant 0 : i32
      %dma_start3A_62 = tpu.memref_slice %arg6[%dma_start3A_60, %dma_start3A_61] : memref<112x128xf32, #tpu.memory_space<vmem>> -> memref<112x128xf32, #tpu.memory_space<vmem>>
      tpu.enqueue_dma source(%dma_start3A_62 : memref<112x128xf32, #tpu.memory_space<vmem>>) target(%dma_start3A_59 : memref<112x128xf32, #tpu.memory_space<vmem_shared>>) target_semaphore(%run_scoped3A : memref<!tpu.dma_semaphore, #tpu.memory_space<semaphore_mem>>)
      %dma_wait3A = arith.constant 0 : i32
      %dma_wait3A_63 = arith.constant 0 : i32
      %dma_wait3A_64 = tpu.memref_slice %arg6[%dma_wait3A, %dma_wait3A_63] : memref<112x128xf32, #tpu.memory_space<vmem>> -> memref<112x128xf32, #tpu.memory_space<vmem>>
      %dma_wait3A_65 = arith.constant 0 : i32
      %dma_wait3A_66 = tpu.memref_slice %arg7[%add3A_20, %dma_wait3A_65] : memref<10240x128xf32, #tpu.memory_space<vmem_shared>> -> memref<112x128xf32, #tpu.memory_space<vmem_shared>>
      %dma_wait3A_67 = arith.constant 0 : i32
      %dma_wait3A_68 = tpu.memref_slice %arg7[%add3A_20, %dma_wait3A_67] : memref<10240x128xf32, #tpu.memory_space<vmem_shared>> -> memref<112x128xf32, #tpu.memory_space<vmem_shared>>
      %dma_wait3A_69 = arith.constant 0 : i32
      %dma_wait3A_70 = arith.constant 0 : i32
      %dma_wait3A_71 = tpu.memref_slice %arg6[%dma_wait3A_69, %dma_wait3A_70] : memref<112x128xf32, #tpu.memory_space<vmem>> -> memref<112x128xf32, #tpu.memory_space<vmem>>
      tpu.wait_dma2 semaphore(%run_scoped3A : memref<!tpu.dma_semaphore, #tpu.memory_space<semaphore_mem>>) src(%dma_wait3A_71 : memref<112x128xf32, #tpu.memory_space<vmem>>) dst(%dma_wait3A_68 : memref<112x128xf32, #tpu.memory_space<vmem_shared>>)
      tpu.yield
    }) : () -> ()
    %mul3A_21 = arith.constant 640 : i32
    %mul3A_22 = arith.muli %arg1, %mul3A_21 : i32
    %add3A_23 = arith.constant 336 : i32
    %add3A_24 = arith.addi %mul3A_22, %add3A_23 : i32
    "tpu.region"() ({
      %run_scoped3A = tpu.sem_alloc : memref<!tpu.dma_semaphore, #tpu.memory_space<semaphore_mem>>
      %dma_start3A = arith.constant 0 : i32
      %dma_start3A_54 = arith.constant 0 : i32
      %dma_start3A_55 = tpu.memref_slice %arg6[%dma_start3A, %dma_start3A_54] : memref<112x128xf32, #tpu.memory_space<vmem>> -> memref<112x128xf32, #tpu.memory_space<vmem>>
      %dma_start3A_56 = arith.constant 0 : i32
      %dma_start3A_57 = tpu.memref_slice %arg7[%add3A_24, %dma_start3A_56] : memref<10240x128xf32, #tpu.memory_space<vmem_shared>> -> memref<112x128xf32, #tpu.memory_space<vmem_shared>>
      %dma_start3A_58 = arith.constant 0 : i32
      %dma_start3A_59 = tpu.memref_slice %arg7[%add3A_24, %dma_start3A_58] : memref<10240x128xf32, #tpu.memory_space<vmem_shared>> -> memref<112x128xf32, #tpu.memory_space<vmem_shared>>
      %dma_start3A_60 = arith.constant 0 : i32
      %dma_start3A_61 = arith.constant 0 : i32
      %dma_start3A_62 = tpu.memref_slice %arg6[%dma_start3A_60, %dma_start3A_61] : memref<112x128xf32, #tpu.memory_space<vmem>> -> memref<112x128xf32, #tpu.memory_space<vmem>>
      tpu.enqueue_dma source(%dma_start3A_62 : memref<112x128xf32, #tpu.memory_space<vmem>>) target(%dma_start3A_59 : memref<112x128xf32, #tpu.memory_space<vmem_shared>>) target_semaphore(%run_scoped3A : memref<!tpu.dma_semaphore, #tpu.memory_space<semaphore_mem>>)
      %dma_wait3A = arith.constant 0 : i32
      %dma_wait3A_63 = arith.constant 0 : i32
      %dma_wait3A_64 = tpu.memref_slice %arg6[%dma_wait3A, %dma_wait3A_63] : memref<112x128xf32, #tpu.memory_space<vmem>> -> memref<112x128xf32, #tpu.memory_space<vmem>>
      %dma_wait3A_65 = arith.constant 0 : i32
      %dma_wait3A_66 = tpu.memref_slice %arg7[%add3A_24, %dma_wait3A_65] : memref<10240x128xf32, #tpu.memory_space<vmem_shared>> -> memref<112x128xf32, #tpu.memory_space<vmem_shared>>
      %dma_wait3A_67 = arith.constant 0 : i32
      %dma_wait3A_68 = tpu.memref_slice %arg7[%add3A_24, %dma_wait3A_67] : memref<10240x128xf32, #tpu.memory_space<vmem_shared>> -> memref<112x128xf32, #tpu.memory_space<vmem_shared>>
      %dma_wait3A_69 = arith.constant 0 : i32
      %dma_wait3A_70 = arith.constant 0 : i32
      %dma_wait3A_71 = tpu.memref_slice %arg6[%dma_wait3A_69, %dma_wait3A_70] : memref<112x128xf32, #tpu.memory_space<vmem>> -> memref<112x128xf32, #tpu.memory_space<vmem>>
      tpu.wait_dma2 semaphore(%run_scoped3A : memref<!tpu.dma_semaphore, #tpu.memory_space<semaphore_mem>>) src(%dma_wait3A_71 : memref<112x128xf32, #tpu.memory_space<vmem>>) dst(%dma_wait3A_68 : memref<112x128xf32, #tpu.memory_space<vmem_shared>>)
      tpu.yield
    }) : () -> ()
    %mul3A_25 = arith.constant 640 : i32
    %mul3A_26 = arith.muli %arg1, %mul3A_25 : i32
    %add3A_27 = arith.constant 448 : i32
    %add3A_28 = arith.addi %mul3A_26, %add3A_27 : i32
    "tpu.region"() ({
      %run_scoped3A = tpu.sem_alloc : memref<!tpu.dma_semaphore, #tpu.memory_space<semaphore_mem>>
      %dma_start3A = arith.constant 0 : i32
      %dma_start3A_54 = arith.constant 0 : i32
      %dma_start3A_55 = tpu.memref_slice %arg6[%dma_start3A, %dma_start3A_54] : memref<112x128xf32, #tpu.memory_space<vmem>> -> memref<112x128xf32, #tpu.memory_space<vmem>>
      %dma_start3A_56 = arith.constant 0 : i32
      %dma_start3A_57 = tpu.memref_slice %arg7[%add3A_28, %dma_start3A_56] : memref<10240x128xf32, #tpu.memory_space<vmem_shared>> -> memref<112x128xf32, #tpu.memory_space<vmem_shared>>
      %dma_start3A_58 = arith.constant 0 : i32
      %dma_start3A_59 = tpu.memref_slice %arg7[%add3A_28, %dma_start3A_58] : memref<10240x128xf32, #tpu.memory_space<vmem_shared>> -> memref<112x128xf32, #tpu.memory_space<vmem_shared>>
      %dma_start3A_60 = arith.constant 0 : i32
      %dma_start3A_61 = arith.constant 0 : i32
      %dma_start3A_62 = tpu.memref_slice %arg6[%dma_start3A_60, %dma_start3A_61] : memref<112x128xf32, #tpu.memory_space<vmem>> -> memref<112x128xf32, #tpu.memory_space<vmem>>
      tpu.enqueue_dma source(%dma_start3A_62 : memref<112x128xf32, #tpu.memory_space<vmem>>) target(%dma_start3A_59 : memref<112x128xf32, #tpu.memory_space<vmem_shared>>) target_semaphore(%run_scoped3A : memref<!tpu.dma_semaphore, #tpu.memory_space<semaphore_mem>>)
      %dma_wait3A = arith.constant 0 : i32
      %dma_wait3A_63 = arith.constant 0 : i32
      %dma_wait3A_64 = tpu.memref_slice %arg6[%dma_wait3A, %dma_wait3A_63] : memref<112x128xf32, #tpu.memory_space<vmem>> -> memref<112x128xf32, #tpu.memory_space<vmem>>
      %dma_wait3A_65 = arith.constant 0 : i32
      %dma_wait3A_66 = tpu.memref_slice %arg7[%add3A_28, %dma_wait3A_65] : memref<10240x128xf32, #tpu.memory_space<vmem_shared>> -> memref<112x128xf32, #tpu.memory_space<vmem_shared>>
      %dma_wait3A_67 = arith.constant 0 : i32
      %dma_wait3A_68 = tpu.memref_slice %arg7[%add3A_28, %dma_wait3A_67] : memref<10240x128xf32, #tpu.memory_space<vmem_shared>> -> memref<112x128xf32, #tpu.memory_space<vmem_shared>>
      %dma_wait3A_69 = arith.constant 0 : i32
      %dma_wait3A_70 = arith.constant 0 : i32
      %dma_wait3A_71 = tpu.memref_slice %arg6[%dma_wait3A_69, %dma_wait3A_70] : memref<112x128xf32, #tpu.memory_space<vmem>> -> memref<112x128xf32, #tpu.memory_space<vmem>>
      tpu.wait_dma2 semaphore(%run_scoped3A : memref<!tpu.dma_semaphore, #tpu.memory_space<semaphore_mem>>) src(%dma_wait3A_71 : memref<112x128xf32, #tpu.memory_space<vmem>>) dst(%dma_wait3A_68 : memref<112x128xf32, #tpu.memory_space<vmem_shared>>)
      tpu.yield
    }) : () -> ()
    %mul3A_29 = arith.constant 640 : i32
    %mul3A_30 = arith.muli %arg1, %mul3A_29 : i32
    %add3A_31 = arith.constant 560 : i32
    %add3A_32 = arith.addi %mul3A_30, %add3A_31 : i32
    "tpu.region"() ({
      %run_scoped3A = tpu.sem_alloc : memref<!tpu.dma_semaphore, #tpu.memory_space<semaphore_mem>>
      %dma_start3A = arith.constant 0 : i32
      %dma_start3A_54 = arith.constant 0 : i32
      %dma_start3A_55 = tpu.memref_slice %arg6[%dma_start3A, %dma_start3A_54] : memref<112x128xf32, #tpu.memory_space<vmem>> -> memref<80x128xf32, #tpu.memory_space<vmem>>
      %dma_start3A_56 = arith.constant 0 : i32
      %dma_start3A_57 = tpu.memref_slice %arg7[%add3A_32, %dma_start3A_56] : memref<10240x128xf32, #tpu.memory_space<vmem_shared>> -> memref<80x128xf32, #tpu.memory_space<vmem_shared>>
      %dma_start3A_58 = arith.constant 0 : i32
      %dma_start3A_59 = tpu.memref_slice %arg7[%add3A_32, %dma_start3A_58] : memref<10240x128xf32, #tpu.memory_space<vmem_shared>> -> memref<80x128xf32, #tpu.memory_space<vmem_shared>>
      %dma_start3A_60 = arith.constant 0 : i32
      %dma_start3A_61 = arith.constant 0 : i32
      %dma_start3A_62 = tpu.memref_slice %arg6[%dma_start3A_60, %dma_start3A_61] : memref<112x128xf32, #tpu.memory_space<vmem>> -> memref<80x128xf32, #tpu.memory_space<vmem>>
      tpu.enqueue_dma source(%dma_start3A_62 : memref<80x128xf32, #tpu.memory_space<vmem>>) target(%dma_start3A_59 : memref<80x128xf32, #tpu.memory_space<vmem_shared>>) target_semaphore(%run_scoped3A : memref<!tpu.dma_semaphore, #tpu.memory_space<semaphore_mem>>)
      %dma_wait3A = arith.constant 0 : i32
      %dma_wait3A_63 = arith.constant 0 : i32
      %dma_wait3A_64 = tpu.memref_slice %arg6[%dma_wait3A, %dma_wait3A_63] : memref<112x128xf32, #tpu.memory_space<vmem>> -> memref<80x128xf32, #tpu.memory_space<vmem>>
      %dma_wait3A_65 = arith.constant 0 : i32
      %dma_wait3A_66 = tpu.memref_slice %arg7[%add3A_32, %dma_wait3A_65] : memref<10240x128xf32, #tpu.memory_space<vmem_shared>> -> memref<80x128xf32, #tpu.memory_space<vmem_shared>>
      %dma_wait3A_67 = arith.constant 0 : i32
      %dma_wait3A_68 = tpu.memref_slice %arg7[%add3A_32, %dma_wait3A_67] : memref<10240x128xf32, #tpu.memory_space<vmem_shared>> -> memref<80x128xf32, #tpu.memory_space<vmem_shared>>
      %dma_wait3A_69 = arith.constant 0 : i32
      %dma_wait3A_70 = arith.constant 0 : i32
      %dma_wait3A_71 = tpu.memref_slice %arg6[%dma_wait3A_69, %dma_wait3A_70] : memref<112x128xf32, #tpu.memory_space<vmem>> -> memref<80x128xf32, #tpu.memory_space<vmem>>
      tpu.wait_dma2 semaphore(%run_scoped3A : memref<!tpu.dma_semaphore, #tpu.memory_space<semaphore_mem>>) src(%dma_wait3A_71 : memref<80x128xf32, #tpu.memory_space<vmem>>) dst(%dma_wait3A_68 : memref<80x128xf32, #tpu.memory_space<vmem_shared>>)
      tpu.yield
    }) : () -> ()
    %scan3A_33 = arith.constant 0 : i32
    %scan3A_34 = arith.constant 0 : i32
    %scan3A_35 = arith.constant 112 : i32
    %scan3A_36 = arith.addi %scan3A_34, %scan3A_35 : i32
    %scan3A_37 = arith.constant 1 : i32
    scf.for %scan3A_54 = %scan3A_34 to %scan3A_36 step %scan3A_37  : i32 {
      %swap3A = arith.index_cast %scan3A_54 : i32 to index
      %swap3A_55 = arith.constant 0 : index
      %swap3A_56 = tpu.vector_load %arg6[%swap3A, %swap3A_55] {strides = array<i32>} : memref<112x128xf32, #tpu.memory_space<vmem>>, vector<1x16xf32>,
      %swap3A_57 = vector.shape_cast %swap3A_56 : vector<1x16xf32> to vector<16xf32>
      %swap3A_58 = vector.shape_cast %broadcast_in_dim3A_3 : vector<16xf32> to vector<1x16xf32>
      tpu.vector_store %arg6[%swap3A, %swap3A_55], %swap3A_58 {strides = array<i32>} : memref<112x128xf32, #tpu.memory_space<vmem>>, vector<1x16xf32>,
      %swap3A_59 = arith.index_cast %scan3A_54 : i32 to index
      %swap3A_60 = arith.constant 16 : index
      %swap3A_61 = tpu.vector_load %arg6[%swap3A_59, %swap3A_60] {strides = array<i32>} : memref<112x128xf32, #tpu.memory_space<vmem>>, vector<1x16xf32>,
      %swap3A_62 = vector.shape_cast %swap3A_61 : vector<1x16xf32> to vector<16xf32>
      %swap3A_63 = vector.shape_cast %broadcast_in_dim3A_3 : vector<16xf32> to vector<1x16xf32>
      tpu.vector_store %arg6[%swap3A_59, %swap3A_60], %swap3A_63 {strides = array<i32>} : memref<112x128xf32, #tpu.memory_space<vmem>>, vector<1x16xf32>,
      %swap3A_64 = arith.index_cast %scan3A_54 : i32 to index
      %swap3A_65 = arith.constant 32 : index
      %swap3A_66 = tpu.vector_load %arg6[%swap3A_64, %swap3A_65] {strides = array<i32>} : memref<112x128xf32, #tpu.memory_space<vmem>>, vector<1x16xf32>,
      %swap3A_67 = vector.shape_cast %swap3A_66 : vector<1x16xf32> to vector<16xf32>
      %swap3A_68 = vector.shape_cast %broadcast_in_dim3A_3 : vector<16xf32> to vector<1x16xf32>
      tpu.vector_store %arg6[%swap3A_64, %swap3A_65], %swap3A_68 {strides = array<i32>} : memref<112x128xf32, #tpu.memory_space<vmem>>, vector<1x16xf32>,
      %swap3A_69 = arith.index_cast %scan3A_54 : i32 to index
      %swap3A_70 = arith.constant 48 : index
      %swap3A_71 = tpu.vector_load %arg6[%swap3A_69, %swap3A_70] {strides = array<i32>} : memref<112x128xf32, #tpu.memory_space<vmem>>, vector<1x16xf32>,
      %swap3A_72 = vector.shape_cast %swap3A_71 : vector<1x16xf32> to vector<16xf32>
      %swap3A_73 = vector.shape_cast %broadcast_in_dim3A_3 : vector<16xf32> to vector<1x16xf32>
      tpu.vector_store %arg6[%swap3A_69, %swap3A_70], %swap3A_73 {strides = array<i32>} : memref<112x128xf32, #tpu.memory_space<vmem>>, vector<1x16xf32>,
      %swap3A_74 = arith.index_cast %scan3A_54 : i32 to index
      %swap3A_75 = arith.constant 64 : index
      %swap3A_76 = tpu.vector_load %arg6[%swap3A_74, %swap3A_75] {strides = array<i32>} : memref<112x128xf32, #tpu.memory_space<vmem>>, vector<1x16xf32>,
      %swap3A_77 = vector.shape_cast %swap3A_76 : vector<1x16xf32> to vector<16xf32>
      %swap3A_78 = vector.shape_cast %broadcast_in_dim3A_3 : vector<16xf32> to vector<1x16xf32>
      tpu.vector_store %arg6[%swap3A_74, %swap3A_75], %swap3A_78 {strides = array<i32>} : memref<112x128xf32, #tpu.memory_space<vmem>>, vector<1x16xf32>,
      %swap3A_79 = arith.index_cast %scan3A_54 : i32 to index
      %swap3A_80 = arith.constant 80 : index
      %swap3A_81 = tpu.vector_load %arg6[%swap3A_79, %swap3A_80] {strides = array<i32>} : memref<112x128xf32, #tpu.memory_space<vmem>>, vector<1x16xf32>,
      %swap3A_82 = vector.shape_cast %swap3A_81 : vector<1x16xf32> to vector<16xf32>
      %swap3A_83 = vector.shape_cast %broadcast_in_dim3A_3 : vector<16xf32> to vector<1x16xf32>
      tpu.vector_store %arg6[%swap3A_79, %swap3A_80], %swap3A_83 {strides = array<i32>} : memref<112x128xf32, #tpu.memory_space<vmem>>, vector<1x16xf32>,
      %swap3A_84 = arith.index_cast %scan3A_54 : i32 to index
      %swap3A_85 = arith.constant 96 : index
      %swap3A_86 = tpu.vector_load %arg6[%swap3A_84, %swap3A_85] {strides = array<i32>} : memref<112x128xf32, #tpu.memory_space<vmem>>, vector<1x16xf32>,
      %swap3A_87 = vector.shape_cast %swap3A_86 : vector<1x16xf32> to vector<16xf32>
      %swap3A_88 = vector.shape_cast %broadcast_in_dim3A_3 : vector<16xf32> to vector<1x16xf32>
      tpu.vector_store %arg6[%swap3A_84, %swap3A_85], %swap3A_88 {strides = array<i32>} : memref<112x128xf32, #tpu.memory_space<vmem>>, vector<1x16xf32>,
      %swap3A_89 = arith.index_cast %scan3A_54 : i32 to index
      %swap3A_90 = arith.constant 112 : index
      %swap3A_91 = tpu.vector_load %arg6[%swap3A_89, %swap3A_90] {strides = array<i32>} : memref<112x128xf32, #tpu.memory_space<vmem>>, vector<1x16xf32>,
      %swap3A_92 = vector.shape_cast %swap3A_91 : vector<1x16xf32> to vector<16xf32>
      %swap3A_93 = vector.shape_cast %broadcast_in_dim3A_3 : vector<16xf32> to vector<1x16xf32>
      tpu.vector_store %arg6[%swap3A_89, %swap3A_90], %swap3A_93 {strides = array<i32>} : memref<112x128xf32, #tpu.memory_space<vmem>>, vector<1x16xf32>,
    }
    %scan3A_38 = arith.constant 112 : i32
    %mul3A_39 = arith.constant 90 : i32
    %mul3A_40 = arith.muli %add3A, %mul3A_39 : i32
    %mul3A_41 = arith.constant 112 : i32
    %mul3A_42 = arith.muli %mul3A_40, %mul3A_41 : i32
    "tpu.region"() ({
      %run_scoped3A = tpu.sem_alloc : memref<!tpu.dma_semaphore, #tpu.memory_space<semaphore_mem>>
      %dma_start3A = tpu.memref_slice %arg2[%mul3A_42] : memref<322560xi32, #tpu.memory_space<hbm>> -> memref<10080xi32, #tpu.memory_space<hbm>>
      %dma_start3A_54 = tpu.memref_slice %arg2[%mul3A_42] : memref<322560xi32, #tpu.memory_space<hbm>> -> memref<10080xi32, #tpu.memory_space<hbm>>
      tpu.enqueue_dma source(%dma_start3A_54 : memref<10080xi32, #tpu.memory_space<hbm>>) target(%arg4 : memref<10080xi32, #tpu.memory_space<vmem>>) target_semaphore(%run_scoped3A : memref<!tpu.dma_semaphore, #tpu.memory_space<semaphore_mem>>)
      %dma_wait3A = tpu.memref_slice %arg2[%mul3A_42] : memref<322560xi32, #tpu.memory_space<hbm>> -> memref<10080xi32, #tpu.memory_space<hbm>>
      %dma_wait3A_55 = tpu.memref_slice %arg2[%mul3A_42] : memref<322560xi32, #tpu.memory_space<hbm>> -> memref<10080xi32, #tpu.memory_space<hbm>>
      tpu.wait_dma2 semaphore(%run_scoped3A : memref<!tpu.dma_semaphore, #tpu.memory_space<semaphore_mem>>) src(%dma_wait3A_55 : memref<10080xi32, #tpu.memory_space<hbm>>) dst(%arg4 : memref<10080xi32, #tpu.memory_space<vmem>>)
      tpu.yield
    }) : () -> ()
    %barrier3A = arith.constant 0 : index
    tpu.barrier barrier_id(%barrier3A)
    %scan3A_43 = arith.constant 0 : i32
    %scan3A_44 = arith.constant 0 : i32
    %scan3A_45 = arith.constant 90 : i32
    %scan3A_46 = arith.addi %scan3A_44, %scan3A_45 : i32
    %scan3A_47 = arith.constant 1 : i32
    scf.for %scan3A_54 = %scan3A_44 to %scan3A_46 step %scan3A_47  : i32 {
      %mul3A_55 = arith.constant 112 : i32
      %mul3A_56 = arith.muli %scan3A_54, %mul3A_55 : i32
      %add3A_57 = arith.constant 0 : i32
      %add3A_58 = arith.addi %mul3A_56, %add3A_57 : i32
      %get3A = arith.index_cast %add3A_58 : i32 to index
      %get3A_59 = tpu.vector_load %arg4[%get3A] {strides = array<i32>} : memref<10080xi32, #tpu.memory_space<vmem>>, vector<16xi32>,
      %get3A_60 = vector.shape_cast %get3A_59 : vector<16xi32> to vector<16xi32>
      %swap3A = arith.constant 0 : index
      %swap3A_61 = tpu.vector_load %arg5[%swap3A] {strides = array<i32>} : memref<112xi32, #tpu.memory_space<vmem>>, vector<16xi32>,
      %swap3A_62 = vector.shape_cast %swap3A_61 : vector<16xi32> to vector<16xi32>
      %swap3A_63 = vector.shape_cast %get3A_60 : vector<16xi32> to vector<16xi32>
      tpu.vector_store %arg5[%swap3A], %swap3A_63 {strides = array<i32>} : memref<112xi32, #tpu.memory_space<vmem>>, vector<16xi32>,
      %mul3A_64 = arith.constant 112 : i32
      %mul3A_65 = arith.muli %scan3A_54, %mul3A_64 : i32
      %add3A_66 = arith.constant 16 : i32
      %add3A_67 = arith.addi %mul3A_65, %add3A_66 : i32
      %get3A_68 = arith.index_cast %add3A_67 : i32 to index
      %get3A_69 = tpu.vector_load %arg4[%get3A_68] {strides = array<i32>} : memref<10080xi32, #tpu.memory_space<vmem>>, vector<16xi32>,
      %get3A_70 = vector.shape_cast %get3A_69 : vector<16xi32> to vector<16xi32>
      %swap3A_71 = arith.constant 16 : index
      %swap3A_72 = tpu.vector_load %arg5[%swap3A_71] {strides = array<i32>} : memref<112xi32, #tpu.memory_space<vmem>>, vector<16xi32>,
      %swap3A_73 = vector.shape_cast %swap3A_72 : vector<16xi32> to vector<16xi32>
      %swap3A_74 = vector.shape_cast %get3A_70 : vector<16xi32> to vector<16xi32>
      tpu.vector_store %arg5[%swap3A_71], %swap3A_74 {strides = array<i32>} : memref<112xi32, #tpu.memory_space<vmem>>, vector<16xi32>,
      %mul3A_75 = arith.constant 112 : i32
      %mul3A_76 = arith.muli %scan3A_54, %mul3A_75 : i32
      %add3A_77 = arith.constant 32 : i32
      %add3A_78 = arith.addi %mul3A_76, %add3A_77 : i32
      %get3A_79 = arith.index_cast %add3A_78 : i32 to index
      %get3A_80 = tpu.vector_load %arg4[%get3A_79] {strides = array<i32>} : memref<10080xi32, #tpu.memory_space<vmem>>, vector<16xi32>,
      %get3A_81 = vector.shape_cast %get3A_80 : vector<16xi32> to vector<16xi32>
      %swap3A_82 = arith.constant 32 : index
      %swap3A_83 = tpu.vector_load %arg5[%swap3A_82] {strides = array<i32>} : memref<112xi32, #tpu.memory_space<vmem>>, vector<16xi32>,
      %swap3A_84 = vector.shape_cast %swap3A_83 : vector<16xi32> to vector<16xi32>
      %swap3A_85 = vector.shape_cast %get3A_81 : vector<16xi32> to vector<16xi32>
      tpu.vector_store %arg5[%swap3A_82], %swap3A_85 {strides = array<i32>} : memref<112xi32, #tpu.memory_space<vmem>>, vector<16xi32>,
      %mul3A_86 = arith.constant 112 : i32
      %mul3A_87 = arith.muli %scan3A_54, %mul3A_86 : i32
      %add3A_88 = arith.constant 48 : i32
      %add3A_89 = arith.addi %mul3A_87, %add3A_88 : i32
      %get3A_90 = arith.index_cast %add3A_89 : i32 to index
      %get3A_91 = tpu.vector_load %arg4[%get3A_90] {strides = array<i32>} : memref<10080xi32, #tpu.memory_space<vmem>>, vector<16xi32>,
      %get3A_92 = vector.shape_cast %get3A_91 : vector<16xi32> to vector<16xi32>
      %swap3A_93 = arith.constant 48 : index
      %swap3A_94 = tpu.vector_load %arg5[%swap3A_93] {strides = array<i32>} : memref<112xi32, #tpu.memory_space<vmem>>, vector<16xi32>,
      %swap3A_95 = vector.shape_cast %swap3A_94 : vector<16xi32> to vector<16xi32>
      %swap3A_96 = vector.shape_cast %get3A_92 : vector<16xi32> to vector<16xi32>
      tpu.vector_store %arg5[%swap3A_93], %swap3A_96 {strides = array<i32>} : memref<112xi32, #tpu.memory_space<vmem>>, vector<16xi32>,
      %mul3A_97 = arith.constant 112 : i32
      %mul3A_98 = arith.muli %scan3A_54, %mul3A_97 : i32
      %add3A_99 = arith.constant 64 : i32
      %add3A_100 = arith.addi %mul3A_98, %add3A_99 : i32
      %get3A_101 = arith.index_cast %add3A_100 : i32 to index
      %get3A_102 = tpu.vector_load %arg4[%get3A_101] {strides = array<i32>} : memref<10080xi32, #tpu.memory_space<vmem>>, vector<16xi32>,
      %get3A_103 = vector.shape_cast %get3A_102 : vector<16xi32> to vector<16xi32>
      %swap3A_104 = arith.constant 64 : index
      %swap3A_105 = tpu.vector_load %arg5[%swap3A_104] {strides = array<i32>} : memref<112xi32, #tpu.memory_space<vmem>>, vector<16xi32>,
      %swap3A_106 = vector.shape_cast %swap3A_105 : vector<16xi32> to vector<16xi32>
      %swap3A_107 = vector.shape_cast %get3A_103 : vector<16xi32> to vector<16xi32>
      tpu.vector_store %arg5[%swap3A_104], %swap3A_107 {strides = array<i32>} : memref<112xi32, #tpu.memory_space<vmem>>, vector<16xi32>,
      %mul3A_108 = arith.constant 112 : i32
      %mul3A_109 = arith.muli %scan3A_54, %mul3A_108 : i32
      %add3A_110 = arith.constant 80 : i32
      %add3A_111 = arith.addi %mul3A_109, %add3A_110 : i32
      %get3A_112 = arith.index_cast %add3A_111 : i32 to index
      %get3A_113 = tpu.vector_load %arg4[%get3A_112] {strides = array<i32>} : memref<10080xi32, #tpu.memory_space<vmem>>, vector<16xi32>,
      %get3A_114 = vector.shape_cast %get3A_113 : vector<16xi32> to vector<16xi32>
      %swap3A_115 = arith.constant 80 : index
      %swap3A_116 = tpu.vector_load %arg5[%swap3A_115] {strides = array<i32>} : memref<112xi32, #tpu.memory_space<vmem>>, vector<16xi32>,
      %swap3A_117 = vector.shape_cast %swap3A_116 : vector<16xi32> to vector<16xi32>
      %swap3A_118 = vector.shape_cast %get3A_114 : vector<16xi32> to vector<16xi32>
      tpu.vector_store %arg5[%swap3A_115], %swap3A_118 {strides = array<i32>} : memref<112xi32, #tpu.memory_space<vmem>>, vector<16xi32>,
      %mul3A_119 = arith.constant 112 : i32
      %mul3A_120 = arith.muli %scan3A_54, %mul3A_119 : i32
      %add3A_121 = arith.constant 96 : i32
      %add3A_122 = arith.addi %mul3A_120, %add3A_121 : i32
      %get3A_123 = arith.index_cast %add3A_122 : i32 to index
      %get3A_124 = tpu.vector_load %arg4[%get3A_123] {strides = array<i32>} : memref<10080xi32, #tpu.memory_space<vmem>>, vector<16xi32>,
      %get3A_125 = vector.shape_cast %get3A_124 : vector<16xi32> to vector<16xi32>
      %swap3A_126 = arith.constant 96 : index
      %swap3A_127 = tpu.vector_load %arg5[%swap3A_126] {strides = array<i32>} : memref<112xi32, #tpu.memory_space<vmem>>, vector<16xi32>,
      %swap3A_128 = vector.shape_cast %swap3A_127 : vector<16xi32> to vector<16xi32>
      %swap3A_129 = vector.shape_cast %get3A_125 : vector<16xi32> to vector<16xi32>
      tpu.vector_store %arg5[%swap3A_126], %swap3A_129 {strides = array<i32>} : memref<112xi32, #tpu.memory_space<vmem>>, vector<16xi32>,
      "tpu.region"() ({
        %run_scoped3A = tpu.sem_alloc : memref<!tpu.dma_semaphore, #tpu.memory_space<semaphore_mem>>
        %dma_start3A = arith.constant 0 : i32
        %dma_start3A_130 = arith.constant 0 : i32
        %dma_start3A_131 = tpu.memref_slice %arg7[%dma_start3A, %dma_start3A_130] : memref<10240x128xf32, #tpu.memory_space<vmem_shared>> -> memref<10240x128xf32, #tpu.memory_space<vmem_shared>>
        tpu.enqueue_indirect_dma source(%arg6 : memref<112x128xf32, #tpu.memory_space<vmem>>) target(%dma_start3A_131 : memref<10240x128xf32, #tpu.memory_space<vmem_shared>>) offsets(%arg5 : memref<112xi32, #tpu.memory_space<vmem>>) semaphore(%run_scoped3A : memref<!tpu.dma_semaphore, #tpu.memory_space<semaphore_mem>>) {add = true}
        %dma_wait3A = arith.constant 0 : i32
        %dma_wait3A_132 = arith.constant 0 : i32
        %dma_wait3A_133 = tpu.memref_slice %arg7[%dma_wait3A, %dma_wait3A_132] : memref<10240x128xf32, #tpu.memory_space<vmem_shared>> -> memref<10240x128xf32, #tpu.memory_space<vmem_shared>>
        tpu.wait_indirect_dma semaphore(%run_scoped3A : memref<!tpu.dma_semaphore, #tpu.memory_space<semaphore_mem>>) src(%arg6 : memref<112x128xf32, #tpu.memory_space<vmem>>) dst(%dma_wait3A_133 : memref<10240x128xf32, #tpu.memory_space<vmem_shared>>)
        tpu.yield
      }) : () -> ()
    }
    %scan3A_48 = arith.constant 90 : i32
    %barrier3A_49 = arith.constant 0 : index
    tpu.barrier barrier_id(%barrier3A_49)
    %mul3A_50 = arith.constant 640 : i32
    %mul3A_51 = arith.muli %arg1, %mul3A_50 : i32
    %mul3A_52 = arith.constant 640 : i32
    %mul3A_53 = arith.muli %arg1, %mul3A_52 : i32
    "tpu.region"() ({
      %run_scoped3A = tpu.sem_alloc : memref<!tpu.dma_semaphore, #tpu.memory_space<semaphore_mem>>
      %dma_start3A = arith.constant 0 : i32
      %dma_start3A_54 = tpu.memref_slice %arg3[%arg0, %mul3A_53, %dma_start3A] : memref<2x10240x128xf32, #tpu.memory_space<hbm>> -> memref<1x640x128xf32, #tpu.memory_space<hbm>>
      %dma_start3A_55 = tpu.memref_squeeze %dma_start3A_54 : memref<1x640x128xf32, #tpu.memory_space<hbm>> -> memref<640x128xf32, #tpu.memory_space<hbm>>
      %dma_start3A_56 = arith.constant 0 : i32
      %dma_start3A_57 = tpu.memref_slice %arg7[%mul3A_51, %dma_start3A_56] : memref<10240x128xf32, #tpu.memory_space<vmem_shared>> -> memref<640x128xf32, #tpu.memory_space<vmem_shared>>
      tpu.enqueue_dma source(%dma_start3A_57 : memref<640x128xf32, #tpu.memory_space<vmem_shared>>) target(%dma_start3A_55 : memref<640x128xf32, #tpu.memory_space<hbm>>) target_semaphore(%run_scoped3A : memref<!tpu.dma_semaphore, #tpu.memory_space<semaphore_mem>>)
      %dma_wait3A = arith.constant 0 : i32
      %dma_wait3A_58 = tpu.memref_slice %arg3[%arg0, %mul3A_53, %dma_wait3A] : memref<2x10240x128xf32, #tpu.memory_space<hbm>> -> memref<1x640x128xf32, #tpu.memory_space<hbm>>
      %dma_wait3A_59 = tpu.memref_squeeze %dma_wait3A_58 : memref<1x640x128xf32, #tpu.memory_space<hbm>> -> memref<640x128xf32, #tpu.memory_space<hbm>>
      %dma_wait3A_60 = arith.constant 0 : i32
      %dma_wait3A_61 = tpu.memref_slice %arg7[%mul3A_51, %dma_wait3A_60] : memref<10240x128xf32, #tpu.memory_space<vmem_shared>> -> memref<640x128xf32, #tpu.memory_space<vmem_shared>>
      tpu.wait_dma2 semaphore(%run_scoped3A : memref<!tpu.dma_semaphore, #tpu.memory_space<semaphore_mem>>) src(%dma_wait3A_61 : memref<640x128xf32, #tpu.memory_space<vmem_shared>>) dst(%dma_wait3A_59 : memref<640x128xf32, #tpu.memory_space<hbm>>)
      tpu.yield
    }) : () -> ()
    return
  }
}

module attributes {stable_mosaic.version = 14 : i64} {
  func.func @body(%arg0: i32, %arg1: memref<2x640x128xf32, #tpu.memory_space<vmem>>, %arg2: memref<2x640x128xf32, #tpu.memory_space<vmem>>, %arg3: memref<128x128xf32, #tpu.memory_space<vmem>>, %arg4: memref<1x128xf32, #tpu.memory_space<vmem>>, %arg5: memref<640x128xf32, #tpu.memory_space<vmem>>, %arg6: memref<640x16xf32, #tpu.memory_space<vmem>>) attributes {dimension_semantics = [#tpu.dimension_semantics<arbitrary>], iteration_bounds = array<i64: 16>, scalar_prefetch = 0 : i64, scratch_operands = 0 : i64, tpu.core_type = #tpu.core_type<tc>, window_params = [{transform_indices = @transform_0, window_bounds = array<i64: 2, 640, 128>}, {transform_indices = @transform_1, window_bounds = array<i64: 2, 640, 128>}, {pipeline_mode = #tpu.pipeline_mode<synchronous>, transform_indices = @transform_2, window_bounds = array<i64: 128, 128>}, {pipeline_mode = #tpu.pipeline_mode<synchronous>, transform_indices = @transform_3, window_bounds = array<i64: 1, 128>}, {transform_indices = @transform_4, window_bounds = array<i64: 640, 128>}, {transform_indices = @transform_5, window_bounds = array<i64: 640, 16>}]} {
    %get3A = arith.constant 0 : index
    %get3A_0 = arith.constant 0 : index
    %get3A_1 = arith.constant 0 : index
    %get3A_2 = vector.load %arg1[%get3A, %get3A_0, %get3A_1] : memref<2x640x128xf32, #tpu.memory_space<vmem>>, vector<1x640x128xf32>
    %get3A_3 = vector.shape_cast %get3A_2 : vector<1x640x128xf32> to vector<640x128xf32>
    %get3A_4 = arith.constant 1 : index
    %get3A_5 = arith.constant 0 : index
    %get3A_6 = arith.constant 0 : index
    %get3A_7 = vector.load %arg1[%get3A_4, %get3A_5, %get3A_6] : memref<2x640x128xf32, #tpu.memory_space<vmem>>, vector<1x640x128xf32>
    %get3A_8 = vector.shape_cast %get3A_7 : vector<1x640x128xf32> to vector<640x128xf32>
    %add3A = arith.addf %get3A_3, %get3A_8 : vector<640x128xf32>
    %get3A_9 = arith.constant 0 : index
    %get3A_10 = arith.constant 0 : index
    %get3A_11 = arith.constant 0 : index
    %get3A_12 = vector.load %arg2[%get3A_9, %get3A_10, %get3A_11] : memref<2x640x128xf32, #tpu.memory_space<vmem>>, vector<1x640x128xf32>
    %get3A_13 = vector.shape_cast %get3A_12 : vector<1x640x128xf32> to vector<640x128xf32>
    %slice3A = vector.extract_strided_slice %get3A_13 {offsets = [0, 0], sizes = [640, 1], strides = [1, 1]} : vector<640x128xf32> to vector<640x1xf32>
    %get3A_14 = arith.constant 1 : index
    %get3A_15 = arith.constant 0 : index
    %get3A_16 = arith.constant 0 : index
    %get3A_17 = vector.load %arg2[%get3A_14, %get3A_15, %get3A_16] : memref<2x640x128xf32, #tpu.memory_space<vmem>>, vector<1x640x128xf32>
    %get3A_18 = vector.shape_cast %get3A_17 : vector<1x640x128xf32> to vector<640x128xf32>
    %slice3A_19 = vector.extract_strided_slice %get3A_18 {offsets = [0, 0], sizes = [640, 1], strides = [1, 1]} : vector<640x128xf32> to vector<640x1xf32>
    %add3A_20 = arith.addf %slice3A, %slice3A_19 : vector<640x1xf32>
    %max3A = arith.constant 1.000000e+00 : f32
    %max3A_21 = vector.broadcast %max3A : f32 to vector<640x1xf32>
    %max3A_22 = arith.maximumf %add3A_20, %max3A_21 : vector<640x1xf32>
    %div3A = arith.constant 1.000000e+00 : f32
    %div3A_23 = vector.broadcast %div3A : f32 to vector<640x1xf32>
    %div3A_24 = arith.divf %div3A_23, %max3A_22 : vector<640x1xf32>
    %mul3A = vector.broadcast %div3A_24 : vector<640x1xf32> to vector<640x128xf32>
    %mul3A_25 = arith.mulf %add3A, %mul3A : vector<640x128xf32>
    %get3A_26 = arith.constant 0 : index
    %get3A_27 = arith.constant 0 : index
    %get3A_28 = vector.load %arg3[%get3A_26, %get3A_27] : memref<128x128xf32, #tpu.memory_space<vmem>>, vector<128x128xf32>
    %dot_general3A = arith.constant dense<0.000000e+00> : vector<640x128xf32>
    %dot_general3A_29 = tpu.matmul %mul3A_25, %get3A_28, %dot_general3A {dimension_numbers = #tpu.dot_dimension_numbers<[1], [0], [0], [1], [0, 0, 1, 1], [], []>, transpose_lhs_hint = false} : vector<640x128xf32>, vector<128x128xf32>, vector<640x128xf32> -> vector<640x128xf32>
    %get3A_30 = arith.constant 0 : index
    %get3A_31 = arith.constant 0 : index
    %get3A_32 = vector.load %arg4[%get3A_30, %get3A_31] : memref<1x128xf32, #tpu.memory_space<vmem>>, vector<1x128xf32>
    %add3A_33 = vector.broadcast %get3A_32 : vector<1x128xf32> to vector<640x128xf32>
    %add3A_34 = arith.addf %dot_general3A_29, %add3A_33 : vector<640x128xf32>
    %max3A_35 = arith.constant 0.000000e+00 : f32
    %max3A_36 = vector.broadcast %max3A_35 : f32 to vector<640x128xf32>
    %max3A_37 = arith.maximumf %add3A_34, %max3A_36 : vector<640x128xf32>
    %swap3A = arith.constant 0 : index
    %swap3A_38 = arith.constant 0 : index
    %swap3A_39 = vector.load %arg5[%swap3A, %swap3A_38] : memref<640x128xf32, #tpu.memory_space<vmem>>, vector<640x128xf32>
    tpu.vector_store %arg5[%swap3A, %swap3A_38], %max3A_37 {strides = array<i32>} : memref<640x128xf32, #tpu.memory_space<vmem>>, vector<640x128xf32>,
    %broadcast_in_dim3A = vector.shape_cast %div3A_24 : vector<640x1xf32> to vector<640x1xf32>
    %broadcast_in_dim3A_40 = vector.broadcast %broadcast_in_dim3A : vector<640x1xf32> to vector<640x16xf32>
    %swap3A_41 = arith.constant 0 : index
    %swap3A_42 = arith.constant 0 : index
    %swap3A_43 = vector.load %arg6[%swap3A_41, %swap3A_42] : memref<640x16xf32, #tpu.memory_space<vmem>>, vector<640x16xf32>
    tpu.vector_store %arg6[%swap3A_41, %swap3A_42], %broadcast_in_dim3A_40 {strides = array<i32>} : memref<640x16xf32, #tpu.memory_space<vmem>>, vector<640x16xf32>,
    return
  }
  func.func @transform_0(%arg0: i32) -> (i32, i32, i32) {
    %c0_i32 = arith.constant 0 : i32
    %c0_i32_0 = arith.constant 0 : i32
    %c0_i32_1 = arith.constant 0 : i32
    return %c0_i32, %arg0, %c0_i32_0 : i32, i32, i32
  }
  func.func @transform_1(%arg0: i32) -> (i32, i32, i32) {
    %c0_i32 = arith.constant 0 : i32
    %c0_i32_0 = arith.constant 0 : i32
    %c0_i32_1 = arith.constant 0 : i32
    return %c0_i32, %arg0, %c0_i32_0 : i32, i32, i32
  }
  func.func @transform_2(%arg0: i32) -> (i32, i32) {
    %c0_i32 = arith.constant 0 : i32
    %c0_i32_0 = arith.constant 0 : i32
    %c0_i32_1 = arith.constant 0 : i32
    return %c0_i32, %c0_i32_0 : i32, i32
  }
  func.func @transform_3(%arg0: i32) -> (i32, i32) {
    %c0_i32 = arith.constant 0 : i32
    %c0_i32_0 = arith.constant 0 : i32
    %c0_i32_1 = arith.constant 0 : i32
    return %c0_i32, %c0_i32_0 : i32, i32
  }
  func.func @transform_4(%arg0: i32) -> (i32, i32) {
    %c0_i32 = arith.constant 0 : i32
    %c0_i32_0 = arith.constant 0 : i32
    return %arg0, %c0_i32 : i32, i32
  }
  func.func @transform_5(%arg0: i32) -> (i32, i32) {
    %c0_i32 = arith.constant 0 : i32
    %c0_i32_0 = arith.constant 0 : i32
    return %arg0, %c0_i32 : i32, i32
  }
}

module attributes {stable_mosaic.version = 14 : i64} {
  func.func @body(%arg0: i32, %arg1: memref<2x640x128xf32, #tpu.memory_space<vmem>>, %arg2: memref<640x16xf32, #tpu.memory_space<vmem>>, %arg3: memref<128x128xf32, #tpu.memory_space<vmem>>, %arg4: memref<1x128xf32, #tpu.memory_space<vmem>>, %arg5: memref<640x128xf32, #tpu.memory_space<vmem>>) attributes {dimension_semantics = [#tpu.dimension_semantics<arbitrary>], iteration_bounds = array<i64: 16>, scalar_prefetch = 0 : i64, scratch_operands = 0 : i64, tpu.core_type = #tpu.core_type<tc>, window_params = [{transform_indices = @transform_0, window_bounds = array<i64: 2, 640, 128>}, {transform_indices = @transform_1, window_bounds = array<i64: 640, 16>}, {pipeline_mode = #tpu.pipeline_mode<synchronous>, transform_indices = @transform_2, window_bounds = array<i64: 128, 128>}, {pipeline_mode = #tpu.pipeline_mode<synchronous>, transform_indices = @transform_3, window_bounds = array<i64: 1, 128>}, {transform_indices = @transform_4, window_bounds = array<i64: 640, 128>}]} {
    %get3A = arith.constant 0 : index
    %get3A_0 = arith.constant 0 : index
    %get3A_1 = arith.constant 0 : index
    %get3A_2 = vector.load %arg1[%get3A, %get3A_0, %get3A_1] : memref<2x640x128xf32, #tpu.memory_space<vmem>>, vector<1x640x128xf32>
    %get3A_3 = vector.shape_cast %get3A_2 : vector<1x640x128xf32> to vector<640x128xf32>
    %get3A_4 = arith.constant 1 : index
    %get3A_5 = arith.constant 0 : index
    %get3A_6 = arith.constant 0 : index
    %get3A_7 = vector.load %arg1[%get3A_4, %get3A_5, %get3A_6] : memref<2x640x128xf32, #tpu.memory_space<vmem>>, vector<1x640x128xf32>
    %get3A_8 = vector.shape_cast %get3A_7 : vector<1x640x128xf32> to vector<640x128xf32>
    %add3A = arith.addf %get3A_3, %get3A_8 : vector<640x128xf32>
    %get3A_9 = arith.constant 0 : index
    %get3A_10 = arith.constant 0 : index
    %get3A_11 = vector.load %arg2[%get3A_9, %get3A_10] : memref<640x16xf32, #tpu.memory_space<vmem>>, vector<640x1xf32>
    %mul3A = vector.broadcast %get3A_11 : vector<640x1xf32> to vector<640x128xf32>
    %mul3A_12 = arith.mulf %add3A, %mul3A : vector<640x128xf32>
    %get3A_13 = arith.constant 0 : index
    %get3A_14 = arith.constant 0 : index
    %get3A_15 = vector.load %arg3[%get3A_13, %get3A_14] : memref<128x128xf32, #tpu.memory_space<vmem>>, vector<128x128xf32>
    %dot_general3A = arith.constant dense<0.000000e+00> : vector<640x128xf32>
    %dot_general3A_16 = tpu.matmul %mul3A_12, %get3A_15, %dot_general3A {dimension_numbers = #tpu.dot_dimension_numbers<[1], [0], [0], [1], [0, 0, 1, 1], [], []>, transpose_lhs_hint = false} : vector<640x128xf32>, vector<128x128xf32>, vector<640x128xf32> -> vector<640x128xf32>
    %get3A_17 = arith.constant 0 : index
    %get3A_18 = arith.constant 0 : index
    %get3A_19 = vector.load %arg4[%get3A_17, %get3A_18] : memref<1x128xf32, #tpu.memory_space<vmem>>, vector<1x128xf32>
    %add3A_20 = vector.broadcast %get3A_19 : vector<1x128xf32> to vector<640x128xf32>
    %add3A_21 = arith.addf %dot_general3A_16, %add3A_20 : vector<640x128xf32>
    %max3A = arith.constant 0.000000e+00 : f32
    %max3A_22 = vector.broadcast %max3A : f32 to vector<640x128xf32>
    %max3A_23 = arith.maximumf %add3A_21, %max3A_22 : vector<640x128xf32>
    %swap3A = arith.constant 0 : index
    %swap3A_24 = arith.constant 0 : index
    %swap3A_25 = vector.load %arg5[%swap3A, %swap3A_24] : memref<640x128xf32, #tpu.memory_space<vmem>>, vector<640x128xf32>
    tpu.vector_store %arg5[%swap3A, %swap3A_24], %max3A_23 {strides = array<i32>} : memref<640x128xf32, #tpu.memory_space<vmem>>, vector<640x128xf32>,
    return
  }
  func.func @transform_0(%arg0: i32) -> (i32, i32, i32) {
    %c0_i32 = arith.constant 0 : i32
    %c0_i32_0 = arith.constant 0 : i32
    %c0_i32_1 = arith.constant 0 : i32
    return %c0_i32, %arg0, %c0_i32_0 : i32, i32, i32
  }
  func.func @transform_1(%arg0: i32) -> (i32, i32) {
    %c0_i32 = arith.constant 0 : i32
    %c0_i32_0 = arith.constant 0 : i32
    return %arg0, %c0_i32 : i32, i32
  }
  func.func @transform_2(%arg0: i32) -> (i32, i32) {
    %c0_i32 = arith.constant 0 : i32
    %c0_i32_0 = arith.constant 0 : i32
    %c0_i32_1 = arith.constant 0 : i32
    return %c0_i32, %c0_i32_0 : i32, i32
  }
  func.func @transform_3(%arg0: i32) -> (i32, i32) {
    %c0_i32 = arith.constant 0 : i32
    %c0_i32_0 = arith.constant 0 : i32
    %c0_i32_1 = arith.constant 0 : i32
    return %c0_i32, %c0_i32_0 : i32, i32
  }
  func.func @transform_4(%arg0: i32) -> (i32, i32) {
    %c0_i32 = arith.constant 0 : i32
    %c0_i32_0 = arith.constant 0 : i32
    return %arg0, %c0_i32 : i32, i32
  }
}

module attributes {stable_mosaic.version = 14 : i64} {
  func.func @body(%arg0: memref<4096x128xf32, #tpu.memory_space<vmem>>, %arg1: memref<4096x128xf32, #tpu.memory_space<vmem>>, %arg2: memref<4096x1xf32, #tpu.memory_space<vmem>>) attributes {dimension_semantics = [], scalar_prefetch = 0 : i64, scratch_operands = 0 : i64, tpu.core_type = #tpu.core_type<tc>} {
    %get3A = arith.constant 0 : index
    %get3A_0 = arith.constant 0 : index
    %get3A_1 = vector.load %arg0[%get3A, %get3A_0] : memref<4096x128xf32, #tpu.memory_space<vmem>>, vector<4096x128xf32>
    %get3A_2 = arith.constant 0 : index
    %get3A_3 = arith.constant 0 : index
    %get3A_4 = vector.load %arg1[%get3A_2, %get3A_3] : memref<4096x128xf32, #tpu.memory_space<vmem>>, vector<4096x128xf32>
    %mul3A = arith.mulf %get3A_1, %get3A_4 : vector<4096x128xf32>
    %reduce_sum3A = arith.constant dense<0.000000e+00> : vector<4096xf32>
    %reduce_sum3A_5 = vector.multi_reduction <add>, %mul3A, %reduce_sum3A [1] : vector<4096x128xf32> to vector<4096xf32>
    %broadcast_in_dim3A = vector.shape_cast %reduce_sum3A_5 : vector<4096xf32> to vector<4096x1xf32>
    %swap3A = arith.constant 0 : index
    %swap3A_6 = arith.constant 0 : index
    %swap3A_7 = vector.load %arg2[%swap3A, %swap3A_6] : memref<4096x1xf32, #tpu.memory_space<vmem>>, vector<4096x1xf32>
    tpu.vector_store %arg2[%swap3A, %swap3A_6], %broadcast_in_dim3A {strides = array<i32>} : memref<4096x1xf32, #tpu.memory_space<vmem>>, vector<4096x1xf32>,
    return
  }
}

</mosaic_0001>

<sc_bundles>
// kernel: kernel.12.cloned.1.call-start
scs
__scs_entry_jumppad:
0x0: {  	(pc) =	sbr.rel $0x88, $3  }
0x1: {  	(tag) =	ssettag $0x0;
	lr =	simm.s32 $0x1  }
0x2: {  	[smem:$0x3F9A] =	sst lr;
	_ =	strace $0xD0000000  }
0x3: {  	_ = 	snop  }
0x4: {  	_ = 	snop  }
0x5: {  	_ = 	snop  }
0x6: {  	_ = 	snop  }
0x7: {  	_ = 	snop  }
__scs_overlays_trampoline_lowered:
0x8: {  	[smem:$0x3FA9] =	sst s0  }
0x9: {  	[smem:$0x3FAA] =	sst s1  }
0xa: {  	[smem:$0x3FAB] =	sst s2  }
0xb: {  	[smem:$0x3FAC] =	sst s3  }
0xc: {  	[smem:$0x3FAD] =	sst s4  }
0xd: {  	[smem:$0x3FAE] =	sst s5  }
0xe: {  	[smem:$0x3FAF] =	sst s6  }
0xf: {  	[smem:$0x3FB0] =	sst s7  }
0x10: {  	[smem:$0x3FB1] =	sst s8  }
0x11: {  	[smem:$0x3FB2] =	sst s9;
	s0 =	simm.s32 @!p0 $0x0  }
0x12: {  	s1 =	sld [smem:$0x3F98];
	s0 =	simm.s32 @p0 $0x1  }
0x13: {  	[smem:$0x3FB3] =	sst s0;
	s0 =	simm.s32 @!p1 $0x0  }
0x14: {  	s2 =	sld [smem:$0x3F97];
	s0 =	simm.s32 @p1 $0x1  }
0x15: {  	[smem:$0x3FB4] =	sst s0;
	s0 =	simm.s32 @!p2 $0x0  }
0x16: {  	s3 =	sld [smem:$0x3FDB];
	s0 =	simm.s32 @p2 $0x1  }
0x17: {  	s4 =	simm.s32 $0x1BF5;
	[smem:$0x3FB6] =	sst s0  }
0x18: {  	s0 =	sld [smem:$0x3F99];
	_ =	swait.ge [sflag:s4], $0x0  }
0x19: {  	s7 =	sld [smem:$0x3F9A]  }
0x1a: {  	s8 =	sadd.s32 $0xFFFFE003, lr  }
0x1b: {  	s9 =	sadd.s32 $0xFFFFFEF7, lr;
	s5 =	simm.s32 $0xFFFFFFFF;
	p2 =	slt.u32 s8, $0xFFFFF086  }
0x1c: {  	p1 =	slt.u32 s9, $0xF7A;
	s5 =	simm.s32 @!p2 $0x0  }
0x1d: {  	s5 =	simm.s32 @p1 $0x1;
	p0 =	seq.s32 s7, s2  }
0x1e: {  	s7 =	smul.u32 @!p0 $0xF7A, s2;
	p2 =	seq.s32 @!p0 s5, $0x0  }
0x1f: {  	s9 =	smul.u32 $0xF7A, s1;
	s8 =	simm.s32 @!p0 $0x1BF5;
	p2 =	por !p2, p0  }
0x20: {  	[sflag:s8] =	ssyncset.s32 @!p0 $0xFFFFF086;
	s6 =	sadd.s32 @!p0 s3, s7;
	s7 =	simm.s32 @!p0 $0x108  }
0x21: {  	s3 =	sadd.s32 s3, s9;
	s6 =	sadd.s32 @!p0 $0x88, s6;
	s7 =	simm.s32 @p2 $0x1082  }
0x22: {  	[simem:s7], [sflag:s8] =	dma.local @!p0 [hbm:s6], $0xF7A  }
0x23: {  	s9 =	sor.u32 $0xD0000000, s2;
	s6 =	simm.s32 $0x108;
	_ =	swait.ge @!p0 [sflag:s8], $0x0  }
0x24: {  	s3 =	sadd.s32 $0x88, s3;
	s6 =	simm.s32 @!p1 $0x1082;
	[sflag:s4] =	ssyncset.s32 $0xFFFFF086  }
0x25: {  	[simem:s6], [sflag:s4] =	dma.local [hbm:s3], $0xF7A  }
0x26: {  	[smem:$0x3F9A] =	sst s1;
	(tag) =	ssettag s2;
	_ =	strace s9  }
0x27: {  	s1 =	sld [smem:$0x3FAA]  }
0x28: {  	s2 =	sld [smem:$0x3FAB]  }
0x29: {  	s4 =	sld [smem:$0x3FAD]  }
0x2a: {  	p0 =	seq.s32 s5, $0x0;
	s5 =	sld [smem:$0x3FAE]  }
0x2b: {  	s6 =	sld [smem:$0x3FAF]  }
0x2c: {  	s7 =	sld [smem:$0x3FB0]  }
0x2d: {  	s3 =	simm.s32 $0x108;
	s8 =	sld [smem:$0x3FB1]  }
0x2e: {  	s3 =	simm.s32 @!p0 $0x1082;
	s9 =	sld [smem:$0x3FB2]  }
0x2f: {  	lr =	sadd.s32 s0, s3;
	s0 =	sld [smem:$0x3FA9]  }
0x30: {  	s3 =	sld [smem:$0x3FAC]  }
0x31: {  	[smem:$0x3FB5] =	sst s10  }
0x32: {  	s10 =	sld [smem:$0x3FB3];
	_ =	sdelay $0x3  }
0x33: {  	p0 =	seq.s32 s10, $0x1;
	s10 =	sld [smem:$0x3FB5];
	_ =	sdelay $0x3  }
0x34: {  	[smem:$0x3FB5] =	sst s10  }
0x35: {  	s10 =	sld [smem:$0x3FB4];
	_ =	sdelay $0x3  }
0x36: {  	p1 =	seq.s32 s10, $0x1;
	s10 =	sld [smem:$0x3FB5];
	_ =	sdelay $0x3  }
0x37: {  	[smem:$0x3FB5] =	sst s10  }
0x38: {  	s10 =	sld [smem:$0x3FB6]  }
0x39: {  	_ = 	snop;
	(pc) =	sbr.ind lr, $3  }
0x3a: {  	_ = 	snop  }
0x3b: {  	_ = 	snop  }
0x3c: {  	p2 =	seq.s32 s10, $0x1;
	s10 =	sld [smem:$0x3FB5]  }
0x3d: {  	_ =	shalt  }
0x3e: {  	_ =	shalt  }
0x3f: {  	_ =	shalt  }
0x40: {  	_ =	shalt  }
0x41: {  	_ =	shalt  }
0x42: {  	_ =	shalt  }
0x43: {  	_ =	shalt  }
0x44: {  	_ =	shalt  }
0x45: {  	_ =	shalt  }
0x46: {  	_ =	shalt  }
0x47: {  	_ =	shalt  }
0x48: {  	_ =	shalt  }
0x49: {  	_ =	shalt  }
0x4a: {  	_ =	shalt  }
0x4b: {  	_ =	shalt  }
0x4c: {  	_ =	shalt  }
0x4d: {  	_ =	shalt  }
0x4e: {  	_ =	shalt  }
0x4f: {  	_ =	shalt  }
0x50: {  	_ =	shalt  }
0x51: {  	_ =	shalt  }
0x52: {  	_ =	shalt  }
0x53: {  	_ =	shalt  }
0x54: {  	_ =	shalt  }
0x55: {  	_ =	shalt  }
0x56: {  	_ =	shalt  }
0x57: {  	_ =	shalt  }
0x58: {  	_ =	shalt  }
0x59: {  	_ =	shalt  }
0x5a: {  	_ =	shalt  }
0x5b: {  	_ =	shalt  }
0x5c: {  	_ =	shalt  }
0x5d: {  	_ =	shalt  }
0x5e: {  	_ =	shalt  }
0x5f: {  	_ =	shalt  }
0x60: {  	_ =	shalt  }
0x61: {  	_ =	shalt  }
0x62: {  	_ =	shalt  }
0x63: {  	_ =	shalt  }
0x64: {  	_ =	shalt  }
0x65: {  	_ =	shalt  }
0x66: {  	_ =	shalt  }
0x67: {  	_ =	shalt  }
0x68: {  	_ =	shalt  }
0x69: {  	_ =	shalt  }
0x6a: {  	_ =	shalt  }
0x6b: {  	_ =	shalt  }
0x6c: {  	_ =	shalt  }
0x6d: {  	_ =	shalt  }
0x6e: {  	_ =	shalt  }
0x6f: {  	_ =	shalt  }
0x70: {  	_ =	shalt  }
0x71: {  	_ =	shalt  }
0x72: {  	_ =	shalt  }
0x73: {  	_ =	shalt  }
0x74: {  	_ =	shalt  }
0x75: {  	_ =	shalt  }
0x76: {  	_ =	shalt  }
0x77: {  	_ =	shalt  }
0x78: {  	_ =	shalt  }
0x79: {  	_ =	shalt  }
0x7a: {  	_ =	shalt  }
0x7b: {  	_ =	shalt  }
0x7c: {  	_ =	shalt  }
0x7d: {  	_ =	shalt  }
0x7e: {  	_ =	shalt  }
0x7f: {  	_ =	shalt  }
0x80: {  	_ =	shalt  }
0x81: {  	_ =	shalt  }
0x82: {  	_ =	shalt  }
0x83: {  	_ =	shalt  }
0x84: {  	_ =	shalt  }
0x85: {  	_ =	shalt  }
0x86: {  	_ =	shalt  }
0x87: {  	_ =	shalt  }
.Lfunc_end0:
.L_simem_size_0:
called_computation.1_lowered:
.L_overlay_start_0:
0x88: {  	s2 =	sld [smem:$0x3FD9]  }
0x89: {  	s3 =	sld [smem:$0x3FFE];
	_ =	sdelay $0x1  }
0x8a: {  	s1 =	srdreg.scid  }
0x8b: {  	s0 =	sand.u32 $0x1, s1  }
0x8c: {  	s16 =	sshll.u32 s0, $0xA;
	s2 =	sadd.s32 s3, s2  }
0x8d: {  	s2 =	sadd.s32 s2, s16  }
0x8e: {  	[smem:$0x3FC1] =	sst s2  }
0x8f: {  	_ = 	snop  }
0x90: {  	(tm) =	ssettm $0x1  }
0x91: {  	s17 =	sld [smem:$0x3FFB];
	_ =	sdelay $0x3  }
0x92: {  	_ =	strace s17  }
0x93: {  	s2 =	sld [smem:$0x3FFC];
	_ =	sdelay $0x3  }
0x94: {  	_ =	strace s2  }
0x95: {  	s2 =	sld [smem:$0x3FFD];
	_ =	sdelay $0x3  }
0x96: {  	_ =	strace s2  }
0x97: {  	_ =	strace $0x8FFFFFFF  }
0x98: {  	s18 =	sld [smem:$0x3FDB];
	_ =	sdelay $0x1  }
0x99: {  	s19 =	simm.s32 $_scs_section_size  }
0x9a: {  	s4 =	simm.s32 $_size__tile_overlayer_lowered;
	s5 =	simm.s32 $_tile_overlayer_lowered  }
0x9b: {  	s22 =	simm.s32 $0x1BFF;
	s21 =	sshll.u32 s5, $0x1;
	s2 =	sadd.s32 s19, s18  }
0x9c: {  	s6 =	simm.s32 $0x0;
	s20 =	sshll.u32 s4, $0x1;
	s4 =	sadd.s32 s21, s2  }
0x9d: {  	[timem:s6], [sflag:s22] =	dma.local [hbm:s4], s20  }
0x9e: {  	_ =	swait.ge [sflag:s22], s20  }
0x9f: {  	s3 =	ssub.s32 $0x0, s20;
	[sflag:s22] =	ssyncset.done $0x0  }
0xa0: {  	[sflag:s22] =	ssyncadd.s32 s3;
	_ =	sdelay $0x1  }
0xa1: {  	s23 =	simm.s32 $0x1B8B  }
0xa2: {  	_ =	swait.ge [sflag:s23], $0x1  }
0xa3: {  	[sflag:s23] =	ssyncset.done $0x0  }
0xa4: {  	s25 =	simm.s32 $0x1B8E;
	s24 =	sld [smem:$0x3FFE];
	[sflag:s23] =	ssyncadd.s32 $0xFFFFFFFF  }
0xa5: {  	s26 =	simm.s32 $execute0_lowered;
	[smem:$0x3FD2] =	sst s25  }
0xa6: {  	s4 =	sshll.u32 s26, $0x1;
	_ =	strace $0x80000046;
	[dreg:$0x1] =	wrdreg $0xFFFFFFFF  }
0xa7: {  	s28 =	simm.s32 $_size_execute0_lowered;
	s2 =	sadd.s32 s2, s4;
	[dreg:$0x0] =	wrdreg $0x0  }
0xa8: {  	s4 =	sshll.u32 s28, $0x1;
	[dreg:$0x2] =	wrdreg s2  }
0xa9: {  	[dreg:$0x3] =	wrdreg s4  }
0xaa: {  	[dreg:$0x4] =	wrdreg $0xC0  }
0xab: {  	_ =	task [dreg:s6], $0x5FFFF  }
0xac: {  	[dreg:$0x1] =	wrdreg $0xFFFFFFFF  }
0xad: {  	[dreg:$0x0] =	wrdreg $0x60  }
0xae: {  	[dreg:$0x2] =	wrdreg s24  }
0xaf: {  	[dreg:$0x3] =	wrdreg $0xAB000  }
0xb0: {  	[dreg:$0x4] =	wrdreg $0xA  }
0xb1: {  	_ =	task.clear_ibuf [dreg:s6], $0x5FFFF;
	_ =	strace $0x90000046  }
0xb2: {  	s29 =	simm.s32 $0xA;
	_ =	strace $0x80000048  }
0xb3: {  	_ =	swait.ge [sflag:s29], $0x1  }
0xb4: {  	[sflag:s29] =	ssyncadd.s32 $0xFFFFFFFF  }
0xb5: {  	_ =	strace $0x90000048  }
0xb6: {  	_ =	sfence  }
0xb7: {  	s30 =	sld [smem:$0x0];
	_ =	sdelay $0x2  }
0xb8: {  	s31 =	sshll.u32 s1, $0xD;
	s1 =	sshrl.u32 s1, $0x2  }
0xb9: {  	s3 =	sand.u32 $0x4000, s31;
	s1 =	sadd.s32 s1, s30  }
0xba: {  	s0 =	sor.u32 s3, s0;
	s1 =	sshll.u32 s1, $0x11  }
0xbb: {  	s0 =	sor.u32 s1, s0  }
0xbc: {  	s0 =	sadd.s32 $0x8F2B, s0  }
0xbd: {  	[sflag:s0] =	ssyncadd.remote.s32 $0x1  }
0xbe: {  	_ =	sfence.sel $0xFFFF  }
0xbf: {  	[dreg:$0x0] =	wrdreg $0xFFFFFFFF;
	(pc) =	sbr.abs _section_cstart, $3  }
0xc0: {  	[dreg:$0x1] =	wrdreg $0xFFFFFFFF  }
0xc1: {  	_ =	task.clear_ibuf [dreg:s6], $0x2FFFF;
	_ =	strace $0x9FFFFFFF  }
0xc2: {  	(tm) =	ssettm $0x7FFFFFFF  }
0xc3: {  	_ =	shalt  }
tec
execute0_lowered:
.L_overlay_start_1:
0x0: {  	(tag) =	ssettag $0x1  }
0x1: {  	s0 =	rddreg [dreg:$0x0]  }
0x2: {  	s1 =	rddreg [dreg:$0x1]  }
0x3: {  	s2 =	srdreg.scid;
	s3 =	simm.s32 $0x0;
	s11 =	stileid.u32  }
0x4: {  	s29 =	simm.s32 $0x200;
	s30 =	simm.s32 $0x280;
	s31 =	simm.s32 $0x7300  }
0x5: {  	s2 =	sand.u32 $0x1, s2;
	[smem:$0x7FF] =	sst s3;
	s6 =	smul.u32 $0x14000, s11  }
0x6: {  	s4 =	sadd.s32 $0x2400, s0;
	s19 =	sadd.s32 $0x2A400, s0;
	s7 =	smul.u32 $0x50000, s11  }
0x7: {  	s13 =	sadd.s32 $0x34200, s0;
	s8 =	sshll.u32 s11, $0x1;
	s5 =	smul.u32 $0x140000, s2  }
0x8: {  	_ =	strace $0x80000047;
	s8 =	sor.u32 s2, s8;
	s26 =	smul.u32 $0x4EC, s2  }
0x9: {  	s16 =	ssub.s32 $0x2, s2;
	s2 =	simm.s32 $0x3;
	s10 =	smul.u32 $0x2760, s8  }
0xa: {  	s9 =	sshrl.u32 s16, $0x1;
	s12 =	smul.u32 $0x4EC, s8;
	s5 =	sadd.s32 s6, s5  }
0xb: {  	s7 =	sshrl.u32 s7, $0x2;
	s18 =	ssub.s32 s16, s9;
	s5 =	sshrl.u32 s5, $0x3  }
0xc: {  	s14 =	sshrl.u32 s10, $0x3;
	s23 =	sadd.s32 s19, s12;
	s24 =	sadd.s32 s13, s12  }
0xd: {  	s18 =	smax.u32 s18, $0x1;
	s0 =	sadd.s32 s5, s0;
	[dreg:$0x8] =	wrdreg s23  }
0xe: {  	s5 =	sadd.s32 s7, s1;
	s15 =	sadd.s32 $0xE, s14;
	[dreg:$0x9] =	wrdreg s24  }
0xf: {  	s16 =	sadd.s32 $0x1C, s14;
	s23 =	simm.s32 $0x80;
	s7 =	sadd.s32 $0x3800, s5  }
0x10: {  	s24 =	simm.s32 $0x70;
	s17 =	sadd.s32 $0x7000, s5;
	[dreg:$0x3] =	wrdreg s7  }
0x11: {  	s20 =	sadd.s32 $0xA800, s5;
	s21 =	sadd.s32 $0xE000, s5;
	[dreg:$0x4] =	wrdreg s17  }
0x12: {  	s22 =	sadd.s32 $0x11800, s5;
	s25 =	sadd.s32 s19, s15;
	[dreg:$0x5] =	wrdreg s20  }
0x13: {  	s14 =	sadd.s32 s13, s15;
	s15 =	sadd.s32 s19, s16;
	[dreg:$0x6] =	wrdreg s21  }
.Ltmp0:
0x14: {  	s16 =	sadd.s32 s13, s16;
	[dreg:$0x7] =	wrdreg s22;
	(pc) =	sbr.rel .LBB2_1-.Ltmp0, $4  }
0x15: {  	[dreg:$0xa] =	wrdreg s25;
	s20 =	smul.u32 $0x9D8, s11;
	s17 =	sadd.s32 $0x3E000, s0  }
0x16: {  	s21 =	simm.s32 $0x300;
	s22 =	simm.s32 $0x4;
	s25 =	simm.s32 $0x100  }
0x17: {  	s0 =	simm.s32 $0x1;
	s28 =	sadd.s32 s20, s19;
	s6 =	sadd.s32 s20, s13  }
0x18: {  	v0 =	vimm.f32 $0.0e+00;
	s19 =	sadd.s32 s26, s28;
	s20 =	sadd.s32 s26, s6;
	s26 =	simm.s32 $0x0  }
.LBB2_6:
0x19: {  	s6 =	stileid.u32;
	s26 =	sadd.s32 $0x1, s26  }
0x1a: {  	[bflag:$0x0] =	sbarrier.arrive $0xFFFF;
	s6 =	sshll.u32 s6, $0x6;
	p0 =	sne.s32 s26, s18  }
.Ltmp1:
0x1b: {  	s7 =	sshrl.u32 s5, $0x3;
	s6 =	sor.u32 $0x1C04, s6;
	(pc) =	sbr.rel @!p0 .LBB2_7-.Ltmp1, $4  }
0x1c: {  	[hbm:s17], [sflag:s6] =	dma.local [spmem:s7], $0x2800  }
0x1d: {  	_ =	swait.ge [sflag:s22], $0x2800  }
0x1e: {  	[sflag:s22] =	ssyncset.done $0x0  }
0x1f: {  	[sflag:s22] =	ssyncadd.s32 $0xFFFFD800  }
.LBB2_1:
0x20: {  	s28 =	simm.s32 $0x0;
	s6 =	simm.s32 $0x200  }
.LBB2_2:
0x21: {  	p0 =	sne.s32 s6, $0xDE00;
	[tilespmem:s28+$0x370] =	vst v0  }
0x22: {  	[tilespmem:s28+$0x300] =	vst v0  }
0x23: {  	[tilespmem:s28+$0x310] =	vst v0  }
.Ltmp2:
0x24: {  	[tilespmem:s28+$0x320] =	vst v0;
	(pc) =	sbr.rel @p0 .LBB2_2-.Ltmp2, $4  }
0x25: {  	[tilespmem:s28+$0x330] =	vst v0  }
0x26: {  	[tilespmem:s28+$0x340] =	vst v0  }
0x27: {  	[tilespmem:s28+$0x350] =	vst v0  }
0x28: {  	[tilespmem:s28+$0x360] =	vst v0;
	s28 =	sshra.s32 s6, $0x2;
	s6 =	sadd.s32 $0x200, s6  }
0x29: {  	[tilespmem:s28+$0x370] =	vst v0  }
0x2a: {  	[tilespmem:s28+$0x300] =	vst v0  }
0x2b: {  	[tilespmem:s28+$0x310] =	vst v0  }
0x2c: {  	[tilespmem:s28+$0x320] =	vst v0  }
0x2d: {  	[tilespmem:s28+$0x330] =	vst v0  }
0x2e: {  	[tilespmem:s28+$0x340] =	vst v0  }
0x2f: {  	[tilespmem:s28+$0x350] =	vst v0  }
0x30: {  	[tilespmem:s28+$0x360] =	vst v0  }
0x31: {  	[spmem:s5] =	stream.linear.scatter [tilespmem:s21], [sflag:$0x4], $0x3800, $0x38;
	[tilespmem:$0x1EB00] =	vst v63  }
0x32: {  	_ =	swait.ge [sflag:s22], $0x3800  }
0x33: {  	[sflag:s22] =	ssyncset.done $0x0  }
0x34: {  	s6 =	rddreg [dreg:$0x3];
	[sflag:s22] =	ssyncadd.s32 $0xFFFFC800  }
0x35: {  	[spmem:s6] =	stream.linear.scatter [tilespmem:s21], [sflag:$0x4], $0x3800, $0x38;
	[tilespmem:$0x1EB00] =	vst v63  }
0x36: {  	_ =	swait.ge [sflag:s22], $0x3800  }
0x37: {  	[sflag:s22] =	ssyncset.done $0x0  }
0x38: {  	s12 =	rddreg [dreg:$0x4];
	[sflag:s22] =	ssyncadd.s32 $0xFFFFC800  }
0x39: {  	[spmem:s12] =	stream.linear.scatter [tilespmem:s21], [sflag:$0x4], $0x3800, $0x38;
	[tilespmem:$0x1EB00] =	vst v63  }
0x3a: {  	_ =	swait.ge [sflag:s22], $0x3800  }
0x3b: {  	[sflag:s22] =	ssyncset.done $0x0  }
0x3c: {  	s13 =	rddreg [dreg:$0x5];
	[sflag:s22] =	ssyncadd.s32 $0xFFFFC800  }
0x3d: {  	[spmem:s13] =	stream.linear.scatter [tilespmem:s21], [sflag:$0x4], $0x3800, $0x38;
	[tilespmem:$0x1EB00] =	vst v63  }
0x3e: {  	_ =	swait.ge [sflag:s22], $0x3800  }
0x3f: {  	[sflag:s22] =	ssyncset.done $0x0  }
0x40: {  	s7 =	rddreg [dreg:$0x6];
	[sflag:s22] =	ssyncadd.s32 $0xFFFFC800  }
0x41: {  	[spmem:s7] =	stream.linear.scatter [tilespmem:s21], [sflag:$0x4], $0x3800, $0x38;
	[tilespmem:$0x1EB00] =	vst v63  }
0x42: {  	_ =	swait.ge [sflag:s22], $0x3800  }
0x43: {  	[sflag:s22] =	ssyncset.done $0x0  }
0x44: {  	s8 =	rddreg [dreg:$0x7];
	[sflag:s22] =	ssyncadd.s32 $0xFFFFC800  }
0x45: {  	[spmem:s8] =	stream.linear.scatter [tilespmem:s21], [sflag:$0x4], $0x2800, $0x38;
	[tilespmem:$0x1EB00] =	vst v63  }
0x46: {  	_ =	swait.ge [sflag:s22], $0x2800  }
0x47: {  	[sflag:s22] =	ssyncset.done $0x0  }
0x48: {  	[sflag:s22] =	ssyncadd.s32 $0xFFFFD800  }
0x49: {  	[bflag:$0x0] =	sbarrier.arrive $0xFFFF  }
0x4a: {  	s28 =	simm.s32 $0x0;
	s9 =	rddreg [dreg:$0x8]  }
0x4b: {  	[tilespmem:s28], [sflag:$0x4] =	stream.linear.gather [hbm4b:s9+s28], $0x70, $0x38;
	[tilespmem:$0x1EB00] =	vst v63  }
0x4c: {  	_ =	swait.ge [sflag:s22], $0x70  }
0x4d: {  	[sflag:s22] =	ssyncset.done $0x0  }
0x4e: {  	s10 =	rddreg [dreg:$0x9];
	[sflag:s22] =	ssyncadd.s32 $0xFFFFFF90  }
0x4f: {  	[tilespmem:s23], [sflag:$0x4] =	stream.linear.gather [hbm4b:s10+s28], $0x70, $0x38;
	[tilespmem:$0x1EB00] =	vst v63  }
0x50: {  	_ =	swait.ge [sflag:s22], $0x70  }
0x51: {  	[sflag:s22] =	ssyncset.done $0x0  }
0x52: {  	[sflag:s22] =	ssyncadd.s32 $0xFFFFFF90  }
0x53: {  	[tilespmem:s21], [sflag:$0x1] =	stream.indirect.gather [hbm4b:s4+s24], $0x80, s28, s24, $0xb8;
	[tilespmem:$0x1EB00] =	vst v63  }
0x54: {  	s11 =	rddreg [dreg:$0xa]  }
0x55: {  	[tilespmem:s25], [sflag:$0x4] =	stream.linear.gather [hbm4b:s11+s28], $0x70, $0x38;
	[tilespmem:$0x1EB00] =	vst v63  }
0x56: {  	_ =	swait.ge [sflag:s22], $0x70  }
0x57: {  	[sflag:s22] =	ssyncset.done $0x0  }
0x58: {  	s12 =	simm.s32 $0x180;
	[sflag:s22] =	ssyncadd.s32 $0xFFFFFF90  }
0x59: {  	[tilespmem:s12], [sflag:$0x4] =	stream.linear.gather [hbm4b:s14+s28], $0x70, $0x38;
	[tilespmem:$0x1EB00] =	vst v63  }
0x5a: {  	_ =	swait.ge [sflag:s22], $0x70  }
0x5b: {  	[sflag:s22] =	ssyncset.done $0x0  }
0x5c: {  	s13 =	simm.s32 $0x3B00;
	[sflag:s22] =	ssyncadd.s32 $0xFFFFFF90  }
0x5d: {  	[tilespmem:s13], [sflag:$0x2] =	stream.indirect.gather [hbm4b:s4+s24], $0x80, s25, s24, $0xb8;
	[tilespmem:$0x1EB00] =	vst v63  }
0x5e: {  	_ = 	snop  }
0x5f: {  	[tilespmem:s29], [sflag:$0x4] =	stream.linear.gather [hbm4b:s15+s28], $0x70, $0x38;
	[tilespmem:$0x1EB00] =	vst v63  }
0x60: {  	_ =	swait.ge [sflag:s22], $0x70  }
0x61: {  	[sflag:s22] =	ssyncset.done $0x0  }
0x62: {  	[sflag:s22] =	ssyncadd.s32 $0xFFFFFF90  }
0x63: {  	[tilespmem:s30], [sflag:$0x4] =	stream.linear.gather [hbm4b:s16+s28], $0x70, $0x38;
	[tilespmem:$0x1EB00] =	vst v63  }
0x64: {  	_ =	swait.ge [sflag:s22], $0x70  }
0x65: {  	[sflag:s22] =	ssyncset.done $0x0  }
0x66: {  	[sflag:s22] =	ssyncadd.s32 $0xFFFFFF90  }
0x67: {  	[tilespmem:s31], [sflag:$0x3] =	stream.indirect.gather [hbm4b:s4+s24], $0x80, s29, s24, $0xb8;
	[tilespmem:$0x1EB00] =	vst v63  }
.LBB2_4:
0x68: {  	_ =	swait.ge [sflag:s0], $0x3800  }
0x69: {  	[sflag:s0] =	ssyncset.done $0x0  }
0x6a: {  	[sflag:s0] =	ssyncadd.s32 $0xFFFFC800  }
0x6b: {  	[spmem:s1] =	stream.indirect.scatter.add.f32 [tilespmem:s21], [sflag:$0x4], $0x80, s23, s24, $0xb8;
	[tilespmem:$0x1EB00] =	vst v63  }
0x6c: {  	_ =	swait.ge [sflag:s22], $0x3800  }
0x6d: {  	p0 =	seq.s32 s28, $0x4C2;
	[sflag:s22] =	ssyncset.done $0x0  }
0x6e: {  	s6 =	simm.s32 @p0 $0x2;
	[sflag:s22] =	ssyncadd.s32 $0xFFFFC800  }
0x6f: {  	_ =	swait.ge @p0 [sflag:s6], $0x3800  }
0x70: {  	s7 =	simm.s32 @p0 $0x180;
	[sflag:s6] =	ssyncset.done @p0 $0x0  }
0x71: {  	s8 =	simm.s32 @p0 $0x3B00;
	[sflag:s6] =	ssyncadd.s32 @p0 $0xFFFFC800;
	s6 =	simm.s32 @p0 $0x70  }
0x72: {  	[spmem:s1] =	stream.indirect.scatter.add.f32 @p0 [tilespmem:s8], [sflag:$0x4], $0x80, s7, s6, $0xb8;
	[tilespmem:$0x1EB00] =	vst v63  }
0x73: {  	s6 =	simm.s32 @p0 $0x4  }
0x74: {  	_ =	swait.ge @p0 [sflag:s6], $0x3800  }
0x75: {  	s7 =	sadd.s32 @!p0 s28, s19;
	[sflag:s6] =	ssyncset.done @p0 $0x0  }
0x76: {  	s8 =	simm.s32 @!p0 $0x0;
	[sflag:s6] =	ssyncadd.s32 @p0 $0xFFFFC800;
	s6 =	sadd.s32 @!p0 $0x2A, s7  }
0x77: {  	[tilespmem:s8], [sflag:$0x4] =	stream.linear.gather @!p0 [hbm4b:s6+s8], $0x70, $0x38;
	[tilespmem:$0x1EB00] =	vst v63  }
0x78: {  	s6 =	simm.s32 @!p0 $0x4  }
0x79: {  	_ =	swait.ge @!p0 [sflag:s6], $0x70  }
0x7a: {  	s9 =	sadd.s32 @!p0 s28, s20;
	[sflag:s6] =	ssyncset.done @!p0 $0x0  }
0x7b: {  	s11 =	simm.s32 @!p0 $0x80;
	s10 =	sadd.s32 @!p0 $0x2A, s9;
	[sflag:s6] =	ssyncadd.s32 @!p0 $0xFFFFFF90  }
0x7c: {  	[tilespmem:s11], [sflag:$0x4] =	stream.linear.gather @!p0 [hbm4b:s10+s8], $0x70, $0x38;
	[tilespmem:$0x1EB00] =	vst v63  }
0x7d: {  	_ =	swait.ge @!p0 [sflag:s6], $0x70  }
0x7e: {  	[sflag:s6] =	ssyncset.done @!p0 $0x0  }
0x7f: {  	s10 =	simm.s32 @!p0 $0x70;
	s11 =	simm.s32 @!p0 $0x300;
	[sflag:s6] =	ssyncadd.s32 @!p0 $0xFFFFFF90  }
0x80: {  	[tilespmem:s11], [sflag:$0x1] =	stream.indirect.gather @!p0 [hbm4b:s4+s10], $0x80, s8, s10, $0xb8;
	[tilespmem:$0x1EB00] =	vst v63  }
0x81: {  	s11 =	simm.s32 @!p0 $0x2  }
0x82: {  	_ =	swait.ge @!p0 [sflag:s11], $0x3800  }
0x83: {  	[sflag:s11] =	ssyncset.done @!p0 $0x0  }
0x84: {  	s12 =	simm.s32 @!p0 $0x3B00;
	[sflag:s11] =	ssyncadd.s32 @!p0 $0xFFFFC800;
	s11 =	simm.s32 @!p0 $0x180  }
0x85: {  	[spmem:s1] =	stream.indirect.scatter.add.f32 @!p0 [tilespmem:s12], [sflag:$0x4], $0x80, s11, s10, $0xb8;
	[tilespmem:$0x1EB00] =	vst v63  }
0x86: {  	_ =	swait.ge @!p0 [sflag:s6], $0x3800  }
0x87: {  	[sflag:s6] =	ssyncset.done @!p0 $0x0  }
0x88: {  	s13 =	simm.s32 @!p0 $0x100;
	s7 =	sadd.s32 @!p0 $0x38, s7;
	[sflag:s6] =	ssyncadd.s32 @!p0 $0xFFFFC800  }
0x89: {  	[tilespmem:s13], [sflag:$0x4] =	stream.linear.gather @!p0 [hbm4b:s7+s8], $0x70, $0x38;
	[tilespmem:$0x1EB00] =	vst v63  }
0x8a: {  	_ =	swait.ge @!p0 [sflag:s6], $0x70  }
0x8b: {  	[sflag:s6] =	ssyncset.done @!p0 $0x0  }
0x8c: {  	s7 =	sadd.s32 @!p0 $0x38, s9;
	[sflag:s6] =	ssyncadd.s32 @!p0 $0xFFFFFF90  }
0x8d: {  	[tilespmem:s11], [sflag:$0x4] =	stream.linear.gather @!p0 [hbm4b:s7+s8], $0x70, $0x38;
	[tilespmem:$0x1EB00] =	vst v63  }
0x8e: {  	_ =	swait.ge @!p0 [sflag:s6], $0x70  }
0x8f: {  	[sflag:s6] =	ssyncset.done @!p0 $0x0  }
0x90: {  	[sflag:s6] =	ssyncadd.s32 @!p0 $0xFFFFFF90  }
0x91: {  	[tilespmem:s12], [sflag:$0x2] =	stream.indirect.gather @!p0 [hbm4b:s4+s10], $0x80, s13, s10, $0xb8;
	[tilespmem:$0x1EB00] =	vst v63  }
0x92: {  	_ =	swait.ge [sflag:s2], $0x3800  }
0x93: {  	[sflag:s2] =	ssyncset.done $0x0  }
.Ltmp3:
0x94: {  	[sflag:s2] =	ssyncadd.s32 $0xFFFFC800;
	(pc) =	sbr.rel @p0 .LBB2_6-.Ltmp3, $4  }
0x95: {  	[spmem:s1] =	stream.indirect.scatter.add.f32 [tilespmem:s31], [sflag:$0x4], $0x80, s30, s24, $0xb8;
	[tilespmem:$0x1EB00] =	vst v63  }
0x96: {  	_ =	swait.ge [sflag:s22], $0x3800  }
0x97: {  	[sflag:s22] =	ssyncset.done $0x0  }
0x98: {  	[sflag:s22] =	ssyncadd.s32 $0xFFFFC800  }
0x99: {  	s6 =	sadd.s32 s28, s19  }
0x9a: {  	s6 =	sadd.s32 $0x46, s6  }
0x9b: {  	[tilespmem:s29], [sflag:$0x4] =	stream.linear.gather [hbm4b:s6+s3], $0x70, $0x38;
	[tilespmem:$0x1EB00] =	vst v63  }
0x9c: {  	_ =	swait.ge [sflag:s22], $0x70  }
0x9d: {  	s13 =	sadd.s32 s28, s20;
	[sflag:s22] =	ssyncset.done $0x0  }
0x9e: {  	s6 =	sadd.s32 $0x46, s13;
	[sflag:s22] =	ssyncadd.s32 $0xFFFFFF90  }
0x9f: {  	[tilespmem:s30], [sflag:$0x4] =	stream.linear.gather [hbm4b:s6+s3], $0x70, $0x38;
	[tilespmem:$0x1EB00] =	vst v63  }
.Ltmp4:
0xa0: {  	_ = 	snop;
	(pc) =	sbr.rel .LBB2_4-.Ltmp4, $4  }
0xa1: {  	_ =	swait.ge [sflag:s22], $0x70  }
0xa2: {  	[sflag:s22] =	ssyncset.done $0x0  }
0xa3: {  	s28 =	sadd.s32 $0x2A, s28;
	[sflag:s22] =	ssyncadd.s32 $0xFFFFFF90  }
0xa4: {  	[tilespmem:s31], [sflag:$0x3] =	stream.indirect.gather [hbm4b:s4+s24], $0x80, s29, s24, $0xb8;
	[tilespmem:$0x1EB00] =	vst v63  }
.LBB2_7:
0xa5: {  	_ =	sfence.sel $0x180000  }
0xa6: {  	[bflag:$0x0] =	sbarrier.arrive $0xFFFF  }
0xa7: {  	_ =	strace $0x90000047  }
0xa8: {  	s0 =	stileid.u32;
	[bflag:$0x2] =	sbarrier.arrive $0xFFFF  }
0xa9: {  	p0 =	sne.s32 s0, $0x0;
	s0 =	rddreg [dreg:$0x2]  }
0xaa: {  	s0 =	sadd.s32 @!p0 $0x100000, s0  }
0xab: {  	[sflag:s0] =	ssyncadd.tile.s32 @!p0 $0x1;
	_ =	shalt  }
.Lfunc_end2:
_tile_overlayer_lowered:
.L_overlay_start_2:
0xac: {  	(tag) =	ssettag $0x2  }
0xad: {  	s0 =	rddreg [dreg:$0x0];
	s2 =	stileid.u32  }
0xae: {  	s1 =	rddreg [dreg:$0x1];
	p0 =	sne.s32 s2, $0x0  }
0xaf: {  	s3 =	rddreg [dreg:$0x2];
	[bflag:$0x3] =	sbarrier.arrive $0xFFFF;
	s2 =	simm.s32 @!p0 $0x1C04  }
0xb0: {  	[timem:s3], [sflag:s2] =	dma.local @!p0 [hbm:s0], s1  }
0xb1: {  	s0 =	simm.s32 @!p0 $0x4  }
0xb2: {  	_ =	swait.ge @!p0 [sflag:s0], s1  }
0xb3: {  	s1 =	ssub.s32 @!p0 $0x0, s1;
	[sflag:s0] =	ssyncset.done @!p0 $0x0  }
0xb4: {  	[sflag:s0] =	ssyncadd.s32 @!p0 s1  }
0xb5: {  	[bflag:$0x3] =	sbarrier.arrive $0xFFFF  }
0xb6: {  	_ =	shalt  }

// kernel: kernel.15.cloned.1.call-start
scs
__scs_entry_jumppad:
0x0: {  	(pc) =	sbr.rel $0x88, $3  }
0x1: {  	(tag) =	ssettag $0x0;
	lr =	simm.s32 $0x1  }
0x2: {  	[smem:$0x3F9A] =	sst lr;
	_ =	strace $0xD0000000  }
0x3: {  	_ = 	snop  }
0x4: {  	_ = 	snop  }
0x5: {  	_ = 	snop  }
0x6: {  	_ = 	snop  }
0x7: {  	_ = 	snop  }
__scs_overlays_trampoline_lowered:
0x8: {  	[smem:$0x3FA9] =	sst s0  }
0x9: {  	[smem:$0x3FAA] =	sst s1  }
0xa: {  	[smem:$0x3FAB] =	sst s2  }
0xb: {  	[smem:$0x3FAC] =	sst s3  }
0xc: {  	[smem:$0x3FAD] =	sst s4  }
0xd: {  	[smem:$0x3FAE] =	sst s5  }
0xe: {  	[smem:$0x3FAF] =	sst s6  }
0xf: {  	[smem:$0x3FB0] =	sst s7  }
0x10: {  	[smem:$0x3FB1] =	sst s8  }
0x11: {  	[smem:$0x3FB2] =	sst s9;
	s0 =	simm.s32 @!p0 $0x0  }
0x12: {  	s1 =	sld [smem:$0x3F98];
	s0 =	simm.s32 @p0 $0x1  }
0x13: {  	[smem:$0x3FB3] =	sst s0;
	s0 =	simm.s32 @!p1 $0x0  }
0x14: {  	s2 =	sld [smem:$0x3F97];
	s0 =	simm.s32 @p1 $0x1  }
0x15: {  	[smem:$0x3FB4] =	sst s0;
	s0 =	simm.s32 @!p2 $0x0  }
0x16: {  	s3 =	sld [smem:$0x3FDB];
	s0 =	simm.s32 @p2 $0x1  }
0x17: {  	s4 =	simm.s32 $0x1BF5;
	[smem:$0x3FB6] =	sst s0  }
0x18: {  	s0 =	sld [smem:$0x3F99];
	_ =	swait.ge [sflag:s4], $0x0  }
0x19: {  	s7 =	sld [smem:$0x3F9A]  }
0x1a: {  	s8 =	sadd.s32 $0xFFFFE003, lr  }
0x1b: {  	s9 =	sadd.s32 $0xFFFFFEF7, lr;
	s5 =	simm.s32 $0xFFFFFFFF;
	p2 =	slt.u32 s8, $0xFFFFF086  }
0x1c: {  	p1 =	slt.u32 s9, $0xF7A;
	s5 =	simm.s32 @!p2 $0x0  }
0x1d: {  	s5 =	simm.s32 @p1 $0x1;
	p0 =	seq.s32 s7, s2  }
0x1e: {  	s7 =	smul.u32 @!p0 $0xF7A, s2;
	p2 =	seq.s32 @!p0 s5, $0x0  }
0x1f: {  	s9 =	smul.u32 $0xF7A, s1;
	s8 =	simm.s32 @!p0 $0x1BF5;
	p2 =	por !p2, p0  }
0x20: {  	[sflag:s8] =	ssyncset.s32 @!p0 $0xFFFFF086;
	s6 =	sadd.s32 @!p0 s3, s7;
	s7 =	simm.s32 @!p0 $0x108  }
0x21: {  	s3 =	sadd.s32 s3, s9;
	s6 =	sadd.s32 @!p0 $0x88, s6;
	s7 =	simm.s32 @p2 $0x1082  }
0x22: {  	[simem:s7], [sflag:s8] =	dma.local @!p0 [hbm:s6], $0xF7A  }
0x23: {  	s9 =	sor.u32 $0xD0000000, s2;
	s6 =	simm.s32 $0x108;
	_ =	swait.ge @!p0 [sflag:s8], $0x0  }
0x24: {  	s3 =	sadd.s32 $0x88, s3;
	s6 =	simm.s32 @!p1 $0x1082;
	[sflag:s4] =	ssyncset.s32 $0xFFFFF086  }
0x25: {  	[simem:s6], [sflag:s4] =	dma.local [hbm:s3], $0xF7A  }
0x26: {  	[smem:$0x3F9A] =	sst s1;
	(tag) =	ssettag s2;
	_ =	strace s9  }
0x27: {  	s1 =	sld [smem:$0x3FAA]  }
0x28: {  	s2 =	sld [smem:$0x3FAB]  }
0x29: {  	s4 =	sld [smem:$0x3FAD]  }
0x2a: {  	p0 =	seq.s32 s5, $0x0;
	s5 =	sld [smem:$0x3FAE]  }
0x2b: {  	s6 =	sld [smem:$0x3FAF]  }
0x2c: {  	s7 =	sld [smem:$0x3FB0]  }
0x2d: {  	s3 =	simm.s32 $0x108;
	s8 =	sld [smem:$0x3FB1]  }
0x2e: {  	s3 =	simm.s32 @!p0 $0x1082;
	s9 =	sld [smem:$0x3FB2]  }
0x2f: {  	lr =	sadd.s32 s0, s3;
	s0 =	sld [smem:$0x3FA9]  }
0x30: {  	s3 =	sld [smem:$0x3FAC]  }
0x31: {  	[smem:$0x3FB5] =	sst s10  }
0x32: {  	s10 =	sld [smem:$0x3FB3];
	_ =	sdelay $0x3  }
0x33: {  	p0 =	seq.s32 s10, $0x1;
	s10 =	sld [smem:$0x3FB5];
	_ =	sdelay $0x3  }
0x34: {  	[smem:$0x3FB5] =	sst s10  }
0x35: {  	s10 =	sld [smem:$0x3FB4];
	_ =	sdelay $0x3  }
0x36: {  	p1 =	seq.s32 s10, $0x1;
	s10 =	sld [smem:$0x3FB5];
	_ =	sdelay $0x3  }
0x37: {  	[smem:$0x3FB5] =	sst s10  }
0x38: {  	s10 =	sld [smem:$0x3FB6]  }
0x39: {  	_ = 	snop;
	(pc) =	sbr.ind lr, $3  }
0x3a: {  	_ = 	snop  }
0x3b: {  	_ = 	snop  }
0x3c: {  	p2 =	seq.s32 s10, $0x1;
	s10 =	sld [smem:$0x3FB5]  }
0x3d: {  	_ =	shalt  }
0x3e: {  	_ =	shalt  }
0x3f: {  	_ =	shalt  }
0x40: {  	_ =	shalt  }
0x41: {  	_ =	shalt  }
0x42: {  	_ =	shalt  }
0x43: {  	_ =	shalt  }
0x44: {  	_ =	shalt  }
0x45: {  	_ =	shalt  }
0x46: {  	_ =	shalt  }
0x47: {  	_ =	shalt  }
0x48: {  	_ =	shalt  }
0x49: {  	_ =	shalt  }
0x4a: {  	_ =	shalt  }
0x4b: {  	_ =	shalt  }
0x4c: {  	_ =	shalt  }
0x4d: {  	_ =	shalt  }
0x4e: {  	_ =	shalt  }
0x4f: {  	_ =	shalt  }
0x50: {  	_ =	shalt  }
0x51: {  	_ =	shalt  }
0x52: {  	_ =	shalt  }
0x53: {  	_ =	shalt  }
0x54: {  	_ =	shalt  }
0x55: {  	_ =	shalt  }
0x56: {  	_ =	shalt  }
0x57: {  	_ =	shalt  }
0x58: {  	_ =	shalt  }
0x59: {  	_ =	shalt  }
0x5a: {  	_ =	shalt  }
0x5b: {  	_ =	shalt  }
0x5c: {  	_ =	shalt  }
0x5d: {  	_ =	shalt  }
0x5e: {  	_ =	shalt  }
0x5f: {  	_ =	shalt  }
0x60: {  	_ =	shalt  }
0x61: {  	_ =	shalt  }
0x62: {  	_ =	shalt  }
0x63: {  	_ =	shalt  }
0x64: {  	_ =	shalt  }
0x65: {  	_ =	shalt  }
0x66: {  	_ =	shalt  }
0x67: {  	_ =	shalt  }
0x68: {  	_ =	shalt  }
0x69: {  	_ =	shalt  }
0x6a: {  	_ =	shalt  }
0x6b: {  	_ =	shalt  }
0x6c: {  	_ =	shalt  }
0x6d: {  	_ =	shalt  }
0x6e: {  	_ =	shalt  }
0x6f: {  	_ =	shalt  }
0x70: {  	_ =	shalt  }
0x71: {  	_ =	shalt  }
0x72: {  	_ =	shalt  }
0x73: {  	_ =	shalt  }
0x74: {  	_ =	shalt  }
0x75: {  	_ =	shalt  }
0x76: {  	_ =	shalt  }
0x77: {  	_ =	shalt  }
0x78: {  	_ =	shalt  }
0x79: {  	_ =	shalt  }
0x7a: {  	_ =	shalt  }
0x7b: {  	_ =	shalt  }
0x7c: {  	_ =	shalt  }
0x7d: {  	_ =	shalt  }
0x7e: {  	_ =	shalt  }
0x7f: {  	_ =	shalt  }
0x80: {  	_ =	shalt  }
0x81: {  	_ =	shalt  }
0x82: {  	_ =	shalt  }
0x83: {  	_ =	shalt  }
0x84: {  	_ =	shalt  }
0x85: {  	_ =	shalt  }
0x86: {  	_ =	shalt  }
0x87: {  	_ =	shalt  }
.Lfunc_end0:
.L_simem_size_0:
called_computation.2_lowered:
.L_overlay_start_0:
0x88: {  	s2 =	sld [smem:$0x3FD9]  }
0x89: {  	s3 =	sld [smem:$0x3FFE];
	_ =	sdelay $0x1  }
0x8a: {  	s1 =	srdreg.scid  }
0x8b: {  	s0 =	sand.u32 $0x1, s1  }
0x8c: {  	s16 =	sshll.u32 s0, $0xA;
	s2 =	sadd.s32 s3, s2  }
0x8d: {  	s2 =	sadd.s32 s2, s16  }
0x8e: {  	[smem:$0x3FC1] =	sst s2  }
0x8f: {  	_ = 	snop  }
0x90: {  	(tm) =	ssettm $0x1  }
0x91: {  	s17 =	sld [smem:$0x3FFB];
	_ =	sdelay $0x3  }
0x92: {  	_ =	strace s17  }
0x93: {  	s2 =	sld [smem:$0x3FFC];
	_ =	sdelay $0x3  }
0x94: {  	_ =	strace s2  }
0x95: {  	s2 =	sld [smem:$0x3FFD];
	_ =	sdelay $0x3  }
0x96: {  	_ =	strace s2  }
0x97: {  	_ =	strace $0x8FFFFFFF  }
0x98: {  	s18 =	sld [smem:$0x3FDB];
	_ =	sdelay $0x1  }
0x99: {  	s19 =	simm.s32 $_scs_section_size  }
0x9a: {  	s4 =	simm.s32 $_size__tile_overlayer_lowered;
	s5 =	simm.s32 $_tile_overlayer_lowered  }
0x9b: {  	s22 =	simm.s32 $0x1BFF;
	s21 =	sshll.u32 s5, $0x1;
	s2 =	sadd.s32 s19, s18  }
0x9c: {  	s6 =	simm.s32 $0x0;
	s20 =	sshll.u32 s4, $0x1;
	s4 =	sadd.s32 s21, s2  }
0x9d: {  	[timem:s6], [sflag:s22] =	dma.local [hbm:s4], s20  }
0x9e: {  	_ =	swait.ge [sflag:s22], s20  }
0x9f: {  	s3 =	ssub.s32 $0x0, s20;
	[sflag:s22] =	ssyncset.done $0x0  }
0xa0: {  	[sflag:s22] =	ssyncadd.s32 s3;
	_ =	sdelay $0x1  }
0xa1: {  	s23 =	simm.s32 $0x1B8B  }
0xa2: {  	_ =	swait.ge [sflag:s23], $0x1  }
0xa3: {  	[sflag:s23] =	ssyncset.done $0x0  }
0xa4: {  	s25 =	simm.s32 $0x1B8E;
	s24 =	sld [smem:$0x3FFE];
	[sflag:s23] =	ssyncadd.s32 $0xFFFFFFFF  }
0xa5: {  	s26 =	simm.s32 $execute0_lowered;
	[smem:$0x3FD2] =	sst s25  }
0xa6: {  	s4 =	sshll.u32 s26, $0x1;
	_ =	strace $0x8000004C;
	[dreg:$0x1] =	wrdreg $0xFFFFFFFF  }
0xa7: {  	s28 =	simm.s32 $_size_execute0_lowered;
	s2 =	sadd.s32 s2, s4;
	[dreg:$0x0] =	wrdreg $0x0  }
0xa8: {  	s4 =	sshll.u32 s28, $0x1;
	[dreg:$0x2] =	wrdreg s2  }
0xa9: {  	[dreg:$0x3] =	wrdreg s4  }
0xaa: {  	[dreg:$0x4] =	wrdreg $0xC0  }
0xab: {  	_ =	task [dreg:s6], $0x5FFFF  }
0xac: {  	[dreg:$0x1] =	wrdreg $0xFFFFFFFF  }
0xad: {  	[dreg:$0x0] =	wrdreg $0x60  }
0xae: {  	[dreg:$0x2] =	wrdreg s24  }
0xaf: {  	[dreg:$0x3] =	wrdreg $0xAB000  }
0xb0: {  	[dreg:$0x4] =	wrdreg $0x9  }
0xb1: {  	_ =	task.clear_ibuf [dreg:s6], $0x5FFFF;
	_ =	strace $0x9000004C  }
0xb2: {  	s29 =	simm.s32 $0x9;
	_ =	strace $0x8000004E  }
0xb3: {  	_ =	swait.ge [sflag:s29], $0x1  }
0xb4: {  	[sflag:s29] =	ssyncadd.s32 $0xFFFFFFFF  }
0xb5: {  	_ =	strace $0x9000004E  }
0xb6: {  	_ =	sfence  }
0xb7: {  	s30 =	sld [smem:$0x0];
	_ =	sdelay $0x2  }
0xb8: {  	s31 =	sshll.u32 s1, $0xD;
	s1 =	sshrl.u32 s1, $0x2  }
0xb9: {  	s3 =	sand.u32 $0x4000, s31;
	s1 =	sadd.s32 s1, s30  }
0xba: {  	s0 =	sor.u32 s3, s0;
	s1 =	sshll.u32 s1, $0x11  }
0xbb: {  	s0 =	sor.u32 s1, s0  }
0xbc: {  	s0 =	sadd.s32 $0x8F2B, s0  }
0xbd: {  	[sflag:s0] =	ssyncadd.remote.s32 $0x1  }
0xbe: {  	_ =	sfence.sel $0xFFFF  }
0xbf: {  	[dreg:$0x0] =	wrdreg $0xFFFFFFFF;
	(pc) =	sbr.abs _section_cstart, $3  }
0xc0: {  	[dreg:$0x1] =	wrdreg $0xFFFFFFFF  }
0xc1: {  	_ =	task.clear_ibuf [dreg:s6], $0x2FFFF;
	_ =	strace $0x9FFFFFFF  }
0xc2: {  	(tm) =	ssettm $0x7FFFFFFF  }
0xc3: {  	_ =	shalt  }
tec
execute0_lowered:
.L_overlay_start_1:
0x0: {  	(tag) =	ssettag $0x1  }
0x1: {  	s0 =	rddreg [dreg:$0x0]  }
0x2: {  	s1 =	rddreg [dreg:$0x1]  }
0x3: {  	s2 =	srdreg.scid;
	s3 =	simm.s32 $0x0;
	s11 =	stileid.u32  }
0x4: {  	s29 =	simm.s32 $0x200;
	s30 =	simm.s32 $0x280;
	s31 =	simm.s32 $0x7300  }
0x5: {  	s2 =	sand.u32 $0x1, s2;
	[smem:$0x7FF] =	sst s3;
	s6 =	smul.u32 $0x14000, s11  }
0x6: {  	s4 =	sadd.s32 $0x2400, s0;
	s19 =	sadd.s32 $0x2A400, s0;
	s7 =	smul.u32 $0x50000, s11  }
0x7: {  	s13 =	sadd.s32 $0x34200, s0;
	s8 =	sshll.u32 s11, $0x1;
	s5 =	smul.u32 $0x140000, s2  }
0x8: {  	_ =	strace $0x8000004D;
	s8 =	sor.u32 s2, s8;
	s26 =	smul.u32 $0x4EC, s2  }
0x9: {  	s16 =	ssub.s32 $0x2, s2;
	s2 =	simm.s32 $0x3;
	s10 =	smul.u32 $0x2760, s8  }
0xa: {  	s9 =	sshrl.u32 s16, $0x1;
	s12 =	smul.u32 $0x4EC, s8;
	s5 =	sadd.s32 s6, s5  }
0xb: {  	s7 =	sshrl.u32 s7, $0x2;
	s18 =	ssub.s32 s16, s9;
	s5 =	sshrl.u32 s5, $0x3  }
0xc: {  	s14 =	sshrl.u32 s10, $0x3;
	s23 =	sadd.s32 s19, s12;
	s24 =	sadd.s32 s13, s12  }
0xd: {  	s18 =	smax.u32 s18, $0x1;
	s0 =	sadd.s32 s5, s0;
	[dreg:$0x8] =	wrdreg s23  }
0xe: {  	s5 =	sadd.s32 s7, s1;
	s15 =	sadd.s32 $0xE, s14;
	[dreg:$0x9] =	wrdreg s24  }
0xf: {  	s16 =	sadd.s32 $0x1C, s14;
	s23 =	simm.s32 $0x80;
	s7 =	sadd.s32 $0x3800, s5  }
0x10: {  	s24 =	simm.s32 $0x70;
	s17 =	sadd.s32 $0x7000, s5;
	[dreg:$0x3] =	wrdreg s7  }
0x11: {  	s20 =	sadd.s32 $0xA800, s5;
	s21 =	sadd.s32 $0xE000, s5;
	[dreg:$0x4] =	wrdreg s17  }
0x12: {  	s22 =	sadd.s32 $0x11800, s5;
	s25 =	sadd.s32 s19, s15;
	[dreg:$0x5] =	wrdreg s20  }
0x13: {  	s14 =	sadd.s32 s13, s15;
	s15 =	sadd.s32 s19, s16;
	[dreg:$0x6] =	wrdreg s21  }
.Ltmp0:
0x14: {  	s16 =	sadd.s32 s13, s16;
	[dreg:$0x7] =	wrdreg s22;
	(pc) =	sbr.rel .LBB2_1-.Ltmp0, $4  }
0x15: {  	[dreg:$0xa] =	wrdreg s25;
	s20 =	smul.u32 $0x9D8, s11;
	s17 =	sadd.s32 $0x3E000, s0  }
0x16: {  	s21 =	simm.s32 $0x300;
	s22 =	simm.s32 $0x4;
	s25 =	simm.s32 $0x100  }
0x17: {  	s0 =	simm.s32 $0x1;
	s28 =	sadd.s32 s20, s19;
	s6 =	sadd.s32 s20, s13  }
0x18: {  	v0 =	vimm.f32 $0.0e+00;
	s19 =	sadd.s32 s26, s28;
	s20 =	sadd.s32 s26, s6;
	s26 =	simm.s32 $0x0  }
.LBB2_6:
0x19: {  	s6 =	stileid.u32;
	s26 =	sadd.s32 $0x1, s26  }
0x1a: {  	[bflag:$0x0] =	sbarrier.arrive $0xFFFF;
	s6 =	sshll.u32 s6, $0x6;
	p0 =	sne.s32 s26, s18  }
.Ltmp1:
0x1b: {  	s7 =	sshrl.u32 s5, $0x3;
	s6 =	sor.u32 $0x1C04, s6;
	(pc) =	sbr.rel @!p0 .LBB2_7-.Ltmp1, $4  }
0x1c: {  	[hbm:s17], [sflag:s6] =	dma.local [spmem:s7], $0x2800  }
0x1d: {  	_ =	swait.ge [sflag:s22], $0x2800  }
0x1e: {  	[sflag:s22] =	ssyncset.done $0x0  }
0x1f: {  	[sflag:s22] =	ssyncadd.s32 $0xFFFFD800  }
.LBB2_1:
0x20: {  	s28 =	simm.s32 $0x0;
	s6 =	simm.s32 $0x200  }
.LBB2_2:
0x21: {  	p0 =	sne.s32 s6, $0xDE00;
	[tilespmem:s28+$0x370] =	vst v0  }
0x22: {  	[tilespmem:s28+$0x300] =	vst v0  }
0x23: {  	[tilespmem:s28+$0x310] =	vst v0  }
.Ltmp2:
0x24: {  	[tilespmem:s28+$0x320] =	vst v0;
	(pc) =	sbr.rel @p0 .LBB2_2-.Ltmp2, $4  }
0x25: {  	[tilespmem:s28+$0x330] =	vst v0  }
0x26: {  	[tilespmem:s28+$0x340] =	vst v0  }
0x27: {  	[tilespmem:s28+$0x350] =	vst v0  }
0x28: {  	[tilespmem:s28+$0x360] =	vst v0;
	s28 =	sshra.s32 s6, $0x2;
	s6 =	sadd.s32 $0x200, s6  }
0x29: {  	[tilespmem:s28+$0x370] =	vst v0  }
0x2a: {  	[tilespmem:s28+$0x300] =	vst v0  }
0x2b: {  	[tilespmem:s28+$0x310] =	vst v0  }
0x2c: {  	[tilespmem:s28+$0x320] =	vst v0  }
0x2d: {  	[tilespmem:s28+$0x330] =	vst v0  }
0x2e: {  	[tilespmem:s28+$0x340] =	vst v0  }
0x2f: {  	[tilespmem:s28+$0x350] =	vst v0  }
0x30: {  	[tilespmem:s28+$0x360] =	vst v0  }
0x31: {  	[spmem:s5] =	stream.linear.scatter [tilespmem:s21], [sflag:$0x4], $0x3800, $0x38;
	[tilespmem:$0x1EB00] =	vst v63  }
0x32: {  	_ =	swait.ge [sflag:s22], $0x3800  }
0x33: {  	[sflag:s22] =	ssyncset.done $0x0  }
0x34: {  	s6 =	rddreg [dreg:$0x3];
	[sflag:s22] =	ssyncadd.s32 $0xFFFFC800  }
0x35: {  	[spmem:s6] =	stream.linear.scatter [tilespmem:s21], [sflag:$0x4], $0x3800, $0x38;
	[tilespmem:$0x1EB00] =	vst v63  }
0x36: {  	_ =	swait.ge [sflag:s22], $0x3800  }
0x37: {  	[sflag:s22] =	ssyncset.done $0x0  }
0x38: {  	s12 =	rddreg [dreg:$0x4];
	[sflag:s22] =	ssyncadd.s32 $0xFFFFC800  }
0x39: {  	[spmem:s12] =	stream.linear.scatter [tilespmem:s21], [sflag:$0x4], $0x3800, $0x38;
	[tilespmem:$0x1EB00] =	vst v63  }
0x3a: {  	_ =	swait.ge [sflag:s22], $0x3800  }
0x3b: {  	[sflag:s22] =	ssyncset.done $0x0  }
0x3c: {  	s13 =	rddreg [dreg:$0x5];
	[sflag:s22] =	ssyncadd.s32 $0xFFFFC800  }
0x3d: {  	[spmem:s13] =	stream.linear.scatter [tilespmem:s21], [sflag:$0x4], $0x3800, $0x38;
	[tilespmem:$0x1EB00] =	vst v63  }
0x3e: {  	_ =	swait.ge [sflag:s22], $0x3800  }
0x3f: {  	[sflag:s22] =	ssyncset.done $0x0  }
0x40: {  	s7 =	rddreg [dreg:$0x6];
	[sflag:s22] =	ssyncadd.s32 $0xFFFFC800  }
0x41: {  	[spmem:s7] =	stream.linear.scatter [tilespmem:s21], [sflag:$0x4], $0x3800, $0x38;
	[tilespmem:$0x1EB00] =	vst v63  }
0x42: {  	_ =	swait.ge [sflag:s22], $0x3800  }
0x43: {  	[sflag:s22] =	ssyncset.done $0x0  }
0x44: {  	s8 =	rddreg [dreg:$0x7];
	[sflag:s22] =	ssyncadd.s32 $0xFFFFC800  }
0x45: {  	[spmem:s8] =	stream.linear.scatter [tilespmem:s21], [sflag:$0x4], $0x2800, $0x38;
	[tilespmem:$0x1EB00] =	vst v63  }
0x46: {  	_ =	swait.ge [sflag:s22], $0x2800  }
0x47: {  	[sflag:s22] =	ssyncset.done $0x0  }
0x48: {  	[sflag:s22] =	ssyncadd.s32 $0xFFFFD800  }
0x49: {  	[bflag:$0x0] =	sbarrier.arrive $0xFFFF  }
0x4a: {  	s28 =	simm.s32 $0x0;
	s9 =	rddreg [dreg:$0x8]  }
0x4b: {  	[tilespmem:s28], [sflag:$0x4] =	stream.linear.gather [hbm4b:s9+s28], $0x70, $0x38;
	[tilespmem:$0x1EB00] =	vst v63  }
0x4c: {  	_ =	swait.ge [sflag:s22], $0x70  }
0x4d: {  	[sflag:s22] =	ssyncset.done $0x0  }
0x4e: {  	s10 =	rddreg [dreg:$0x9];
	[sflag:s22] =	ssyncadd.s32 $0xFFFFFF90  }
0x4f: {  	[tilespmem:s23], [sflag:$0x4] =	stream.linear.gather [hbm4b:s10+s28], $0x70, $0x38;
	[tilespmem:$0x1EB00] =	vst v63  }
0x50: {  	_ =	swait.ge [sflag:s22], $0x70  }
0x51: {  	[sflag:s22] =	ssyncset.done $0x0  }
0x52: {  	[sflag:s22] =	ssyncadd.s32 $0xFFFFFF90  }
0x53: {  	[tilespmem:s21], [sflag:$0x1] =	stream.indirect.gather [hbm4b:s4+s24], $0x80, s28, s24, $0xb8;
	[tilespmem:$0x1EB00] =	vst v63  }
0x54: {  	s11 =	rddreg [dreg:$0xa]  }
0x55: {  	[tilespmem:s25], [sflag:$0x4] =	stream.linear.gather [hbm4b:s11+s28], $0x70, $0x38;
	[tilespmem:$0x1EB00] =	vst v63  }
0x56: {  	_ =	swait.ge [sflag:s22], $0x70  }
0x57: {  	[sflag:s22] =	ssyncset.done $0x0  }
0x58: {  	s12 =	simm.s32 $0x180;
	[sflag:s22] =	ssyncadd.s32 $0xFFFFFF90  }
0x59: {  	[tilespmem:s12], [sflag:$0x4] =	stream.linear.gather [hbm4b:s14+s28], $0x70, $0x38;
	[tilespmem:$0x1EB00] =	vst v63  }
0x5a: {  	_ =	swait.ge [sflag:s22], $0x70  }
0x5b: {  	[sflag:s22] =	ssyncset.done $0x0  }
0x5c: {  	s13 =	simm.s32 $0x3B00;
	[sflag:s22] =	ssyncadd.s32 $0xFFFFFF90  }
0x5d: {  	[tilespmem:s13], [sflag:$0x2] =	stream.indirect.gather [hbm4b:s4+s24], $0x80, s25, s24, $0xb8;
	[tilespmem:$0x1EB00] =	vst v63  }
0x5e: {  	_ = 	snop  }
0x5f: {  	[tilespmem:s29], [sflag:$0x4] =	stream.linear.gather [hbm4b:s15+s28], $0x70, $0x38;
	[tilespmem:$0x1EB00] =	vst v63  }
0x60: {  	_ =	swait.ge [sflag:s22], $0x70  }
0x61: {  	[sflag:s22] =	ssyncset.done $0x0  }
0x62: {  	[sflag:s22] =	ssyncadd.s32 $0xFFFFFF90  }
0x63: {  	[tilespmem:s30], [sflag:$0x4] =	stream.linear.gather [hbm4b:s16+s28], $0x70, $0x38;
	[tilespmem:$0x1EB00] =	vst v63  }
0x64: {  	_ =	swait.ge [sflag:s22], $0x70  }
0x65: {  	[sflag:s22] =	ssyncset.done $0x0  }
0x66: {  	[sflag:s22] =	ssyncadd.s32 $0xFFFFFF90  }
0x67: {  	[tilespmem:s31], [sflag:$0x3] =	stream.indirect.gather [hbm4b:s4+s24], $0x80, s29, s24, $0xb8;
	[tilespmem:$0x1EB00] =	vst v63  }
.LBB2_4:
0x68: {  	_ =	swait.ge [sflag:s0], $0x3800  }
0x69: {  	[sflag:s0] =	ssyncset.done $0x0  }
0x6a: {  	[sflag:s0] =	ssyncadd.s32 $0xFFFFC800  }
0x6b: {  	[spmem:s1] =	stream.indirect.scatter.add.f32 [tilespmem:s21], [sflag:$0x4], $0x80, s23, s24, $0xb8;
	[tilespmem:$0x1EB00] =	vst v63  }
0x6c: {  	_ =	swait.ge [sflag:s22], $0x3800  }
0x6d: {  	p0 =	seq.s32 s28, $0x4C2;
	[sflag:s22] =	ssyncset.done $0x0  }
0x6e: {  	s6 =	simm.s32 @p0 $0x2;
	[sflag:s22] =	ssyncadd.s32 $0xFFFFC800  }
0x6f: {  	_ =	swait.ge @p0 [sflag:s6], $0x3800  }
0x70: {  	s7 =	simm.s32 @p0 $0x180;
	[sflag:s6] =	ssyncset.done @p0 $0x0  }
0x71: {  	s8 =	simm.s32 @p0 $0x3B00;
	[sflag:s6] =	ssyncadd.s32 @p0 $0xFFFFC800;
	s6 =	simm.s32 @p0 $0x70  }
0x72: {  	[spmem:s1] =	stream.indirect.scatter.add.f32 @p0 [tilespmem:s8], [sflag:$0x4], $0x80, s7, s6, $0xb8;
	[tilespmem:$0x1EB00] =	vst v63  }
0x73: {  	s6 =	simm.s32 @p0 $0x4  }
0x74: {  	_ =	swait.ge @p0 [sflag:s6], $0x3800  }
0x75: {  	s7 =	sadd.s32 @!p0 s28, s19;
	[sflag:s6] =	ssyncset.done @p0 $0x0  }
0x76: {  	s8 =	simm.s32 @!p0 $0x0;
	[sflag:s6] =	ssyncadd.s32 @p0 $0xFFFFC800;
	s6 =	sadd.s32 @!p0 $0x2A, s7  }
0x77: {  	[tilespmem:s8], [sflag:$0x4] =	stream.linear.gather @!p0 [hbm4b:s6+s8], $0x70, $0x38;
	[tilespmem:$0x1EB00] =	vst v63  }
0x78: {  	s6 =	simm.s32 @!p0 $0x4  }
0x79: {  	_ =	swait.ge @!p0 [sflag:s6], $0x70  }
0x7a: {  	s9 =	sadd.s32 @!p0 s28, s20;
	[sflag:s6] =	ssyncset.done @!p0 $0x0  }
0x7b: {  	s11 =	simm.s32 @!p0 $0x80;
	s10 =	sadd.s32 @!p0 $0x2A, s9;
	[sflag:s6] =	ssyncadd.s32 @!p0 $0xFFFFFF90  }
0x7c: {  	[tilespmem:s11], [sflag:$0x4] =	stream.linear.gather @!p0 [hbm4b:s10+s8], $0x70, $0x38;
	[tilespmem:$0x1EB00] =	vst v63  }
0x7d: {  	_ =	swait.ge @!p0 [sflag:s6], $0x70  }
0x7e: {  	[sflag:s6] =	ssyncset.done @!p0 $0x0  }
0x7f: {  	s10 =	simm.s32 @!p0 $0x70;
	s11 =	simm.s32 @!p0 $0x300;
	[sflag:s6] =	ssyncadd.s32 @!p0 $0xFFFFFF90  }
0x80: {  	[tilespmem:s11], [sflag:$0x1] =	stream.indirect.gather @!p0 [hbm4b:s4+s10], $0x80, s8, s10, $0xb8;
	[tilespmem:$0x1EB00] =	vst v63  }
0x81: {  	s11 =	simm.s32 @!p0 $0x2  }
0x82: {  	_ =	swait.ge @!p0 [sflag:s11], $0x3800  }
0x83: {  	[sflag:s11] =	ssyncset.done @!p0 $0x0  }
0x84: {  	s12 =	simm.s32 @!p0 $0x3B00;
	[sflag:s11] =	ssyncadd.s32 @!p0 $0xFFFFC800;
	s11 =	simm.s32 @!p0 $0x180  }
0x85: {  	[spmem:s1] =	stream.indirect.scatter.add.f32 @!p0 [tilespmem:s12], [sflag:$0x4], $0x80, s11, s10, $0xb8;
	[tilespmem:$0x1EB00] =	vst v63  }
0x86: {  	_ =	swait.ge @!p0 [sflag:s6], $0x3800  }
0x87: {  	[sflag:s6] =	ssyncset.done @!p0 $0x0  }
0x88: {  	s13 =	simm.s32 @!p0 $0x100;
	s7 =	sadd.s32 @!p0 $0x38, s7;
	[sflag:s6] =	ssyncadd.s32 @!p0 $0xFFFFC800  }
0x89: {  	[tilespmem:s13], [sflag:$0x4] =	stream.linear.gather @!p0 [hbm4b:s7+s8], $0x70, $0x38;
	[tilespmem:$0x1EB00] =	vst v63  }
0x8a: {  	_ =	swait.ge @!p0 [sflag:s6], $0x70  }
0x8b: {  	[sflag:s6] =	ssyncset.done @!p0 $0x0  }
0x8c: {  	s7 =	sadd.s32 @!p0 $0x38, s9;
	[sflag:s6] =	ssyncadd.s32 @!p0 $0xFFFFFF90  }
0x8d: {  	[tilespmem:s11], [sflag:$0x4] =	stream.linear.gather @!p0 [hbm4b:s7+s8], $0x70, $0x38;
	[tilespmem:$0x1EB00] =	vst v63  }
0x8e: {  	_ =	swait.ge @!p0 [sflag:s6], $0x70  }
0x8f: {  	[sflag:s6] =	ssyncset.done @!p0 $0x0  }
0x90: {  	[sflag:s6] =	ssyncadd.s32 @!p0 $0xFFFFFF90  }
0x91: {  	[tilespmem:s12], [sflag:$0x2] =	stream.indirect.gather @!p0 [hbm4b:s4+s10], $0x80, s13, s10, $0xb8;
	[tilespmem:$0x1EB00] =	vst v63  }
0x92: {  	_ =	swait.ge [sflag:s2], $0x3800  }
0x93: {  	[sflag:s2] =	ssyncset.done $0x0  }
.Ltmp3:
0x94: {  	[sflag:s2] =	ssyncadd.s32 $0xFFFFC800;
	(pc) =	sbr.rel @p0 .LBB2_6-.Ltmp3, $4  }
0x95: {  	[spmem:s1] =	stream.indirect.scatter.add.f32 [tilespmem:s31], [sflag:$0x4], $0x80, s30, s24, $0xb8;
	[tilespmem:$0x1EB00] =	vst v63  }
0x96: {  	_ =	swait.ge [sflag:s22], $0x3800  }
0x97: {  	[sflag:s22] =	ssyncset.done $0x0  }
0x98: {  	[sflag:s22] =	ssyncadd.s32 $0xFFFFC800  }
0x99: {  	s6 =	sadd.s32 s28, s19  }
0x9a: {  	s6 =	sadd.s32 $0x46, s6  }
0x9b: {  	[tilespmem:s29], [sflag:$0x4] =	stream.linear.gather [hbm4b:s6+s3], $0x70, $0x38;
	[tilespmem:$0x1EB00] =	vst v63  }
0x9c: {  	_ =	swait.ge [sflag:s22], $0x70  }
0x9d: {  	s13 =	sadd.s32 s28, s20;
	[sflag:s22] =	ssyncset.done $0x0  }
0x9e: {  	s6 =	sadd.s32 $0x46, s13;
	[sflag:s22] =	ssyncadd.s32 $0xFFFFFF90  }
0x9f: {  	[tilespmem:s30], [sflag:$0x4] =	stream.linear.gather [hbm4b:s6+s3], $0x70, $0x38;
	[tilespmem:$0x1EB00] =	vst v63  }
.Ltmp4:
0xa0: {  	_ = 	snop;
	(pc) =	sbr.rel .LBB2_4-.Ltmp4, $4  }
0xa1: {  	_ =	swait.ge [sflag:s22], $0x70  }
0xa2: {  	[sflag:s22] =	ssyncset.done $0x0  }
0xa3: {  	s28 =	sadd.s32 $0x2A, s28;
	[sflag:s22] =	ssyncadd.s32 $0xFFFFFF90  }
0xa4: {  	[tilespmem:s31], [sflag:$0x3] =	stream.indirect.gather [hbm4b:s4+s24], $0x80, s29, s24, $0xb8;
	[tilespmem:$0x1EB00] =	vst v63  }
.LBB2_7:
0xa5: {  	_ =	sfence.sel $0x180000  }
0xa6: {  	[bflag:$0x0] =	sbarrier.arrive $0xFFFF  }
0xa7: {  	_ =	strace $0x9000004D  }
0xa8: {  	s0 =	stileid.u32;
	[bflag:$0x2] =	sbarrier.arrive $0xFFFF  }
0xa9: {  	p0 =	sne.s32 s0, $0x0;
	s0 =	rddreg [dreg:$0x2]  }
0xaa: {  	s0 =	sadd.s32 @!p0 $0x100000, s0  }
0xab: {  	[sflag:s0] =	ssyncadd.tile.s32 @!p0 $0x1;
	_ =	shalt  }
.Lfunc_end2:
_tile_overlayer_lowered:
.L_overlay_start_2:
0xac: {  	(tag) =	ssettag $0x2  }
0xad: {  	s0 =	rddreg [dreg:$0x0];
	s2 =	stileid.u32  }
0xae: {  	s1 =	rddreg [dreg:$0x1];
	p0 =	sne.s32 s2, $0x0  }
0xaf: {  	s3 =	rddreg [dreg:$0x2];
	[bflag:$0x3] =	sbarrier.arrive $0xFFFF;
	s2 =	simm.s32 @!p0 $0x1C04  }
0xb0: {  	[timem:s3], [sflag:s2] =	dma.local @!p0 [hbm:s0], s1  }
0xb1: {  	s0 =	simm.s32 @!p0 $0x4  }
0xb2: {  	_ =	swait.ge @!p0 [sflag:s0], s1  }
0xb3: {  	s1 =	ssub.s32 @!p0 $0x0, s1;
	[sflag:s0] =	ssyncset.done @!p0 $0x0  }
0xb4: {  	[sflag:s0] =	ssyncadd.s32 @!p0 s1  }
0xb5: {  	[bflag:$0x3] =	sbarrier.arrive $0xFFFF  }
0xb6: {  	_ =	shalt  }

// kernel: kernel.18.cloned.1.call-start
scs
__scs_entry_jumppad:
0x0: {  	(pc) =	sbr.rel $0x88, $3  }
0x1: {  	(tag) =	ssettag $0x0;
	lr =	simm.s32 $0x1  }
0x2: {  	[smem:$0x3F9A] =	sst lr;
	_ =	strace $0xD0000000  }
0x3: {  	_ = 	snop  }
0x4: {  	_ = 	snop  }
0x5: {  	_ = 	snop  }
0x6: {  	_ = 	snop  }
0x7: {  	_ = 	snop  }
__scs_overlays_trampoline_lowered:
0x8: {  	[smem:$0x3FA9] =	sst s0  }
0x9: {  	[smem:$0x3FAA] =	sst s1  }
0xa: {  	[smem:$0x3FAB] =	sst s2  }
0xb: {  	[smem:$0x3FAC] =	sst s3  }
0xc: {  	[smem:$0x3FAD] =	sst s4  }
0xd: {  	[smem:$0x3FAE] =	sst s5  }
0xe: {  	[smem:$0x3FAF] =	sst s6  }
0xf: {  	[smem:$0x3FB0] =	sst s7  }
0x10: {  	[smem:$0x3FB1] =	sst s8  }
0x11: {  	[smem:$0x3FB2] =	sst s9;
	s0 =	simm.s32 @!p0 $0x0  }
0x12: {  	s1 =	sld [smem:$0x3F98];
	s0 =	simm.s32 @p0 $0x1  }
0x13: {  	[smem:$0x3FB3] =	sst s0;
	s0 =	simm.s32 @!p1 $0x0  }
0x14: {  	s2 =	sld [smem:$0x3F97];
	s0 =	simm.s32 @p1 $0x1  }
0x15: {  	[smem:$0x3FB4] =	sst s0;
	s0 =	simm.s32 @!p2 $0x0  }
0x16: {  	s3 =	sld [smem:$0x3FDB];
	s0 =	simm.s32 @p2 $0x1  }
0x17: {  	s4 =	simm.s32 $0x1BF5;
	[smem:$0x3FB6] =	sst s0  }
0x18: {  	s0 =	sld [smem:$0x3F99];
	_ =	swait.ge [sflag:s4], $0x0  }
0x19: {  	s7 =	sld [smem:$0x3F9A]  }
0x1a: {  	s8 =	sadd.s32 $0xFFFFE003, lr  }
0x1b: {  	s9 =	sadd.s32 $0xFFFFFEF7, lr;
	s5 =	simm.s32 $0xFFFFFFFF;
	p2 =	slt.u32 s8, $0xFFFFF086  }
0x1c: {  	p1 =	slt.u32 s9, $0xF7A;
	s5 =	simm.s32 @!p2 $0x0  }
0x1d: {  	s5 =	simm.s32 @p1 $0x1;
	p0 =	seq.s32 s7, s2  }
0x1e: {  	s7 =	smul.u32 @!p0 $0xF7A, s2;
	p2 =	seq.s32 @!p0 s5, $0x0  }
0x1f: {  	s9 =	smul.u32 $0xF7A, s1;
	s8 =	simm.s32 @!p0 $0x1BF5;
	p2 =	por !p2, p0  }
0x20: {  	[sflag:s8] =	ssyncset.s32 @!p0 $0xFFFFF086;
	s6 =	sadd.s32 @!p0 s3, s7;
	s7 =	simm.s32 @!p0 $0x108  }
0x21: {  	s3 =	sadd.s32 s3, s9;
	s6 =	sadd.s32 @!p0 $0x88, s6;
	s7 =	simm.s32 @p2 $0x1082  }
0x22: {  	[simem:s7], [sflag:s8] =	dma.local @!p0 [hbm:s6], $0xF7A  }
0x23: {  	s9 =	sor.u32 $0xD0000000, s2;
	s6 =	simm.s32 $0x108;
	_ =	swait.ge @!p0 [sflag:s8], $0x0  }
0x24: {  	s3 =	sadd.s32 $0x88, s3;
	s6 =	simm.s32 @!p1 $0x1082;
	[sflag:s4] =	ssyncset.s32 $0xFFFFF086  }
0x25: {  	[simem:s6], [sflag:s4] =	dma.local [hbm:s3], $0xF7A  }
0x26: {  	[smem:$0x3F9A] =	sst s1;
	(tag) =	ssettag s2;
	_ =	strace s9  }
0x27: {  	s1 =	sld [smem:$0x3FAA]  }
0x28: {  	s2 =	sld [smem:$0x3FAB]  }
0x29: {  	s4 =	sld [smem:$0x3FAD]  }
0x2a: {  	p0 =	seq.s32 s5, $0x0;
	s5 =	sld [smem:$0x3FAE]  }
0x2b: {  	s6 =	sld [smem:$0x3FAF]  }
0x2c: {  	s7 =	sld [smem:$0x3FB0]  }
0x2d: {  	s3 =	simm.s32 $0x108;
	s8 =	sld [smem:$0x3FB1]  }
0x2e: {  	s3 =	simm.s32 @!p0 $0x1082;
	s9 =	sld [smem:$0x3FB2]  }
0x2f: {  	lr =	sadd.s32 s0, s3;
	s0 =	sld [smem:$0x3FA9]  }
0x30: {  	s3 =	sld [smem:$0x3FAC]  }
0x31: {  	[smem:$0x3FB5] =	sst s10  }
0x32: {  	s10 =	sld [smem:$0x3FB3];
	_ =	sdelay $0x3  }
0x33: {  	p0 =	seq.s32 s10, $0x1;
	s10 =	sld [smem:$0x3FB5];
	_ =	sdelay $0x3  }
0x34: {  	[smem:$0x3FB5] =	sst s10  }
0x35: {  	s10 =	sld [smem:$0x3FB4];
	_ =	sdelay $0x3  }
0x36: {  	p1 =	seq.s32 s10, $0x1;
	s10 =	sld [smem:$0x3FB5];
	_ =	sdelay $0x3  }
0x37: {  	[smem:$0x3FB5] =	sst s10  }
0x38: {  	s10 =	sld [smem:$0x3FB6]  }
0x39: {  	_ = 	snop;
	(pc) =	sbr.ind lr, $3  }
0x3a: {  	_ = 	snop  }
0x3b: {  	_ = 	snop  }
0x3c: {  	p2 =	seq.s32 s10, $0x1;
	s10 =	sld [smem:$0x3FB5]  }
0x3d: {  	_ =	shalt  }
0x3e: {  	_ =	shalt  }
0x3f: {  	_ =	shalt  }
0x40: {  	_ =	shalt  }
0x41: {  	_ =	shalt  }
0x42: {  	_ =	shalt  }
0x43: {  	_ =	shalt  }
0x44: {  	_ =	shalt  }
0x45: {  	_ =	shalt  }
0x46: {  	_ =	shalt  }
0x47: {  	_ =	shalt  }
0x48: {  	_ =	shalt  }
0x49: {  	_ =	shalt  }
0x4a: {  	_ =	shalt  }
0x4b: {  	_ =	shalt  }
0x4c: {  	_ =	shalt  }
0x4d: {  	_ =	shalt  }
0x4e: {  	_ =	shalt  }
0x4f: {  	_ =	shalt  }
0x50: {  	_ =	shalt  }
0x51: {  	_ =	shalt  }
0x52: {  	_ =	shalt  }
0x53: {  	_ =	shalt  }
0x54: {  	_ =	shalt  }
0x55: {  	_ =	shalt  }
0x56: {  	_ =	shalt  }
0x57: {  	_ =	shalt  }
0x58: {  	_ =	shalt  }
0x59: {  	_ =	shalt  }
0x5a: {  	_ =	shalt  }
0x5b: {  	_ =	shalt  }
0x5c: {  	_ =	shalt  }
0x5d: {  	_ =	shalt  }
0x5e: {  	_ =	shalt  }
0x5f: {  	_ =	shalt  }
0x60: {  	_ =	shalt  }
0x61: {  	_ =	shalt  }
0x62: {  	_ =	shalt  }
0x63: {  	_ =	shalt  }
0x64: {  	_ =	shalt  }
0x65: {  	_ =	shalt  }
0x66: {  	_ =	shalt  }
0x67: {  	_ =	shalt  }
0x68: {  	_ =	shalt  }
0x69: {  	_ =	shalt  }
0x6a: {  	_ =	shalt  }
0x6b: {  	_ =	shalt  }
0x6c: {  	_ =	shalt  }
0x6d: {  	_ =	shalt  }
0x6e: {  	_ =	shalt  }
0x6f: {  	_ =	shalt  }
0x70: {  	_ =	shalt  }
0x71: {  	_ =	shalt  }
0x72: {  	_ =	shalt  }
0x73: {  	_ =	shalt  }
0x74: {  	_ =	shalt  }
0x75: {  	_ =	shalt  }
0x76: {  	_ =	shalt  }
0x77: {  	_ =	shalt  }
0x78: {  	_ =	shalt  }
0x79: {  	_ =	shalt  }
0x7a: {  	_ =	shalt  }
0x7b: {  	_ =	shalt  }
0x7c: {  	_ =	shalt  }
0x7d: {  	_ =	shalt  }
0x7e: {  	_ =	shalt  }
0x7f: {  	_ =	shalt  }
0x80: {  	_ =	shalt  }
0x81: {  	_ =	shalt  }
0x82: {  	_ =	shalt  }
0x83: {  	_ =	shalt  }
0x84: {  	_ =	shalt  }
0x85: {  	_ =	shalt  }
0x86: {  	_ =	shalt  }
0x87: {  	_ =	shalt  }
.Lfunc_end0:
.L_simem_size_0:
called_computation.3_lowered:
.L_overlay_start_0:
0x88: {  	s2 =	sld [smem:$0x3FD9]  }
0x89: {  	s3 =	sld [smem:$0x3FFE];
	_ =	sdelay $0x1  }
0x8a: {  	s1 =	srdreg.scid  }
0x8b: {  	s0 =	sand.u32 $0x1, s1  }
0x8c: {  	s17 =	sshll.u32 s0, $0xA;
	s2 =	sadd.s32 s3, s2  }
0x8d: {  	s2 =	sadd.s32 s2, s17  }
0x8e: {  	[smem:$0x3FC1] =	sst s2  }
0x8f: {  	_ = 	snop  }
0x90: {  	s2 =	sld [smem:$0x3FD0];
	(tm) =	ssettm $0x1  }
0x91: {  	s18 =	sld [smem:$0x3FFB];
	_ =	sdelay $0x3  }
0x92: {  	_ =	strace s18  }
0x93: {  	s3 =	sld [smem:$0x3FFC];
	_ =	sdelay $0x3  }
0x94: {  	_ =	strace s3  }
0x95: {  	s3 =	sld [smem:$0x3FFD];
	_ =	sdelay $0x3  }
0x96: {  	_ =	strace s3  }
0x97: {  	_ =	strace $0x8FFFFFFF  }
0x98: {  	s19 =	sld [smem:$0x3FDB];
	_ =	sdelay $0x1  }
0x99: {  	s4 =	simm.s32 $_scs_section_size  }
0x9a: {  	s5 =	simm.s32 $_size__tile_overlayer_lowered;
	s6 =	simm.s32 $_tile_overlayer_lowered  }
0x9b: {  	s22 =	simm.s32 $0x1BFF;
	s21 =	sshll.u32 s6, $0x1;
	s3 =	sadd.s32 s4, s19  }
0x9c: {  	s7 =	simm.s32 $0x0;
	s20 =	sshll.u32 s5, $0x1;
	s5 =	sadd.s32 s21, s3  }
0x9d: {  	[timem:s7], [sflag:s22] =	dma.local [hbm:s5], s20  }
0x9e: {  	_ =	swait.ge [sflag:s22], s20  }
0x9f: {  	s4 =	ssub.s32 $0x0, s20;
	[sflag:s22] =	ssyncset.done $0x0  }
0xa0: {  	[sflag:s22] =	ssyncadd.s32 s4;
	_ =	sdelay $0x1  }
0xa1: {  	s23 =	simm.s32 $0x1B8B  }
0xa2: {  	_ =	swait.ge [sflag:s23], $0x1  }
0xa3: {  	[sflag:s23] =	ssyncset.done $0x0  }
0xa4: {  	s25 =	simm.s32 $0x1B8E;
	s24 =	sld [smem:$0x3FFE];
	[sflag:s23] =	ssyncadd.s32 $0xFFFFFFFF  }
0xa5: {  	s26 =	simm.s32 $execute0_lowered;
	[smem:$0x3FD2] =	sst s25  }
0xa6: {  	s5 =	sshll.u32 s26, $0x1;
	_ =	strace $0x8000004F;
	[dreg:$0x1] =	wrdreg $0xFFFFFFFF  }
0xa7: {  	s28 =	simm.s32 $_size_execute0_lowered;
	s3 =	sadd.s32 s3, s5;
	[dreg:$0x0] =	wrdreg $0x0  }
0xa8: {  	s5 =	sshll.u32 s28, $0x1;
	[dreg:$0x2] =	wrdreg s3  }
0xa9: {  	[dreg:$0x3] =	wrdreg s5  }
0xaa: {  	[dreg:$0x4] =	wrdreg $0xC0  }
0xab: {  	_ =	task [dreg:s7], $0x5FFFF  }
0xac: {  	[dreg:$0x1] =	wrdreg $0xFFFFFFFF  }
0xad: {  	[dreg:$0x0] =	wrdreg $0x60  }
0xae: {  	[dreg:$0x2] =	wrdreg s24  }
0xaf: {  	[dreg:$0x3] =	wrdreg s2  }
0xb0: {  	[dreg:$0x4] =	wrdreg $0x9  }
0xb1: {  	_ =	task.clear_ibuf [dreg:s7], $0x5FFFF;
	_ =	strace $0x9000004F  }
0xb2: {  	s29 =	simm.s32 $0x9;
	_ =	strace $0x80000051  }
0xb3: {  	_ =	swait.ge [sflag:s29], $0x1  }
0xb4: {  	[sflag:s29] =	ssyncadd.s32 $0xFFFFFFFF  }
0xb5: {  	_ =	strace $0x90000051  }
0xb6: {  	_ =	sfence  }
0xb7: {  	s30 =	sld [smem:$0x0];
	_ =	sdelay $0x2  }
0xb8: {  	s31 =	sshll.u32 s1, $0xD;
	s1 =	sshrl.u32 s1, $0x2  }
0xb9: {  	s3 =	sand.u32 $0x4000, s31;
	s1 =	sadd.s32 s1, s30  }
0xba: {  	s0 =	sor.u32 s3, s0;
	s1 =	sshll.u32 s1, $0x11  }
0xbb: {  	s0 =	sor.u32 s1, s0  }
0xbc: {  	s0 =	sadd.s32 $0x8F2B, s0  }
0xbd: {  	[sflag:s0] =	ssyncadd.remote.s32 $0x1  }
0xbe: {  	_ =	sfence.sel $0xFFFF  }
0xbf: {  	[dreg:$0x0] =	wrdreg $0xFFFFFFFF;
	(pc) =	sbr.abs _section_cstart, $3  }
0xc0: {  	[dreg:$0x1] =	wrdreg $0xFFFFFFFF  }
0xc1: {  	_ =	task.clear_ibuf [dreg:s7], $0x2FFFF;
	_ =	strace $0x9FFFFFFF  }
0xc2: {  	(tm) =	ssettm $0x7FFFFFFF  }
0xc3: {  	_ =	shalt  }
tec
execute0_lowered:
.L_overlay_start_1:
0x0: {  	(tag) =	ssettag $0x1  }
0x1: {  	s1 =	srdreg.scid  }
0x2: {  	s0 =	stileid.u32;
	s11 =	sand.u32 $0x1, s1  }
0x3: {  	s12 =	rddreg [dreg:$0x0];
	s30 =	sshll.u32 s0, $0x8;
	s2 =	sshll.u32 s11, $0x7  }
0x4: {  	s5 =	rddreg [dreg:$0x1];
	s13 =	sor.u32 s2, s30  }
0x5: {  	s1 =	rddreg [dreg:$0x2];
	s2 =	simm.s32 $0x0;
	s6 =	sshrl.u32 s13, $0x3  }
0x6: {  	[smem:$0x7FF] =	sst s2;
	s3 =	sadd.s32 s6, s12  }
0x7: {  	_ =	strace $0x80000050;
	s4 =	sadd.s32 $0x8E000, s3;
	s3 =	simm.s32 $0x2  }
0x8: {  	[tilespmem:s2], [sflag:$0x2] =	stream.linear.gather [hbm4b:s4+s2], $0x80, $0x38;
	[tilespmem:$0x8100] =	vst v63  }
0x9: {  	_ =	swait.ge [sflag:s3], $0x80  }
0xa: {  	[sflag:s3] =	ssyncset.done $0x0  }
0xb: {  	s5 =	sadd.s32 s5, s6;
	s6 =	simm.s32 $0x80;
	[sflag:s3] =	ssyncadd.s32 $0xFFFFFF80  }
0xc: {  	[tilespmem:s6], [sflag:$0x2] =	stream.linear.gather [hbm4b:s5+s2], $0x80, $0x38;
	[tilespmem:$0x8100] =	vst v63  }
0xd: {  	_ =	swait.ge [sflag:s3], $0x80  }
0xe: {  	s8 =	simm.s32 $0x100;
	[sflag:s3] =	ssyncset.done $0x0  }
0xf: {  	s9 =	simm.s32 $0x1;
	s7 =	sadd.s32 $0x2400, s12;
	[sflag:s3] =	ssyncadd.s32 $0xFFFFFF80  }
0x10: {  	[tilespmem:s8], [sflag:$0x1] =	stream.indirect.gather [hbm4b:s7+s6], $0x80, s2, s6, $0xb8;
	[tilespmem:$0x8100] =	vst v63  }
0x11: {  	_ =	swait.ge [sflag:s9], $0x4000  }
0x12: {  	[sflag:s9] =	ssyncset.done $0x0  }
0x13: {  	s10 =	simm.s32 $0x4100;
	s31 =	ssub.s32 $0x2, s11;
	[sflag:s9] =	ssyncadd.s32 $0xFFFFC000  }
0x14: {  	[tilespmem:s10], [sflag:$0x1] =	stream.indirect.gather [hbm4b:s7+s6], $0x80, s6, s6, $0xb8;
	[tilespmem:$0x8100] =	vst v63  }
0x15: {  	s14 =	sshrl.u32 s31, $0x1;
	s13 =	sshll.u32 s13, $0x4;
	_ =	swait.ge [sflag:s9], $0x4000  }
0x16: {  	s12 =	sadd.s32 s13, s12;
	s13 =	ssub.s32 s31, s14;
	[sflag:s9] =	ssyncset.done $0x0  }
0x17: {  	s11 =	sadd.s32 $0x2A400, s12;
	s13 =	smax.u32 s13, $0x1;
	[sflag:s9] =	ssyncadd.s32 $0xFFFFC000  }
0x18: {  	[hbm4b:s11+s2] =	stream.linear.scatter [tilespmem:s8], [sflag:$0x2], $0x4000, $0x38;
	[tilespmem:$0x8100] =	vst v63  }
0x19: {  	p0 =	sne.s32 s13, $0x1;
	_ =	swait.ge [sflag:s3], $0x4000  }
.Ltmp0:
0x1a: {  	[sflag:s3] =	ssyncset.done $0x0;
	(pc) =	sbr.rel @!p0 .LBB2_2-.Ltmp0, $4  }
0x1b: {  	s12 =	sadd.s32 $0x3A400, s12;
	[sflag:s3] =	ssyncadd.s32 $0xFFFFC000  }
0x1c: {  	[hbm4b:s12+s2] =	stream.linear.scatter [tilespmem:s10], [sflag:$0x2], $0x4000, $0x38;
	[tilespmem:$0x8100] =	vst v63  }
0x1d: {  	_ =	swait.ge [sflag:s3], $0x4000  }
0x1e: {  	s13 =	sadd.s32 $0xFFFFFFFF, s13;
	[sflag:s3] =	ssyncset.done $0x0  }
.LBB2_1:
0x1f: {  	p0 =	sne.s32 s13, $0x1;
	s13 =	sadd.s32 $0xFFFFFFFF, s13;
	[sflag:s3] =	ssyncadd.s32 $0xFFFFC000  }
0x20: {  	[tilespmem:s2], [sflag:$0x2] =	stream.linear.gather [hbm4b:s4+s2], $0x80, $0x38;
	[tilespmem:$0x8100] =	vst v63  }
0x21: {  	_ =	swait.ge [sflag:s3], $0x80  }
0x22: {  	[sflag:s3] =	ssyncset.done $0x0  }
0x23: {  	[sflag:s3] =	ssyncadd.s32 $0xFFFFFF80  }
0x24: {  	[tilespmem:s6], [sflag:$0x2] =	stream.linear.gather [hbm4b:s5+s2], $0x80, $0x38;
	[tilespmem:$0x8100] =	vst v63  }
0x25: {  	_ =	swait.ge [sflag:s3], $0x80  }
0x26: {  	[sflag:s3] =	ssyncset.done $0x0  }
0x27: {  	[sflag:s3] =	ssyncadd.s32 $0xFFFFFF80  }
0x28: {  	[tilespmem:s8], [sflag:$0x1] =	stream.indirect.gather [hbm4b:s7+s6], $0x80, s2, s6, $0xb8;
	[tilespmem:$0x8100] =	vst v63  }
0x29: {  	_ =	swait.ge [sflag:s9], $0x4000  }
0x2a: {  	[sflag:s9] =	ssyncset.done $0x0  }
0x2b: {  	[sflag:s9] =	ssyncadd.s32 $0xFFFFC000  }
0x2c: {  	[tilespmem:s10], [sflag:$0x1] =	stream.indirect.gather [hbm4b:s7+s6], $0x80, s6, s6, $0xb8;
	[tilespmem:$0x8100] =	vst v63  }
0x2d: {  	_ =	swait.ge [sflag:s9], $0x4000  }
0x2e: {  	[sflag:s9] =	ssyncset.done $0x0  }
0x2f: {  	[sflag:s9] =	ssyncadd.s32 $0xFFFFC000  }
0x30: {  	[hbm4b:s11+s2] =	stream.linear.scatter [tilespmem:s8], [sflag:$0x2], $0x4000, $0x38;
	[tilespmem:$0x8100] =	vst v63  }
0x31: {  	_ =	swait.ge [sflag:s3], $0x4000  }
.Ltmp1:
0x32: {  	[sflag:s3] =	ssyncset.done $0x0;
	(pc) =	sbr.rel @p0 .LBB2_1-.Ltmp1, $4  }
0x33: {  	[sflag:s3] =	ssyncadd.s32 $0xFFFFC000  }
0x34: {  	[hbm4b:s12+s2] =	stream.linear.scatter [tilespmem:s10], [sflag:$0x2], $0x4000, $0x38;
	[tilespmem:$0x8100] =	vst v63  }
0x35: {  	_ =	swait.ge [sflag:s3], $0x4000  }
0x36: {  	[sflag:s3] =	ssyncset.done $0x0  }
.LBB2_2:
0x37: {  	[sflag:s3] =	ssyncadd.s32 $0xFFFFC000  }
0x38: {  	_ =	sfence.sel $0x180000  }
0x39: {  	[bflag:$0x0] =	sbarrier.arrive $0xFFFF  }
0x3a: {  	p0 =	sne.s32 s0, $0x0;
	_ =	strace $0x90000050  }
0x3b: {  	s0 =	sadd.s32 @!p0 $0x100000, s1;
	[bflag:$0x2] =	sbarrier.arrive $0xFFFF  }
0x3c: {  	[sflag:s0] =	ssyncadd.tile.s32 @!p0 $0x1;
	_ =	shalt  }
.Lfunc_end2:
_tile_overlayer_lowered:
.L_overlay_start_2:
0x3d: {  	(tag) =	ssettag $0x2  }
0x3e: {  	s0 =	rddreg [dreg:$0x0];
	s2 =	stileid.u32  }
0x3f: {  	s1 =	rddreg [dreg:$0x1];
	p0 =	sne.s32 s2, $0x0  }
0x40: {  	s3 =	rddreg [dreg:$0x2];
	[bflag:$0x3] =	sbarrier.arrive $0xFFFF;
	s2 =	simm.s32 @!p0 $0x1C02  }
0x41: {  	[timem:s3], [sflag:s2] =	dma.local @!p0 [hbm:s0], s1  }
0x42: {  	s0 =	simm.s32 @!p0 $0x2  }
0x43: {  	_ =	swait.ge @!p0 [sflag:s0], s1  }
0x44: {  	s1 =	ssub.s32 @!p0 $0x0, s1;
	[sflag:s0] =	ssyncset.done @!p0 $0x0  }
0x45: {  	[sflag:s0] =	ssyncadd.s32 @!p0 s1  }
0x46: {  	[bflag:$0x3] =	sbarrier.arrive $0xFFFF  }
0x47: {  	_ =	shalt  }

// kernel: kernel.9.cloned.1.call-start
scs
__scs_entry_jumppad:
0x0: {  	(pc) =	sbr.rel $0x88, $3  }
0x1: {  	(tag) =	ssettag $0x0;
	lr =	simm.s32 $0x1  }
0x2: {  	[smem:$0x3F9A] =	sst lr;
	_ =	strace $0xD0000000  }
0x3: {  	_ = 	snop  }
0x4: {  	_ = 	snop  }
0x5: {  	_ = 	snop  }
0x6: {  	_ = 	snop  }
0x7: {  	_ = 	snop  }
__scs_overlays_trampoline_lowered:
0x8: {  	[smem:$0x3FA9] =	sst s0  }
0x9: {  	[smem:$0x3FAA] =	sst s1  }
0xa: {  	[smem:$0x3FAB] =	sst s2  }
0xb: {  	[smem:$0x3FAC] =	sst s3  }
0xc: {  	[smem:$0x3FAD] =	sst s4  }
0xd: {  	[smem:$0x3FAE] =	sst s5  }
0xe: {  	[smem:$0x3FAF] =	sst s6  }
0xf: {  	[smem:$0x3FB0] =	sst s7  }
0x10: {  	[smem:$0x3FB1] =	sst s8  }
0x11: {  	[smem:$0x3FB2] =	sst s9;
	s0 =	simm.s32 @!p0 $0x0  }
0x12: {  	s1 =	sld [smem:$0x3F98];
	s0 =	simm.s32 @p0 $0x1  }
0x13: {  	[smem:$0x3FB3] =	sst s0;
	s0 =	simm.s32 @!p1 $0x0  }
0x14: {  	s2 =	sld [smem:$0x3F97];
	s0 =	simm.s32 @p1 $0x1  }
0x15: {  	[smem:$0x3FB4] =	sst s0;
	s0 =	simm.s32 @!p2 $0x0  }
0x16: {  	s3 =	sld [smem:$0x3FDB];
	s0 =	simm.s32 @p2 $0x1  }
0x17: {  	s4 =	simm.s32 $0x1BF5;
	[smem:$0x3FB6] =	sst s0  }
0x18: {  	s0 =	sld [smem:$0x3F99];
	_ =	swait.ge [sflag:s4], $0x0  }
0x19: {  	s7 =	sld [smem:$0x3F9A]  }
0x1a: {  	s8 =	sadd.s32 $0xFFFFE003, lr  }
0x1b: {  	s9 =	sadd.s32 $0xFFFFFEF7, lr;
	s5 =	simm.s32 $0xFFFFFFFF;
	p2 =	slt.u32 s8, $0xFFFFF086  }
0x1c: {  	p1 =	slt.u32 s9, $0xF7A;
	s5 =	simm.s32 @!p2 $0x0  }
0x1d: {  	s5 =	simm.s32 @p1 $0x1;
	p0 =	seq.s32 s7, s2  }
0x1e: {  	s7 =	smul.u32 @!p0 $0xF7A, s2;
	p2 =	seq.s32 @!p0 s5, $0x0  }
0x1f: {  	s9 =	smul.u32 $0xF7A, s1;
	s8 =	simm.s32 @!p0 $0x1BF5;
	p2 =	por !p2, p0  }
0x20: {  	[sflag:s8] =	ssyncset.s32 @!p0 $0xFFFFF086;
	s6 =	sadd.s32 @!p0 s3, s7;
	s7 =	simm.s32 @!p0 $0x108  }
0x21: {  	s3 =	sadd.s32 s3, s9;
	s6 =	sadd.s32 @!p0 $0x88, s6;
	s7 =	simm.s32 @p2 $0x1082  }
0x22: {  	[simem:s7], [sflag:s8] =	dma.local @!p0 [hbm:s6], $0xF7A  }
0x23: {  	s9 =	sor.u32 $0xD0000000, s2;
	s6 =	simm.s32 $0x108;
	_ =	swait.ge @!p0 [sflag:s8], $0x0  }
0x24: {  	s3 =	sadd.s32 $0x88, s3;
	s6 =	simm.s32 @!p1 $0x1082;
	[sflag:s4] =	ssyncset.s32 $0xFFFFF086  }
0x25: {  	[simem:s6], [sflag:s4] =	dma.local [hbm:s3], $0xF7A  }
0x26: {  	[smem:$0x3F9A] =	sst s1;
	(tag) =	ssettag s2;
	_ =	strace s9  }
0x27: {  	s1 =	sld [smem:$0x3FAA]  }
0x28: {  	s2 =	sld [smem:$0x3FAB]  }
0x29: {  	s4 =	sld [smem:$0x3FAD]  }
0x2a: {  	p0 =	seq.s32 s5, $0x0;
	s5 =	sld [smem:$0x3FAE]  }
0x2b: {  	s6 =	sld [smem:$0x3FAF]  }
0x2c: {  	s7 =	sld [smem:$0x3FB0]  }
0x2d: {  	s3 =	simm.s32 $0x108;
	s8 =	sld [smem:$0x3FB1]  }
0x2e: {  	s3 =	simm.s32 @!p0 $0x1082;
	s9 =	sld [smem:$0x3FB2]  }
0x2f: {  	lr =	sadd.s32 s0, s3;
	s0 =	sld [smem:$0x3FA9]  }
0x30: {  	s3 =	sld [smem:$0x3FAC]  }
0x31: {  	[smem:$0x3FB5] =	sst s10  }
0x32: {  	s10 =	sld [smem:$0x3FB3];
	_ =	sdelay $0x3  }
0x33: {  	p0 =	seq.s32 s10, $0x1;
	s10 =	sld [smem:$0x3FB5];
	_ =	sdelay $0x3  }
0x34: {  	[smem:$0x3FB5] =	sst s10  }
0x35: {  	s10 =	sld [smem:$0x3FB4];
	_ =	sdelay $0x3  }
0x36: {  	p1 =	seq.s32 s10, $0x1;
	s10 =	sld [smem:$0x3FB5];
	_ =	sdelay $0x3  }
0x37: {  	[smem:$0x3FB5] =	sst s10  }
0x38: {  	s10 =	sld [smem:$0x3FB6]  }
0x39: {  	_ = 	snop;
	(pc) =	sbr.ind lr, $3  }
0x3a: {  	_ = 	snop  }
0x3b: {  	_ = 	snop  }
0x3c: {  	p2 =	seq.s32 s10, $0x1;
	s10 =	sld [smem:$0x3FB5]  }
0x3d: {  	_ =	shalt  }
0x3e: {  	_ =	shalt  }
0x3f: {  	_ =	shalt  }
0x40: {  	_ =	shalt  }
0x41: {  	_ =	shalt  }
0x42: {  	_ =	shalt  }
0x43: {  	_ =	shalt  }
0x44: {  	_ =	shalt  }
0x45: {  	_ =	shalt  }
0x46: {  	_ =	shalt  }
0x47: {  	_ =	shalt  }
0x48: {  	_ =	shalt  }
0x49: {  	_ =	shalt  }
0x4a: {  	_ =	shalt  }
0x4b: {  	_ =	shalt  }
0x4c: {  	_ =	shalt  }
0x4d: {  	_ =	shalt  }
0x4e: {  	_ =	shalt  }
0x4f: {  	_ =	shalt  }
0x50: {  	_ =	shalt  }
0x51: {  	_ =	shalt  }
0x52: {  	_ =	shalt  }
0x53: {  	_ =	shalt  }
0x54: {  	_ =	shalt  }
0x55: {  	_ =	shalt  }
0x56: {  	_ =	shalt  }
0x57: {  	_ =	shalt  }
0x58: {  	_ =	shalt  }
0x59: {  	_ =	shalt  }
0x5a: {  	_ =	shalt  }
0x5b: {  	_ =	shalt  }
0x5c: {  	_ =	shalt  }
0x5d: {  	_ =	shalt  }
0x5e: {  	_ =	shalt  }
0x5f: {  	_ =	shalt  }
0x60: {  	_ =	shalt  }
0x61: {  	_ =	shalt  }
0x62: {  	_ =	shalt  }
0x63: {  	_ =	shalt  }
0x64: {  	_ =	shalt  }
0x65: {  	_ =	shalt  }
0x66: {  	_ =	shalt  }
0x67: {  	_ =	shalt  }
0x68: {  	_ =	shalt  }
0x69: {  	_ =	shalt  }
0x6a: {  	_ =	shalt  }
0x6b: {  	_ =	shalt  }
0x6c: {  	_ =	shalt  }
0x6d: {  	_ =	shalt  }
0x6e: {  	_ =	shalt  }
0x6f: {  	_ =	shalt  }
0x70: {  	_ =	shalt  }
0x71: {  	_ =	shalt  }
0x72: {  	_ =	shalt  }
0x73: {  	_ =	shalt  }
0x74: {  	_ =	shalt  }
0x75: {  	_ =	shalt  }
0x76: {  	_ =	shalt  }
0x77: {  	_ =	shalt  }
0x78: {  	_ =	shalt  }
0x79: {  	_ =	shalt  }
0x7a: {  	_ =	shalt  }
0x7b: {  	_ =	shalt  }
0x7c: {  	_ =	shalt  }
0x7d: {  	_ =	shalt  }
0x7e: {  	_ =	shalt  }
0x7f: {  	_ =	shalt  }
0x80: {  	_ =	shalt  }
0x81: {  	_ =	shalt  }
0x82: {  	_ =	shalt  }
0x83: {  	_ =	shalt  }
0x84: {  	_ =	shalt  }
0x85: {  	_ =	shalt  }
0x86: {  	_ =	shalt  }
0x87: {  	_ =	shalt  }
.Lfunc_end0:
.L_simem_size_0:
called_computation_lowered:
.L_overlay_start_0:
0x88: {  	s2 =	sld [smem:$0x3FD9]  }
0x89: {  	s3 =	sld [smem:$0x3FFE];
	_ =	sdelay $0x1  }
0x8a: {  	s1 =	srdreg.scid  }
0x8b: {  	s0 =	sand.u32 $0x1, s1  }
0x8c: {  	s17 =	sshll.u32 s0, $0xA;
	s2 =	sadd.s32 s3, s2  }
0x8d: {  	s2 =	sadd.s32 s2, s17  }
0x8e: {  	[smem:$0x3FC1] =	sst s2  }
0x8f: {  	_ = 	snop  }
0x90: {  	(tm) =	ssettm $0x1  }
0x91: {  	s18 =	sld [smem:$0x3FFB];
	_ =	sdelay $0x3  }
0x92: {  	_ =	strace s18  }
0x93: {  	s2 =	sld [smem:$0x3FFC];
	_ =	sdelay $0x3  }
0x94: {  	_ =	strace s2  }
0x95: {  	s2 =	sld [smem:$0x3FFD];
	_ =	sdelay $0x3  }
0x96: {  	_ =	strace s2  }
0x97: {  	_ =	strace $0x8FFFFFFF  }
0x98: {  	s19 =	sld [smem:$0x3FDB];
	_ =	sdelay $0x1  }
0x99: {  	s20 =	simm.s32 $_scs_section_size  }
0x9a: {  	s4 =	simm.s32 $_size__tile_overlayer_lowered;
	s5 =	simm.s32 $_tile_overlayer_lowered  }
0x9b: {  	s6 =	simm.s32 $0x1BFF;
	s21 =	sshll.u32 s5, $0x1;
	s3 =	sadd.s32 s20, s19  }
0x9c: {  	s22 =	simm.s32 $0x0;
	s4 =	sshll.u32 s4, $0x1;
	s5 =	sadd.s32 s21, s3  }
0x9d: {  	[timem:s22], [sflag:s6] =	dma.local [hbm:s5], s4  }
0x9e: {  	_ =	swait.ge [sflag:s6], s4  }
0x9f: {  	s4 =	ssub.s32 $0x0, s4;
	[sflag:s6] =	ssyncset.done $0x0  }
0xa0: {  	[sflag:s6] =	ssyncadd.s32 s4;
	_ =	sdelay $0x1  }
0xa1: {  	s23 =	simm.s32 $0x1B8B  }
0xa2: {  	_ =	swait.ge [sflag:s23], $0x1  }
0xa3: {  	[sflag:s23] =	ssyncset.done $0x0  }
0xa4: {  	[sflag:s23] =	ssyncadd.s32 $0xFFFFFFFF  }
0xa5: {  	s4 =	sld [smem:$0x0]  }
0xa6: {  	s5 =	sand.u32 $0xFFFFFFFE, s1  }
0xa7: {  	p0 =	sne.s32 s1, s5  }
0xa8: {  	s5 =	sshll.u32 @p0 s5, $0xE  }
0xa9: {  	s5 =	sadd.s32 @p0 $0x11B8D, s5;
	s6 =	sshll.u32 @p0 s4, $0x11  }
0xaa: {  	s5 =	sor.u32 @p0 s6, s5  }
0xab: {  	[sflag:s5] =	ssyncadd.remote.s32 @p0 $0x1;
	_ =	sdelay $0x1  }
0xac: {  	s5 =	simm.s32 @p0 $0x1B8D  }
0xad: {  	_ =	swait.eq @p0 [sflag:s5], $0x1  }
0xae: {  	[sflag:s5] =	ssyncadd.s32 @p0 $0xFFFFFFFF  }
0xaf: {  	s6 =	sshll.u32 @!p0 s1, $0xE  }
0xb0: {  	s6 =	sor.u32 @!p0 $0x4000, s6;
	s5 =	simm.s32 @!p0 $0x1B8D  }
0xb1: {  	s4 =	sshll.u32 @!p0 s4, $0x11;
	s6 =	sadd.s32 @!p0 $0x11B8D, s6;
	_ =	swait.eq @!p0 [sflag:s5], $0x1  }
0xb2: {  	s4 =	sor.u32 @!p0 s4, s6;
	[sflag:s5] =	ssyncadd.s32 @!p0 $0xFFFFFFFF  }
0xb3: {  	s25 =	simm.s32 $0x1B8E;
	s24 =	sld [smem:$0x3FFE];
	[sflag:s4] =	ssyncadd.remote.s32 @!p0 $0x1  }
0xb4: {  	s26 =	simm.s32 $execute0_lowered;
	[smem:$0x3FD2] =	sst s25  }
0xb5: {  	s5 =	sshll.u32 s26, $0x1;
	_ =	strace $0x80000049;
	[dreg:$0x1] =	wrdreg $0xFFFFFFFF  }
0xb6: {  	s28 =	simm.s32 $_size_execute0_lowered;
	s3 =	sadd.s32 s3, s5;
	[dreg:$0x0] =	wrdreg $0x0  }
0xb7: {  	s5 =	sshll.u32 s28, $0x1;
	[dreg:$0x2] =	wrdreg s3  }
0xb8: {  	[dreg:$0x3] =	wrdreg s5  }
0xb9: {  	[dreg:$0x4] =	wrdreg $0xC0  }
0xba: {  	_ =	task [dreg:s22], $0x5FFFF  }
0xbb: {  	[dreg:$0x1] =	wrdreg $0xFFFFFFFF  }
0xbc: {  	[dreg:$0x0] =	wrdreg $0x60  }
0xbd: {  	[dreg:$0x2] =	wrdreg s24  }
0xbe: {  	[dreg:$0x3] =	wrdreg $0x60000  }
0xbf: {  	[dreg:$0x4] =	wrdreg $0x9  }
0xc0: {  	_ =	task.clear_ibuf [dreg:s22], $0x5FFFF;
	_ =	strace $0x90000049  }
0xc1: {  	s29 =	simm.s32 $0x9;
	_ =	strace $0x8000004B  }
0xc2: {  	_ =	swait.ge [sflag:s29], $0x1  }
0xc3: {  	[sflag:s29] =	ssyncadd.s32 $0xFFFFFFFF  }
0xc4: {  	_ =	strace $0x9000004B  }
0xc5: {  	_ =	sfence  }
0xc6: {  	s30 =	sld [smem:$0x0];
	_ =	sdelay $0x2  }
0xc7: {  	s31 =	sshll.u32 s1, $0xD;
	s1 =	sshrl.u32 s1, $0x2  }
0xc8: {  	s4 =	sand.u32 $0x4000, s31;
	s1 =	sadd.s32 s1, s30  }
0xc9: {  	s0 =	sor.u32 s4, s0;
	s1 =	sshll.u32 s1, $0x11  }
0xca: {  	s0 =	sor.u32 s1, s0  }
0xcb: {  	s0 =	sadd.s32 $0x8F2B, s0  }
0xcc: {  	[sflag:s0] =	ssyncadd.remote.s32 $0x1  }
0xcd: {  	_ =	sfence.sel $0xFFFF  }
0xce: {  	[dreg:$0x0] =	wrdreg $0xFFFFFFFF;
	(pc) =	sbr.abs _section_cstart, $3  }
0xcf: {  	[dreg:$0x1] =	wrdreg $0xFFFFFFFF  }
0xd0: {  	_ =	task.clear_ibuf [dreg:s22], $0x2FFFF;
	_ =	strace $0x9FFFFFFF  }
0xd1: {  	(tm) =	ssettm $0x7FFFFFFF  }
tec
execute0_lowered:
.L_overlay_start_1:
0x0: {  	(tag) =	ssettag $0x1  }
0x1: {  	s1 =	srdreg.scid  }
0x2: {  	s0 =	stileid.u32;
	s5 =	rddreg [dreg:$0x0]  }
0x3: {  	s2 =	rddreg [dreg:$0x1];
	s3 =	simm.s32 $0x0;
	s13 =	simm.s32 $0x2800  }
0x4: {  	s14 =	simm.s32 $0x1;
	s15 =	simm.s32 $0x70;
	s16 =	simm.s32 $0x2780  }
0x5: {  	s4 =	sand.u32 $0x1, s1;
	s28 =	sshll.u32 s0, $0x1;
	s8 =	smul.u32 $0x14000, s0  }
0x6: {  	[smem:$0x7FF] =	sst s3;
	s9 =	smul.u32 $0x50000, s0;
	s17 =	sshll.u32 s0, $0x6  }
0x7: {  	s1 =	sor.u32 s4, s28;
	s7 =	smul.u32 $0x140000, s4;
	s4 =	ssub.s32 $0x2, s4  }
0x8: {  	s17 =	sor.u32 $0x1C01, s17;
	s6 =	smul.u32 $0x4EC, s1;
	s1 =	rddreg [dreg:$0x2]  }
0x9: {  	_ =	strace $0x8000004A;
	s30 =	sshrl.u32 s4, $0x1;
	s31 =	sshrl.u32 s9, $0x2  }
0xa: {  	s29 =	sadd.s32 s8, s7;
	s12 =	ssub.s32 s4, s30;
	s4 =	sadd.s32 s31, s2  }
0xb: {  	s10 =	sadd.s32 s6, s5;
	s6 =	sshrl.u32 s29, $0x3;
	s7 =	sadd.s32 $0xA800, s4  }
0xc: {  	s8 =	sadd.s32 $0xE000, s4;
	s9 =	sadd.s32 $0x11800, s4;
	s12 =	smax.u32 s12, $0x1  }
0xd: {  	s18 =	sshrl.u32 s4, $0x3;
	s11 =	sadd.s32 s6, s5;
	s5 =	sadd.s32 $0x3800, s4  }
0xe: {  	v0 =	vimm.f32 $0.0e+00;
	v1 =	vimm.f32 $1.000000000e+00;
	s6 =	sadd.s32 $0x7000, s4;
	s10 =	sadd.s32 $0x34200, s10;
	s11 =	sadd.s32 $0x8E000, s11  }
.LBB2_1:
0xf: {  	s19 =	simm.s32 $0x0;
	s20 =	simm.s32 $0x200  }
.LBB2_2:
0x10: {  	p0 =	sne.s32 s20, $0xDE00;
	[tilespmem:s19+$0x2870] =	vst v0  }
0x11: {  	[tilespmem:s19+$0x2800] =	vst v0  }
0x12: {  	[tilespmem:s19+$0x2810] =	vst v0  }
.Ltmp0:
0x13: {  	[tilespmem:s19+$0x2820] =	vst v0;
	(pc) =	sbr.rel @p0 .LBB2_2-.Ltmp0, $4  }
0x14: {  	[tilespmem:s19+$0x2830] =	vst v0  }
0x15: {  	[tilespmem:s19+$0x2840] =	vst v0  }
0x16: {  	[tilespmem:s19+$0x2850] =	vst v0  }
0x17: {  	[tilespmem:s19+$0x2860] =	vst v0;
	s19 =	sshra.s32 s20, $0x2;
	s20 =	sadd.s32 $0x200, s20  }
0x18: {  	[tilespmem:s19+$0x2870] =	vst v0  }
0x19: {  	[tilespmem:s19+$0x2800] =	vst v0  }
0x1a: {  	[tilespmem:s19+$0x2810] =	vst v0  }
0x1b: {  	[tilespmem:s19+$0x2820] =	vst v0  }
0x1c: {  	[tilespmem:s19+$0x2830] =	vst v0  }
0x1d: {  	[tilespmem:s19+$0x2840] =	vst v0  }
0x1e: {  	[tilespmem:s19+$0x2850] =	vst v0  }
0x1f: {  	[tilespmem:s19+$0x2860] =	vst v0  }
0x20: {  	[spmem:s4] =	stream.linear.scatter [tilespmem:s13], [sflag:$0x1], $0x3800, $0x38;
	[tilespmem:$0x1A000] =	vst v63  }
0x21: {  	_ =	swait.ge [sflag:s14], $0x3800  }
0x22: {  	[sflag:s14] =	ssyncset.done $0x0  }
0x23: {  	[sflag:s14] =	ssyncadd.s32 $0xFFFFC800  }
0x24: {  	[spmem:s5] =	stream.linear.scatter [tilespmem:s13], [sflag:$0x1], $0x3800, $0x38;
	[tilespmem:$0x1A000] =	vst v63  }
0x25: {  	_ =	swait.ge [sflag:s14], $0x3800  }
0x26: {  	[sflag:s14] =	ssyncset.done $0x0  }
0x27: {  	[sflag:s14] =	ssyncadd.s32 $0xFFFFC800  }
0x28: {  	[spmem:s6] =	stream.linear.scatter [tilespmem:s13], [sflag:$0x1], $0x3800, $0x38;
	[tilespmem:$0x1A000] =	vst v63  }
0x29: {  	_ =	swait.ge [sflag:s14], $0x3800  }
0x2a: {  	[sflag:s14] =	ssyncset.done $0x0  }
0x2b: {  	[sflag:s14] =	ssyncadd.s32 $0xFFFFC800  }
0x2c: {  	[spmem:s7] =	stream.linear.scatter [tilespmem:s13], [sflag:$0x1], $0x3800, $0x38;
	[tilespmem:$0x1A000] =	vst v63  }
0x2d: {  	_ =	swait.ge [sflag:s14], $0x3800  }
0x2e: {  	[sflag:s14] =	ssyncset.done $0x0  }
0x2f: {  	[sflag:s14] =	ssyncadd.s32 $0xFFFFC800  }
0x30: {  	[spmem:s8] =	stream.linear.scatter [tilespmem:s13], [sflag:$0x1], $0x3800, $0x38;
	[tilespmem:$0x1A000] =	vst v63  }
0x31: {  	_ =	swait.ge [sflag:s14], $0x3800  }
0x32: {  	[sflag:s14] =	ssyncset.done $0x0  }
0x33: {  	[sflag:s14] =	ssyncadd.s32 $0xFFFFC800  }
0x34: {  	[spmem:s9] =	stream.linear.scatter [tilespmem:s13], [sflag:$0x1], $0x2800, $0x38;
	[tilespmem:$0x1A000] =	vst v63  }
0x35: {  	_ =	swait.ge [sflag:s14], $0x2800  }
0x36: {  	[sflag:s14] =	ssyncset.done $0x0  }
0x37: {  	s19 =	simm.s32 $0x0;
	s20 =	simm.s32 $0x200;
	[sflag:s14] =	ssyncadd.s32 $0xFFFFD800  }
.LBB2_4:
0x38: {  	p0 =	sne.s32 s20, $0xDE00;
	[tilespmem:s19+$0x2870] =	vst v1  }
0x39: {  	[tilespmem:s19+$0x2800] =	vst v1  }
0x3a: {  	[tilespmem:s19+$0x2810] =	vst v1  }
.Ltmp1:
0x3b: {  	[tilespmem:s19+$0x2820] =	vst v1;
	(pc) =	sbr.rel @p0 .LBB2_4-.Ltmp1, $4  }
0x3c: {  	[tilespmem:s19+$0x2830] =	vst v1  }
0x3d: {  	[tilespmem:s19+$0x2840] =	vst v1  }
0x3e: {  	[tilespmem:s19+$0x2850] =	vst v1  }
0x3f: {  	[tilespmem:s19+$0x2860] =	vst v1;
	s19 =	sshra.s32 s20, $0x2;
	s20 =	sadd.s32 $0x200, s20  }
0x40: {  	[tilespmem:s19+$0x2870] =	vst v1  }
0x41: {  	[tilespmem:s19+$0x2800] =	vst v1  }
0x42: {  	[tilespmem:s19+$0x2810] =	vst v1  }
0x43: {  	[tilespmem:s19+$0x2820] =	vst v1  }
0x44: {  	[tilespmem:s19+$0x2830] =	vst v1  }
0x45: {  	[tilespmem:s19+$0x2840] =	vst v1  }
0x46: {  	[tilespmem:s19+$0x2850] =	vst v1  }
0x47: {  	[tilespmem:s19+$0x2860] =	vst v1;
	s30 =	simm.s32 $0x0  }
0x48: {  	[tilespmem:s30], [sflag:$0x1] =	stream.linear.gather [hbm4b:s10+s30], $0x2760, $0x38;
	[tilespmem:$0x1A000] =	vst v63  }
0x49: {  	_ =	swait.ge [sflag:s14], $0x2760  }
0x4a: {  	[sflag:s14] =	ssyncset.done $0x0  }
0x4b: {  	[sflag:s14] =	ssyncadd.s32 $0xFFFFD8A0  }
0x4c: {  	s31 =	simm.s32 $0x0;
	[bflag:$0x0] =	sbarrier.arrive $0xFFFF  }
0x4d: {  	v2 =	vld [tilespmem:s31+$0x0];
	_ =	sdelay $0x4  }
0x4e: {  	[tilespmem:$0x2780] =	vst v2  }
0x4f: {  	v2 =	vld [tilespmem:s31+$0x10];
	_ =	sdelay $0x4  }
0x50: {  	[tilespmem:$0x2790] =	vst v2  }
0x51: {  	v2 =	vld [tilespmem:s31+$0x20];
	_ =	sdelay $0x4  }
0x52: {  	[tilespmem:$0x27A0] =	vst v2  }
0x53: {  	v2 =	vld [tilespmem:s31+$0x30];
	_ =	sdelay $0x4  }
0x54: {  	[tilespmem:$0x27B0] =	vst v2  }
0x55: {  	v2 =	vld [tilespmem:s31+$0x40];
	_ =	sdelay $0x4  }
0x56: {  	[tilespmem:$0x27C0] =	vst v2  }
0x57: {  	v2 =	vld [tilespmem:s31+$0x50];
	_ =	sdelay $0x4  }
0x58: {  	[tilespmem:$0x27D0] =	vst v2  }
0x59: {  	v2 =	vld [tilespmem:s31+$0x60];
	_ =	sdelay $0x4  }
0x5a: {  	[tilespmem:$0x27E0] =	vst v2  }
0x5b: {  	[spmem:s2] =	stream.indirect.scatter.add.f32 [tilespmem:s13], [sflag:$0x1], $0x80, s16, s15, $0xb8;
	[tilespmem:$0x1A000] =	vst v63  }
0x5c: {  	_ =	swait.ge [sflag:s14], $0x3800  }
0x5d: {  	s19 =	simm.s32 $0x1C0;
	s21 =	simm.s32 $0x380;
	[sflag:s14] =	ssyncset.done $0x0  }
.LBB2_6:
0x5e: {  	s22 =	sshra.s32 s19, $0x2  }
0x5f: {  	[sflag:s14] =	ssyncadd.s32 $0xFFFFC800;
	s19 =	smov.u32 s21;
	s20 =	sadd.s32 $0x1C0, s21  }
0x60: {  	p0 =	sne.s32 s21, $0x9BC0;
	v2 =	vld [tilespmem:s22+$0x0];
	_ =	sdelay $0x4  }
0x61: {  	[tilespmem:$0x2780] =	vst v2  }
0x62: {  	v2 =	vld [tilespmem:s22+$0x10];
	_ =	sdelay $0x4  }
0x63: {  	[tilespmem:$0x2790] =	vst v2  }
0x64: {  	v2 =	vld [tilespmem:s22+$0x20];
	_ =	sdelay $0x4  }
0x65: {  	[tilespmem:$0x27A0] =	vst v2  }
0x66: {  	v2 =	vld [tilespmem:s22+$0x30];
	_ =	sdelay $0x4  }
0x67: {  	[tilespmem:$0x27B0] =	vst v2  }
0x68: {  	v2 =	vld [tilespmem:s22+$0x40];
	_ =	sdelay $0x4  }
0x69: {  	[tilespmem:$0x27C0] =	vst v2  }
0x6a: {  	v2 =	vld [tilespmem:s22+$0x50];
	_ =	sdelay $0x4  }
0x6b: {  	[tilespmem:$0x27D0] =	vst v2  }
0x6c: {  	v2 =	vld [tilespmem:s22+$0x60];
	_ =	sdelay $0x3  }
.Ltmp2:
0x6d: {  	(pc) =	sbr.rel @p0 .LBB2_6-.Ltmp2, $4  }
0x6e: {  	[tilespmem:$0x27E0] =	vst v2  }
0x6f: {  	[spmem:s2] =	stream.indirect.scatter.add.f32 [tilespmem:s13], [sflag:$0x1], $0x80, s16, s15, $0xb8;
	[tilespmem:$0x1A000] =	vst v63  }
0x70: {  	_ =	swait.ge [sflag:s14], $0x3800  }
0x71: {  	s21 =	smov.u32 s20;
	[sflag:s14] =	ssyncset.done $0x0  }
0x72: {  	s19 =	sshra.s32 s19, $0x2;
	[sflag:s14] =	ssyncadd.s32 $0xFFFFC800  }
0x73: {  	v2 =	vld [tilespmem:s19+$0x0];
	_ =	sdelay $0x4  }
0x74: {  	[tilespmem:$0x2780] =	vst v2  }
0x75: {  	v2 =	vld [tilespmem:s19+$0x10];
	_ =	sdelay $0x4  }
0x76: {  	[tilespmem:$0x2790] =	vst v2  }
0x77: {  	v2 =	vld [tilespmem:s19+$0x20];
	_ =	sdelay $0x4  }
0x78: {  	[tilespmem:$0x27A0] =	vst v2  }
0x79: {  	v2 =	vld [tilespmem:s19+$0x30];
	_ =	sdelay $0x4  }
0x7a: {  	[tilespmem:$0x27B0] =	vst v2  }
0x7b: {  	v2 =	vld [tilespmem:s19+$0x40];
	_ =	sdelay $0x4  }
0x7c: {  	[tilespmem:$0x27C0] =	vst v2  }
0x7d: {  	v2 =	vld [tilespmem:s19+$0x50];
	_ =	sdelay $0x4  }
0x7e: {  	[tilespmem:$0x27D0] =	vst v2  }
0x7f: {  	v2 =	vld [tilespmem:s19+$0x60];
	_ =	sdelay $0x4  }
0x80: {  	[tilespmem:$0x27E0] =	vst v2  }
0x81: {  	[spmem:s2] =	stream.indirect.scatter.add.f32 [tilespmem:s13], [sflag:$0x1], $0x80, s16, s15, $0xb8;
	[tilespmem:$0x1A000] =	vst v63  }
0x82: {  	_ =	swait.ge [sflag:s14], $0x3800  }
0x83: {  	s3 =	sadd.s32 $0x1, s3;
	[sflag:s14] =	ssyncset.done $0x0  }
0x84: {  	p0 =	sne.s32 s3, s12;
	[sflag:s14] =	ssyncadd.s32 $0xFFFFC800  }
.Ltmp3:
0x85: {  	[bflag:$0x0] =	sbarrier.arrive $0xFFFF;
	(pc) =	sbr.rel @p0 .LBB2_1-.Ltmp3, $4  }
0x86: {  	[hbm:s11], [sflag:s17] =	dma.local [spmem:s18], $0x2800  }
0x87: {  	_ =	swait.ge [sflag:s14], $0x2800  }
0x88: {  	[sflag:s14] =	ssyncset.done $0x0  }
0x89: {  	[sflag:s14] =	ssyncadd.s32 $0xFFFFD800  }
0x8a: {  	_ =	sfence.sel $0x180000  }
0x8b: {  	[bflag:$0x0] =	sbarrier.arrive $0xFFFF  }
0x8c: {  	p0 =	sne.s32 s0, $0x0;
	_ =	strace $0x9000004A  }
0x8d: {  	s0 =	sadd.s32 @!p0 $0x100000, s1;
	[bflag:$0x2] =	sbarrier.arrive $0xFFFF  }
0x8e: {  	[sflag:s0] =	ssyncadd.tile.s32 @!p0 $0x1;
	_ =	shalt  }
.Lfunc_end2:
_tile_overlayer_lowered:
.L_overlay_start_2:
0x8f: {  	(tag) =	ssettag $0x2  }
0x90: {  	s0 =	rddreg [dreg:$0x0];
	s2 =	stileid.u32  }
0x91: {  	s1 =	rddreg [dreg:$0x1];
	p0 =	sne.s32 s2, $0x0  }
0x92: {  	s3 =	rddreg [dreg:$0x2];
	[bflag:$0x3] =	sbarrier.arrive $0xFFFF;
	s2 =	simm.s32 @!p0 $0x1C01  }
0x93: {  	[timem:s3], [sflag:s2] =	dma.local @!p0 [hbm:s0], s1  }
0x94: {  	s0 =	simm.s32 @!p0 $0x1  }
0x95: {  	_ =	swait.ge @!p0 [sflag:s0], s1  }
0x96: {  	s1 =	ssub.s32 @!p0 $0x0, s1;
	[sflag:s0] =	ssyncset.done @!p0 $0x0  }
0x97: {  	[sflag:s0] =	ssyncadd.s32 @!p0 s1  }
0x98: {  	[bflag:$0x3] =	sbarrier.arrive $0xFFFF  }
0x99: {  	_ =	shalt  }

</sc_bundles>
